<compile_context>
chip_gen: v7x
topology: tpu7x:2x2x1
jax: 0.10.2.dev20260603
libtpu: 0.0.44.dev20260713+nightly
codegen_flags: <defaults>
</compile_context>

<pallas_src>
import jax
import jax.numpy as jnp
from jax import lax
from jax.experimental import pallas as pl
from jax.experimental.pallas import tpu as pltpu
from jax.experimental.pallas import tpu_sc as plsc

N = 10000
E = 160000
D = 256
HALF = 128
NC = 2
NS = 16
LANES = 16
CH = 128
SUBC = 8
SUP = 10
CHUNKS = SUP * SUBC
E_PAD = NS * CHUNKS * CH
CCH = E_PAD // (NC * NS * CH)
N_PAD = 10112
ROWS_PER_TILE = N_PAD // NS
BN = 400
GRID = N // BN

_MESH = dict(core_axis_name="c", subcore_axis_name="s")


def _zero_vmem(ref, rows, cols):
    zv = jnp.zeros((LANES,), jnp.float32)

    def zrow(i, _):
        def zcol(j, _):
            ref[i, pl.ds(j * LANES, LANES)] = zv
            return 0
        return lax.fori_loop(0, cols // LANES, zcol, 0)
    lax.fori_loop(0, rows, zrow, 0)


def _zero_shared_rows(shared, zsrc, base, rows, chunk_rows):
    full = rows // chunk_rows
    tail = rows % chunk_rows
    for k in range(full):
        pltpu.sync_copy(zsrc, shared.at[pl.ds(base + k * chunk_rows,
                                              chunk_rows)])
    if tail:
        pltpu.sync_copy(zsrc.at[pl.ds(0, tail)],
                        shared.at[pl.ds(base + full * chunk_rows, tail)])


def _sc_agg_body(x_hbm, src_hbm, dst_hbm, sum_hbm,
                 acc, src_b, dst_b, gb0, gb1, gs0, gs1, ss0, ss1):
    c = lax.axis_index("c")
    s = lax.axis_index("s")
    gb = (gb0, gb1)
    gs = (gs0, gs1)
    ss = (ss0, ss1)

    _zero_vmem(gb0, CH, HALF)
    base = s * ROWS_PER_TILE
    _zero_shared_rows(acc, gb0, base, ROWS_PER_TILE, CH)

    offv = jnp.broadcast_to(c, (LANES,)).astype(jnp.int32)
    plsc.subcore_barrier()

    def sup(g, _):
        pltpu.sync_copy(src_hbm.at[s * SUP + g], src_b)
        pltpu.sync_copy(dst_hbm.at[s * SUP + g], dst_b)

        def orow(i, _):
            def ocol(j, _):
                sl = pl.ds(j * LANES, LANES)
                src_b[i, sl] = src_b[i, sl] + src_b[i, sl] + offv
                return 0
            return lax.fori_loop(0, CH // LANES, ocol, 0)
        lax.fori_loop(0, SUBC, orow, 0)

        HC = CH // 2

        def fire_gather(j, b):
            d0 = pltpu.async_copy(x_hbm.at[src_b.at[j, pl.ds(0, HC)]],
                                  gb[b].at[pl.ds(0, HC)], gs[b])
            d1 = pltpu.async_copy(x_hbm.at[src_b.at[j, pl.ds(HC, HC)]],
                                  gb[b].at[pl.ds(HC, HC)], gs[b])
            return (d0, d1)

        gathers = [None, None]
        scatters = [None, None]
        gathers[0] = fire_gather(0, 0)
        for j in range(SUBC):
            b = j % 2
            nb = (j + 1) % 2
            if j + 1 < SUBC:
                if scatters[nb] is not None:
                    scatters[nb].wait()
                    scatters[nb] = None
                gathers[nb] = fire_gather(j + 1, nb)
            for d in gathers[b]:
                d.wait()
            scatters[b] = pltpu.async_copy(
                gb[b], acc.at[dst_b.at[j]], ss[b], add=True)
        for b in range(2):
            if scatters[b] is not None:
                scatters[b].wait()
        return 0
    lax.fori_loop(0, SUP, sup, 0)

    plsc.subcore_barrier()
    pltpu.sync_copy(acc.at[pl.ds(base, ROWS_PER_TILE)],
                    sum_hbm.at[pl.ds(c * N_PAD + base, ROWS_PER_TILE)])


_sc_agg = pl.kernel(
    _sc_agg_body,
    out_type=jax.ShapeDtypeStruct((NC * N_PAD, HALF), jnp.float32),
    mesh=plsc.VectorSubcoreMesh(**_MESH),
    scratch_types=[
        pltpu.VMEM_SHARED((N_PAD, HALF), jnp.float32),
        pltpu.VMEM((SUBC, CH), jnp.int32),
        pltpu.VMEM((SUBC, CH), jnp.int32),
        pltpu.VMEM((CH, HALF), jnp.float32),
        pltpu.VMEM((CH, HALF), jnp.float32),
        pltpu.SemaphoreType.DMA,
        pltpu.SemaphoreType.DMA,
        pltpu.SemaphoreType.DMA,
        pltpu.SemaphoreType.DMA,
    ],
)


def _sc_counts_body(dst_hbm, cnt_hbm, cacc, dst_v, zb, ones_v):
    c = lax.axis_index("c")
    s = lax.axis_index("s")

    pltpu.sync_copy(dst_hbm.at[c, s], dst_v)
    _zero_vmem(zb, CH, HALF)
    ov = jnp.full((LANES,), 1.0, jnp.float32)

    def orow(i, _):
        def ocol(j, _):
            ones_v[i, pl.ds(j * LANES, LANES)] = ov
            return 0
        return lax.fori_loop(0, HALF // LANES, ocol, 0)
    lax.fori_loop(0, CH, orow, 0)

    base = s * ROWS_PER_TILE
    _zero_shared_rows(cacc, zb, base, ROWS_PER_TILE, CH)
    plsc.subcore_barrier()

    def chunk(j, _):
        pltpu.sync_copy(ones_v, cacc.at[dst_v.at[j]], add=True)
        return 0
    lax.fori_loop(0, CCH, chunk, 0)

    plsc.subcore_barrier()
    pltpu.sync_copy(cacc.at[pl.ds(base, ROWS_PER_TILE)],
                    cnt_hbm.at[pl.ds(c * N_PAD + base, ROWS_PER_TILE)])


_sc_counts = pl.kernel(
    _sc_counts_body,
    out_type=jax.ShapeDtypeStruct((NC * N_PAD, HALF), jnp.float32),
    mesh=plsc.VectorSubcoreMesh(**_MESH),
    scratch_types=[
        pltpu.VMEM_SHARED((N_PAD, HALF), jnp.float32),
        pltpu.VMEM((CCH, CH), jnp.int32),
        pltpu.VMEM((CH, HALF), jnp.float32),
        pltpu.VMEM((CH, HALF), jnp.float32),
    ],
)


def _dense_body(relu):
    def body(s_ref, x_ref, cnt_ref, wl_ref, wr_ref, b_ref, o_ref):
        cnt = cnt_ref[0][:, 0:1] + cnt_ref[1][:, 0:1]
        inv = 1.0 / jnp.maximum(cnt, 1.0)
        m = jnp.concatenate([s_ref[0], s_ref[1]], axis=1) * inv
        acc = jnp.dot(m, wl_ref[...], preferred_element_type=jnp.float32)
        acc = acc + jnp.dot(x_ref[...], wr_ref[...],
                            preferred_element_type=jnp.float32)
        acc = acc + b_ref[...]
        if relu:
            acc = jnp.maximum(acc, 0.0)
        o_ref[...] = acc
    return body


def _dense_call(s, xin, cnt, wlT, wrT, b, relu):
    in_specs = [
        pl.BlockSpec((NC, BN, HALF), lambda i: (0, i, 0)),
        pl.BlockSpec((BN, D), lambda i: (i, 0)),
        pl.BlockSpec((NC, BN, 8), lambda i: (0, i, 0)),
        pl.BlockSpec((D, D), lambda i: (0, 0)),
        pl.BlockSpec((D, D), lambda i: (0, 0)),
        pl.BlockSpec((1, D), lambda i: (0, 0)),
    ]
    return pl.pallas_call(
        _dense_body(relu),
        grid=(GRID,),
        in_specs=in_specs,
        out_specs=pl.BlockSpec((BN, D), lambda i: (i, 0)),
        out_shape=jax.ShapeDtypeStruct((N, D), jnp.float32),
    )(s, xin, cnt, wlT, wrT, b)


def kernel(x, edge_index, W1l, b1l, W1r, W2l, b2l, W2r):
    src = edge_index[0].astype(jnp.int32)
    dst = edge_index[1].astype(jnp.int32)
    padn = E_PAD - E
    src_p = jnp.concatenate(
        [src, jnp.zeros((padn,), jnp.int32)]).reshape(NS * SUP, SUBC, CH)
    dst_flat = jnp.concatenate([dst, jnp.full((padn,), N, jnp.int32)])
    dst_p = dst_flat.reshape(NS * SUP, SUBC, CH)
    dst_c = dst_flat.reshape(NC, NS, CCH, CH)

    x_tab = x.reshape(NC * N, HALF)

    cnt = _sc_counts(dst_c).reshape(NC, N_PAD, HALF)[:, :, :8]
    sum1 = _sc_agg(x_tab, src_p, dst_p).reshape(NC, N_PAD, HALF)
    h = _dense_call(sum1, x, cnt, W1l.T, W1r.T, b1l.reshape(1, D), True)

    sum2 = _sc_agg(h.reshape(NC * N, HALF), src_p, dst_p).reshape(
        NC, N_PAD, HALF)
    out = _dense_call(sum2, h, cnt, W2l.T, W2r.T, b2l.reshape(1, D), False)
    return out

# --- scband reference (transcript-rebuilt; emitter-appended) ---
"""Pipeline reference for scband-gnn-23802708754618 (READ-ONLY COPY).

The authoritative reference and input builder live on the scoring server;
editing this copy changes nothing except your own understanding.
"""

import jax, jax.numpy as jnp
import numpy as np

N_NODES = 10000
N_EDGES = 160000
D_IN = 256
D_HID = 256
D_OUT = 256


def _glorot(key, shape):
    fan_in, fan_out = shape[1], shape[0]
    limit = jnp.sqrt(6.0 / (fan_in + fan_out))
    return jax.random.uniform(key, shape, minval=-limit, maxval=limit, dtype=jnp.float32)


def setup_inputs(seed: int = 0) -> dict:
    key = jax.random.key(seed)
    ks = jax.random.split(key, 8)
    x = jax.random.normal(ks[0], (N_NODES, D_IN), dtype=jnp.float32)
    edge_index = jax.random.randint(ks[1], (2, N_EDGES), 0, N_NODES, dtype=jnp.int64)
    # Layer 1 SAGEConv params: lin_l (neighbor, with bias), lin_r (root, no bias)
    W1l = _glorot(ks[2], (D_HID, D_IN))
    b1l = jnp.zeros((D_HID,), dtype=jnp.float32)
    W1r = _glorot(ks[3], (D_HID, D_IN))
    # Layer 2 SAGEConv params
    W2l = _glorot(ks[4], (D_OUT, D_HID))
    b2l = jnp.zeros((D_OUT,), dtype=jnp.float32)
    W2r = _glorot(ks[5], (D_OUT, D_HID))
    return {"x": x, "edge_index": edge_index, "W1l": W1l, "b1l": b1l, "W1r": W1r,
            "W2l": W2l, "b2l": b2l, "W2r": W2r}


def _sage_conv(x, src, dst, Wl, bl, Wr, num_nodes):
    # PyG SAGEConv (aggr='mean', normalize=False):
    #   out = lin_l(mean_{j in N(i)} x_j) + lin_r(x_i)
    msgs = jnp.take(x, src, axis=0)                       # gather  [E, d]
    summed = jax.ops.segment_sum(msgs, dst, num_segments=num_nodes)   # scatter-add
    counts = jax.ops.segment_sum(jnp.ones((src.shape[0],), dtype=x.dtype), dst,
                                 num_segments=num_nodes)
    mean = summed / jnp.clip(counts, 1.0, None)[:, None]
    return mean @ Wl.T + bl + x @ Wr.T


def reference(x, edge_index, W1l, b1l, W1r, W2l, b2l, W2r):
    src = edge_index[0]
    dst = edge_index[1]
    n = x.shape[0]
    h = _sage_conv(x, src, dst, W1l, b1l, W1r, n)
    h = jax.nn.relu(h)
    # dropout p=0.0 (and eval-mode semantics) -> identity
    out = _sage_conv(h, src, dst, W2l, b2l, W2r, n)
    return out

if __name__ == "__main__":
    import jax
    _d = setup_inputs()
    print(jax.jit(kernel)(*tuple(_d.values())))

</pallas_src>

<mosaic_0001>
#map = affine_map<(d0, d1) -> (0, 0)>
#map1 = affine_map<(d0, d1) -> (0, 0, 0)>
module attributes {stable_mosaic.version = 14 : i64} {
  func.func @_sc_agg_body(%arg0: i32, %arg1: i32, %arg2: memref<20000x128xf32, #tpu.memory_space<hbm>>, %arg3: memref<160x8x128xi32, #tpu.memory_space<hbm>>, %arg4: memref<160x8x128xi32, #tpu.memory_space<hbm>>, %arg5: memref<20224x128xf32, #tpu.memory_space<hbm>>, %arg6: memref<10112x128xf32, #tpu.memory_space<vmem_shared>>, %arg7: memref<8x128xi32, #tpu.memory_space<vmem>>, %arg8: memref<8x128xi32, #tpu.memory_space<vmem>>, %arg9: memref<128x128xf32, #tpu.memory_space<vmem>>, %arg10: memref<128x128xf32, #tpu.memory_space<vmem>>, %arg11: memref<!tpu.dma_semaphore, #tpu.memory_space<semaphore_mem>>, %arg12: memref<!tpu.dma_semaphore, #tpu.memory_space<semaphore_mem>>, %arg13: memref<!tpu.dma_semaphore, #tpu.memory_space<semaphore_mem>>, %arg14: memref<!tpu.dma_semaphore, #tpu.memory_space<semaphore_mem>>) attributes {dimension_semantics = [#tpu.dimension_semantics<core_parallel>, #tpu.dimension_semantics<subcore_parallel>], iteration_bounds = array<i64: 2, 16>, scalar_prefetch = 0 : i64, scratch_operands = 9 : i64, tpu.core_type = #tpu.core_type<sc_vector_subcore>, window_params = [{transform_indices = #map}, {transform_indices = #map1}, {transform_indices = #map1}, {transform_indices = #map}]} {
    %broadcast_in_dim3A = arith.constant 0.000000e+00 : f32
    %broadcast_in_dim3A_0 = vector.broadcast %broadcast_in_dim3A : f32 to vector<16xf32>
    %scan3A = arith.constant 0 : i32
    %scan3A_1 = arith.constant 0 : i32
    %scan3A_2 = arith.constant 128 : i32
    %scan3A_3 = arith.addi %scan3A_1, %scan3A_2 : i32
    %scan3A_4 = arith.constant 1 : i32
    %scan3A_5 = scf.for %scan3A_29 = %scan3A_1 to %scan3A_3 step %scan3A_4 iter_args(%scan3A_30 = %scan3A) -> (i32)  : i32 {
      %scan3A_31 = arith.constant 0 : i32
      %scan3A_32 = arith.constant 0 : i32
      %scan3A_33 = arith.constant 8 : i32
      %scan3A_34 = arith.addi %scan3A_32, %scan3A_33 : i32
      %scan3A_35 = arith.constant 1 : i32
      %scan3A_36 = scf.for %scan3A_38 = %scan3A_32 to %scan3A_34 step %scan3A_35 iter_args(%scan3A_39 = %scan3A_31) -> (i32)  : i32 {
        %mul3A_40 = arith.constant 16 : i32
        %mul3A_41 = arith.muli %scan3A_38, %mul3A_40 : i32
        %swap3A = arith.index_cast %scan3A_29 : i32 to index
        %swap3A_42 = arith.index_cast %mul3A_41 : i32 to index
        %swap3A_43 = tpu.vector_load %arg9[%swap3A, %swap3A_42] {strides = array<i32>} : memref<128x128xf32, #tpu.memory_space<vmem>>, vector<1x16xf32>,
        %swap3A_44 = vector.shape_cast %swap3A_43 : vector<1x16xf32> to vector<16xf32>
        %swap3A_45 = vector.shape_cast %broadcast_in_dim3A_0 : vector<16xf32> to vector<1x16xf32>
        tpu.vector_store %arg9[%swap3A, %swap3A_42], %swap3A_45 {strides = array<i32>} : memref<128x128xf32, #tpu.memory_space<vmem>>, vector<1x16xf32>,
        %scan3A_46 = arith.constant 0 : i32
        scf.yield %scan3A_46 : i32
      }
      %scan3A_37 = arith.constant 8 : i32
      scf.yield %scan3A_36 : i32
    }
    %scan3A_6 = arith.constant 128 : i32
    %mul3A = arith.constant 632 : i32
    %mul3A_7 = arith.muli %arg1, %mul3A : i32
    %add3A = arith.constant 0 : i32
    %add3A_8 = arith.addi %mul3A_7, %add3A : i32
    "tpu.region"() ({
      %run_scoped3A = tpu.sem_alloc : memref<!tpu.dma_semaphore, #tpu.memory_space<semaphore_mem>>
      %dma_start3A = arith.constant 0 : i32
      %dma_start3A_29 = tpu.memref_slice %arg6[%add3A_8, %dma_start3A] : memref<10112x128xf32, #tpu.memory_space<vmem_shared>> -> memref<128x128xf32, #tpu.memory_space<vmem_shared>>
      %dma_start3A_30 = arith.constant 0 : i32
      %dma_start3A_31 = tpu.memref_slice %arg6[%add3A_8, %dma_start3A_30] : memref<10112x128xf32, #tpu.memory_space<vmem_shared>> -> memref<128x128xf32, #tpu.memory_space<vmem_shared>>
      tpu.enqueue_dma source(%arg9 : memref<128x128xf32, #tpu.memory_space<vmem>>) target(%dma_start3A_31 : memref<128x128xf32, #tpu.memory_space<vmem_shared>>) target_semaphore(%run_scoped3A : memref<!tpu.dma_semaphore, #tpu.memory_space<semaphore_mem>>)
      %dma_wait3A = arith.constant 0 : i32
      %dma_wait3A_32 = tpu.memref_slice %arg6[%add3A_8, %dma_wait3A] : memref<10112x128xf32, #tpu.memory_space<vmem_shared>> -> memref<128x128xf32, #tpu.memory_space<vmem_shared>>
      %dma_wait3A_33 = arith.constant 0 : i32
      %dma_wait3A_34 = tpu.memref_slice %arg6[%add3A_8, %dma_wait3A_33] : memref<10112x128xf32, #tpu.memory_space<vmem_shared>> -> memref<128x128xf32, #tpu.memory_space<vmem_shared>>
      tpu.wait_dma2 semaphore(%run_scoped3A : memref<!tpu.dma_semaphore, #tpu.memory_space<semaphore_mem>>) src(%arg9 : memref<128x128xf32, #tpu.memory_space<vmem>>) dst(%dma_wait3A_34 : memref<128x128xf32, #tpu.memory_space<vmem_shared>>)
      tpu.yield
    }) : () -> ()
    %add3A_9 = arith.constant 128 : i32
    %add3A_10 = arith.addi %mul3A_7, %add3A_9 : i32
    "tpu.region"() ({
      %run_scoped3A = tpu.sem_alloc : memref<!tpu.dma_semaphore, #tpu.memory_space<semaphore_mem>>
      %dma_start3A = arith.constant 0 : i32
      %dma_start3A_29 = tpu.memref_slice %arg6[%add3A_10, %dma_start3A] : memref<10112x128xf32, #tpu.memory_space<vmem_shared>> -> memref<128x128xf32, #tpu.memory_space<vmem_shared>>
      %dma_start3A_30 = arith.constant 0 : i32
      %dma_start3A_31 = tpu.memref_slice %arg6[%add3A_10, %dma_start3A_30] : memref<10112x128xf32, #tpu.memory_space<vmem_shared>> -> memref<128x128xf32, #tpu.memory_space<vmem_shared>>
      tpu.enqueue_dma source(%arg9 : memref<128x128xf32, #tpu.memory_space<vmem>>) target(%dma_start3A_31 : memref<128x128xf32, #tpu.memory_space<vmem_shared>>) target_semaphore(%run_scoped3A : memref<!tpu.dma_semaphore, #tpu.memory_space<semaphore_mem>>)
      %dma_wait3A = arith.constant 0 : i32
      %dma_wait3A_32 = tpu.memref_slice %arg6[%add3A_10, %dma_wait3A] : memref<10112x128xf32, #tpu.memory_space<vmem_shared>> -> memref<128x128xf32, #tpu.memory_space<vmem_shared>>
      %dma_wait3A_33 = arith.constant 0 : i32
      %dma_wait3A_34 = tpu.memref_slice %arg6[%add3A_10, %dma_wait3A_33] : memref<10112x128xf32, #tpu.memory_space<vmem_shared>> -> memref<128x128xf32, #tpu.memory_space<vmem_shared>>
      tpu.wait_dma2 semaphore(%run_scoped3A : memref<!tpu.dma_semaphore, #tpu.memory_space<semaphore_mem>>) src(%arg9 : memref<128x128xf32, #tpu.memory_space<vmem>>) dst(%dma_wait3A_34 : memref<128x128xf32, #tpu.memory_space<vmem_shared>>)
      tpu.yield
    }) : () -> ()
    %add3A_11 = arith.constant 256 : i32
    %add3A_12 = arith.addi %mul3A_7, %add3A_11 : i32
    "tpu.region"() ({
      %run_scoped3A = tpu.sem_alloc : memref<!tpu.dma_semaphore, #tpu.memory_space<semaphore_mem>>
      %dma_start3A = arith.constant 0 : i32
      %dma_start3A_29 = tpu.memref_slice %arg6[%add3A_12, %dma_start3A] : memref<10112x128xf32, #tpu.memory_space<vmem_shared>> -> memref<128x128xf32, #tpu.memory_space<vmem_shared>>
      %dma_start3A_30 = arith.constant 0 : i32
      %dma_start3A_31 = tpu.memref_slice %arg6[%add3A_12, %dma_start3A_30] : memref<10112x128xf32, #tpu.memory_space<vmem_shared>> -> memref<128x128xf32, #tpu.memory_space<vmem_shared>>
      tpu.enqueue_dma source(%arg9 : memref<128x128xf32, #tpu.memory_space<vmem>>) target(%dma_start3A_31 : memref<128x128xf32, #tpu.memory_space<vmem_shared>>) target_semaphore(%run_scoped3A : memref<!tpu.dma_semaphore, #tpu.memory_space<semaphore_mem>>)
      %dma_wait3A = arith.constant 0 : i32
      %dma_wait3A_32 = tpu.memref_slice %arg6[%add3A_12, %dma_wait3A] : memref<10112x128xf32, #tpu.memory_space<vmem_shared>> -> memref<128x128xf32, #tpu.memory_space<vmem_shared>>
      %dma_wait3A_33 = arith.constant 0 : i32
      %dma_wait3A_34 = tpu.memref_slice %arg6[%add3A_12, %dma_wait3A_33] : memref<10112x128xf32, #tpu.memory_space<vmem_shared>> -> memref<128x128xf32, #tpu.memory_space<vmem_shared>>
      tpu.wait_dma2 semaphore(%run_scoped3A : memref<!tpu.dma_semaphore, #tpu.memory_space<semaphore_mem>>) src(%arg9 : memref<128x128xf32, #tpu.memory_space<vmem>>) dst(%dma_wait3A_34 : memref<128x128xf32, #tpu.memory_space<vmem_shared>>)
      tpu.yield
    }) : () -> ()
    %add3A_13 = arith.constant 384 : i32
    %add3A_14 = arith.addi %mul3A_7, %add3A_13 : i32
    "tpu.region"() ({
      %run_scoped3A = tpu.sem_alloc : memref<!tpu.dma_semaphore, #tpu.memory_space<semaphore_mem>>
      %dma_start3A = arith.constant 0 : i32
      %dma_start3A_29 = tpu.memref_slice %arg6[%add3A_14, %dma_start3A] : memref<10112x128xf32, #tpu.memory_space<vmem_shared>> -> memref<128x128xf32, #tpu.memory_space<vmem_shared>>
      %dma_start3A_30 = arith.constant 0 : i32
      %dma_start3A_31 = tpu.memref_slice %arg6[%add3A_14, %dma_start3A_30] : memref<10112x128xf32, #tpu.memory_space<vmem_shared>> -> memref<128x128xf32, #tpu.memory_space<vmem_shared>>
      tpu.enqueue_dma source(%arg9 : memref<128x128xf32, #tpu.memory_space<vmem>>) target(%dma_start3A_31 : memref<128x128xf32, #tpu.memory_space<vmem_shared>>) target_semaphore(%run_scoped3A : memref<!tpu.dma_semaphore, #tpu.memory_space<semaphore_mem>>)
      %dma_wait3A = arith.constant 0 : i32
      %dma_wait3A_32 = tpu.memref_slice %arg6[%add3A_14, %dma_wait3A] : memref<10112x128xf32, #tpu.memory_space<vmem_shared>> -> memref<128x128xf32, #tpu.memory_space<vmem_shared>>
      %dma_wait3A_33 = arith.constant 0 : i32
      %dma_wait3A_34 = tpu.memref_slice %arg6[%add3A_14, %dma_wait3A_33] : memref<10112x128xf32, #tpu.memory_space<vmem_shared>> -> memref<128x128xf32, #tpu.memory_space<vmem_shared>>
      tpu.wait_dma2 semaphore(%run_scoped3A : memref<!tpu.dma_semaphore, #tpu.memory_space<semaphore_mem>>) src(%arg9 : memref<128x128xf32, #tpu.memory_space<vmem>>) dst(%dma_wait3A_34 : memref<128x128xf32, #tpu.memory_space<vmem_shared>>)
      tpu.yield
    }) : () -> ()
    %add3A_15 = arith.constant 512 : i32
    %add3A_16 = arith.addi %mul3A_7, %add3A_15 : i32
    "tpu.region"() ({
      %run_scoped3A = tpu.sem_alloc : memref<!tpu.dma_semaphore, #tpu.memory_space<semaphore_mem>>
      %dma_start3A = arith.constant 0 : i32
      %dma_start3A_29 = arith.constant 0 : i32
      %dma_start3A_30 = tpu.memref_slice %arg9[%dma_start3A, %dma_start3A_29] : memref<128x128xf32, #tpu.memory_space<vmem>> -> memref<120x128xf32, #tpu.memory_space<vmem>>
      %dma_start3A_31 = arith.constant 0 : i32
      %dma_start3A_32 = tpu.memref_slice %arg6[%add3A_16, %dma_start3A_31] : memref<10112x128xf32, #tpu.memory_space<vmem_shared>> -> memref<120x128xf32, #tpu.memory_space<vmem_shared>>
      %dma_start3A_33 = arith.constant 0 : i32
      %dma_start3A_34 = tpu.memref_slice %arg6[%add3A_16, %dma_start3A_33] : memref<10112x128xf32, #tpu.memory_space<vmem_shared>> -> memref<120x128xf32, #tpu.memory_space<vmem_shared>>
      %dma_start3A_35 = arith.constant 0 : i32
      %dma_start3A_36 = arith.constant 0 : i32
      %dma_start3A_37 = tpu.memref_slice %arg9[%dma_start3A_35, %dma_start3A_36] : memref<128x128xf32, #tpu.memory_space<vmem>> -> memref<120x128xf32, #tpu.memory_space<vmem>>
      tpu.enqueue_dma source(%dma_start3A_37 : memref<120x128xf32, #tpu.memory_space<vmem>>) target(%dma_start3A_34 : memref<120x128xf32, #tpu.memory_space<vmem_shared>>) target_semaphore(%run_scoped3A : memref<!tpu.dma_semaphore, #tpu.memory_space<semaphore_mem>>)
      %dma_wait3A = arith.constant 0 : i32
      %dma_wait3A_38 = arith.constant 0 : i32
      %dma_wait3A_39 = tpu.memref_slice %arg9[%dma_wait3A, %dma_wait3A_38] : memref<128x128xf32, #tpu.memory_space<vmem>> -> memref<120x128xf32, #tpu.memory_space<vmem>>
      %dma_wait3A_40 = arith.constant 0 : i32
      %dma_wait3A_41 = tpu.memref_slice %arg6[%add3A_16, %dma_wait3A_40] : memref<10112x128xf32, #tpu.memory_space<vmem_shared>> -> memref<120x128xf32, #tpu.memory_space<vmem_shared>>
      %dma_wait3A_42 = arith.constant 0 : i32
      %dma_wait3A_43 = tpu.memref_slice %arg6[%add3A_16, %dma_wait3A_42] : memref<10112x128xf32, #tpu.memory_space<vmem_shared>> -> memref<120x128xf32, #tpu.memory_space<vmem_shared>>
      %dma_wait3A_44 = arith.constant 0 : i32
      %dma_wait3A_45 = arith.constant 0 : i32
      %dma_wait3A_46 = tpu.memref_slice %arg9[%dma_wait3A_44, %dma_wait3A_45] : memref<128x128xf32, #tpu.memory_space<vmem>> -> memref<120x128xf32, #tpu.memory_space<vmem>>
      tpu.wait_dma2 semaphore(%run_scoped3A : memref<!tpu.dma_semaphore, #tpu.memory_space<semaphore_mem>>) src(%dma_wait3A_46 : memref<120x128xf32, #tpu.memory_space<vmem>>) dst(%dma_wait3A_43 : memref<120x128xf32, #tpu.memory_space<vmem_shared>>)
      tpu.yield
    }) : () -> ()
    %broadcast_in_dim3A_17 = vector.broadcast %arg0 : i32 to vector<16xi32>
    %barrier3A = arith.constant 0 : index
    tpu.barrier barrier_id(%barrier3A)
    %scan3A_18 = arith.constant 0 : i32
    %scan3A_19 = arith.constant 0 : i32
    %scan3A_20 = arith.constant 10 : i32
    %scan3A_21 = arith.addi %scan3A_19, %scan3A_20 : i32
    %scan3A_22 = arith.constant 1 : i32
    %scan3A_23 = scf.for %scan3A_29 = %scan3A_19 to %scan3A_21 step %scan3A_22 iter_args(%scan3A_30 = %scan3A_18) -> (i32)  : i32 {
      %mul3A_31 = arith.constant 10 : i32
      %mul3A_32 = arith.muli %arg1, %mul3A_31 : i32
      %add3A_33 = arith.addi %mul3A_32, %scan3A_29 : i32
      "tpu.region"() ({
        %run_scoped3A = tpu.sem_alloc : memref<!tpu.dma_semaphore, #tpu.memory_space<semaphore_mem>>
        %dma_start3A_475 = arith.constant 0 : i32
        %dma_start3A_476 = arith.constant 0 : i32
        %dma_start3A_477 = tpu.memref_slice %arg3[%add3A_33, %dma_start3A_475, %dma_start3A_476] : memref<160x8x128xi32, #tpu.memory_space<hbm>> -> memref<1x8x128xi32, #tpu.memory_space<hbm>>
        %dma_start3A_478 = tpu.memref_squeeze %dma_start3A_477 : memref<1x8x128xi32, #tpu.memory_space<hbm>> -> memref<8x128xi32, #tpu.memory_space<hbm>>
        %dma_start3A_479 = arith.constant 0 : i32
        %dma_start3A_480 = arith.constant 0 : i32
        %dma_start3A_481 = tpu.memref_slice %arg3[%add3A_33, %dma_start3A_479, %dma_start3A_480] : memref<160x8x128xi32, #tpu.memory_space<hbm>> -> memref<1x8x128xi32, #tpu.memory_space<hbm>>
        %dma_start3A_482 = tpu.memref_squeeze %dma_start3A_481 : memref<1x8x128xi32, #tpu.memory_space<hbm>> -> memref<8x128xi32, #tpu.memory_space<hbm>>
        tpu.enqueue_dma source(%dma_start3A_482 : memref<8x128xi32, #tpu.memory_space<hbm>>) target(%arg7 : memref<8x128xi32, #tpu.memory_space<vmem>>) target_semaphore(%run_scoped3A : memref<!tpu.dma_semaphore, #tpu.memory_space<semaphore_mem>>)
        %dma_wait3A_483 = arith.constant 0 : i32
        %dma_wait3A_484 = arith.constant 0 : i32
        %dma_wait3A_485 = tpu.memref_slice %arg3[%add3A_33, %dma_wait3A_483, %dma_wait3A_484] : memref<160x8x128xi32, #tpu.memory_space<hbm>> -> memref<1x8x128xi32, #tpu.memory_space<hbm>>
        %dma_wait3A_486 = tpu.memref_squeeze %dma_wait3A_485 : memref<1x8x128xi32, #tpu.memory_space<hbm>> -> memref<8x128xi32, #tpu.memory_space<hbm>>
        %dma_wait3A_487 = arith.constant 0 : i32
        %dma_wait3A_488 = arith.constant 0 : i32
        %dma_wait3A_489 = tpu.memref_slice %arg3[%add3A_33, %dma_wait3A_487, %dma_wait3A_488] : memref<160x8x128xi32, #tpu.memory_space<hbm>> -> memref<1x8x128xi32, #tpu.memory_space<hbm>>
        %dma_wait3A_490 = tpu.memref_squeeze %dma_wait3A_489 : memref<1x8x128xi32, #tpu.memory_space<hbm>> -> memref<8x128xi32, #tpu.memory_space<hbm>>
        tpu.wait_dma2 semaphore(%run_scoped3A : memref<!tpu.dma_semaphore, #tpu.memory_space<semaphore_mem>>) src(%dma_wait3A_490 : memref<8x128xi32, #tpu.memory_space<hbm>>) dst(%arg7 : memref<8x128xi32, #tpu.memory_space<vmem>>)
        tpu.yield
      }) : () -> ()
      %mul3A_34 = arith.constant 10 : i32
      %mul3A_35 = arith.muli %arg1, %mul3A_34 : i32
      %add3A_36 = arith.addi %mul3A_35, %scan3A_29 : i32
      "tpu.region"() ({
        %run_scoped3A = tpu.sem_alloc : memref<!tpu.dma_semaphore, #tpu.memory_space<semaphore_mem>>
        %dma_start3A_475 = arith.constant 0 : i32
        %dma_start3A_476 = arith.constant 0 : i32
        %dma_start3A_477 = tpu.memref_slice %arg4[%add3A_36, %dma_start3A_475, %dma_start3A_476] : memref<160x8x128xi32, #tpu.memory_space<hbm>> -> memref<1x8x128xi32, #tpu.memory_space<hbm>>
        %dma_start3A_478 = tpu.memref_squeeze %dma_start3A_477 : memref<1x8x128xi32, #tpu.memory_space<hbm>> -> memref<8x128xi32, #tpu.memory_space<hbm>>
        %dma_start3A_479 = arith.constant 0 : i32
        %dma_start3A_480 = arith.constant 0 : i32
        %dma_start3A_481 = tpu.memref_slice %arg4[%add3A_36, %dma_start3A_479, %dma_start3A_480] : memref<160x8x128xi32, #tpu.memory_space<hbm>> -> memref<1x8x128xi32, #tpu.memory_space<hbm>>
        %dma_start3A_482 = tpu.memref_squeeze %dma_start3A_481 : memref<1x8x128xi32, #tpu.memory_space<hbm>> -> memref<8x128xi32, #tpu.memory_space<hbm>>
        tpu.enqueue_dma source(%dma_start3A_482 : memref<8x128xi32, #tpu.memory_space<hbm>>) target(%arg8 : memref<8x128xi32, #tpu.memory_space<vmem>>) target_semaphore(%run_scoped3A : memref<!tpu.dma_semaphore, #tpu.memory_space<semaphore_mem>>)
        %dma_wait3A_483 = arith.constant 0 : i32
        %dma_wait3A_484 = arith.constant 0 : i32
        %dma_wait3A_485 = tpu.memref_slice %arg4[%add3A_36, %dma_wait3A_483, %dma_wait3A_484] : memref<160x8x128xi32, #tpu.memory_space<hbm>> -> memref<1x8x128xi32, #tpu.memory_space<hbm>>
        %dma_wait3A_486 = tpu.memref_squeeze %dma_wait3A_485 : memref<1x8x128xi32, #tpu.memory_space<hbm>> -> memref<8x128xi32, #tpu.memory_space<hbm>>
        %dma_wait3A_487 = arith.constant 0 : i32
        %dma_wait3A_488 = arith.constant 0 : i32
        %dma_wait3A_489 = tpu.memref_slice %arg4[%add3A_36, %dma_wait3A_487, %dma_wait3A_488] : memref<160x8x128xi32, #tpu.memory_space<hbm>> -> memref<1x8x128xi32, #tpu.memory_space<hbm>>
        %dma_wait3A_490 = tpu.memref_squeeze %dma_wait3A_489 : memref<1x8x128xi32, #tpu.memory_space<hbm>> -> memref<8x128xi32, #tpu.memory_space<hbm>>
        tpu.wait_dma2 semaphore(%run_scoped3A : memref<!tpu.dma_semaphore, #tpu.memory_space<semaphore_mem>>) src(%dma_wait3A_490 : memref<8x128xi32, #tpu.memory_space<hbm>>) dst(%arg8 : memref<8x128xi32, #tpu.memory_space<vmem>>)
        tpu.yield
      }) : () -> ()
      %scan3A_37 = arith.constant 0 : i32
      %scan3A_38 = arith.constant 0 : i32
      %scan3A_39 = arith.constant 8 : i32
      %scan3A_40 = arith.addi %scan3A_38, %scan3A_39 : i32
      %scan3A_41 = arith.constant 1 : i32
      %scan3A_42 = scf.for %scan3A_475 = %scan3A_38 to %scan3A_40 step %scan3A_41 iter_args(%scan3A_476 = %scan3A_37) -> (i32)  : i32 {
        %scan3A_477 = arith.constant 0 : i32
        %scan3A_478 = arith.constant 0 : i32
        %scan3A_479 = arith.constant 8 : i32
        %scan3A_480 = arith.addi %scan3A_478, %scan3A_479 : i32
        %scan3A_481 = arith.constant 1 : i32
        %scan3A_482 = scf.for %scan3A_484 = %scan3A_478 to %scan3A_480 step %scan3A_481 iter_args(%scan3A_485 = %scan3A_477) -> (i32)  : i32 {
          %mul3A_486 = arith.constant 16 : i32
          %mul3A_487 = arith.muli %scan3A_484, %mul3A_486 : i32
          %get3A = arith.index_cast %scan3A_475 : i32 to index
          %get3A_488 = arith.index_cast %mul3A_487 : i32 to index
          %get3A_489 = tpu.vector_load %arg7[%get3A, %get3A_488] {strides = array<i32>} : memref<8x128xi32, #tpu.memory_space<vmem>>, vector<1x16xi32>,
          %get3A_490 = vector.shape_cast %get3A_489 : vector<1x16xi32> to vector<16xi32>
          %get3A_491 = arith.index_cast %scan3A_475 : i32 to index
          %get3A_492 = arith.index_cast %mul3A_487 : i32 to index
          %get3A_493 = tpu.vector_load %arg7[%get3A_491, %get3A_492] {strides = array<i32>} : memref<8x128xi32, #tpu.memory_space<vmem>>, vector<1x16xi32>,
          %get3A_494 = vector.shape_cast %get3A_493 : vector<1x16xi32> to vector<16xi32>
          %add3A_495 = arith.addi %get3A_490, %get3A_494 : vector<16xi32>
          %add3A_496 = arith.addi %add3A_495, %broadcast_in_dim3A_17 : vector<16xi32>
          %swap3A = arith.index_cast %scan3A_475 : i32 to index
          %swap3A_497 = arith.index_cast %mul3A_487 : i32 to index
          %swap3A_498 = tpu.vector_load %arg7[%swap3A, %swap3A_497] {strides = array<i32>} : memref<8x128xi32, #tpu.memory_space<vmem>>, vector<1x16xi32>,
          %swap3A_499 = vector.shape_cast %swap3A_498 : vector<1x16xi32> to vector<16xi32>
          %swap3A_500 = vector.shape_cast %add3A_496 : vector<16xi32> to vector<1x16xi32>
          tpu.vector_store %arg7[%swap3A, %swap3A_497], %swap3A_500 {strides = array<i32>} : memref<8x128xi32, #tpu.memory_space<vmem>>, vector<1x16xi32>,
          %scan3A_501 = arith.constant 0 : i32
          scf.yield %scan3A_501 : i32
        }
        %scan3A_483 = arith.constant 8 : i32
        scf.yield %scan3A_482 : i32
      }
      %scan3A_43 = arith.constant 8 : i32
      %dma_start3A = arith.constant 0 : i32
      %dma_start3A_44 = arith.constant 0 : i32
      %dma_start3A_45 = arith.constant 0 : i32
      %dma_start3A_46 = tpu.memref_slice %arg9[%dma_start3A_44, %dma_start3A_45] : memref<128x128xf32, #tpu.memory_space<vmem>> -> memref<64x128xf32, #tpu.memory_space<vmem>>
      %dma_start3A_47 = arith.constant 0 : i32
      %dma_start3A_48 = tpu.memref_slice %arg7[%dma_start3A, %dma_start3A_47] : memref<8x128xi32, #tpu.memory_space<vmem>> -> memref<1x64xi32, #tpu.memory_space<vmem>>
      %dma_start3A_49 = tpu.memref_squeeze %dma_start3A_48 : memref<1x64xi32, #tpu.memory_space<vmem>> -> memref<64xi32, #tpu.memory_space<vmem>>
      %dma_start3A_50 = arith.constant 0 : i32
      %dma_start3A_51 = arith.constant 0 : i32
      %dma_start3A_52 = tpu.memref_slice %arg2[%dma_start3A_50, %dma_start3A_51] : memref<20000x128xf32, #tpu.memory_space<hbm>> -> memref<20000x128xf32, #tpu.memory_space<hbm>>
      tpu.enqueue_indirect_dma source(%dma_start3A_52 : memref<20000x128xf32, #tpu.memory_space<hbm>>) target(%dma_start3A_46 : memref<64x128xf32, #tpu.memory_space<vmem>>) offsets(%dma_start3A_49 : memref<64xi32, #tpu.memory_space<vmem>>) semaphore(%arg11 : memref<!tpu.dma_semaphore, #tpu.memory_space<semaphore_mem>>)
      %dma_start3A_53 = arith.constant 0 : i32
      %dma_start3A_54 = arith.constant 64 : i32
      %dma_start3A_55 = arith.constant 0 : i32
      %dma_start3A_56 = tpu.memref_slice %arg9[%dma_start3A_54, %dma_start3A_55] : memref<128x128xf32, #tpu.memory_space<vmem>> -> memref<64x128xf32, #tpu.memory_space<vmem>>
      %dma_start3A_57 = arith.constant 64 : i32
      %dma_start3A_58 = tpu.memref_slice %arg7[%dma_start3A_53, %dma_start3A_57] : memref<8x128xi32, #tpu.memory_space<vmem>> -> memref<1x64xi32, #tpu.memory_space<vmem>>
      %dma_start3A_59 = tpu.memref_squeeze %dma_start3A_58 : memref<1x64xi32, #tpu.memory_space<vmem>> -> memref<64xi32, #tpu.memory_space<vmem>>
      %dma_start3A_60 = arith.constant 0 : i32
      %dma_start3A_61 = arith.constant 0 : i32
      %dma_start3A_62 = tpu.memref_slice %arg2[%dma_start3A_60, %dma_start3A_61] : memref<20000x128xf32, #tpu.memory_space<hbm>> -> memref<20000x128xf32, #tpu.memory_space<hbm>>
      tpu.enqueue_indirect_dma source(%dma_start3A_62 : memref<20000x128xf32, #tpu.memory_space<hbm>>) target(%dma_start3A_56 : memref<64x128xf32, #tpu.memory_space<vmem>>) offsets(%dma_start3A_59 : memref<64xi32, #tpu.memory_space<vmem>>) semaphore(%arg11 : memref<!tpu.dma_semaphore, #tpu.memory_space<semaphore_mem>>)
      %dma_start3A_63 = arith.constant 1 : i32
      %dma_start3A_64 = arith.constant 0 : i32
      %dma_start3A_65 = arith.constant 0 : i32
      %dma_start3A_66 = tpu.memref_slice %arg10[%dma_start3A_64, %dma_start3A_65] : memref<128x128xf32, #tpu.memory_space<vmem>> -> memref<64x128xf32, #tpu.memory_space<vmem>>
      %dma_start3A_67 = arith.constant 0 : i32
      %dma_start3A_68 = tpu.memref_slice %arg7[%dma_start3A_63, %dma_start3A_67] : memref<8x128xi32, #tpu.memory_space<vmem>> -> memref<1x64xi32, #tpu.memory_space<vmem>>
      %dma_start3A_69 = tpu.memref_squeeze %dma_start3A_68 : memref<1x64xi32, #tpu.memory_space<vmem>> -> memref<64xi32, #tpu.memory_space<vmem>>
      %dma_start3A_70 = arith.constant 0 : i32
      %dma_start3A_71 = arith.constant 0 : i32
      %dma_start3A_72 = tpu.memref_slice %arg2[%dma_start3A_70, %dma_start3A_71] : memref<20000x128xf32, #tpu.memory_space<hbm>> -> memref<20000x128xf32, #tpu.memory_space<hbm>>
      tpu.enqueue_indirect_dma source(%dma_start3A_72 : memref<20000x128xf32, #tpu.memory_space<hbm>>) target(%dma_start3A_66 : memref<64x128xf32, #tpu.memory_space<vmem>>) offsets(%dma_start3A_69 : memref<64xi32, #tpu.memory_space<vmem>>) semaphore(%arg12 : memref<!tpu.dma_semaphore, #tpu.memory_space<semaphore_mem>>)
      %dma_start3A_73 = arith.constant 1 : i32
      %dma_start3A_74 = arith.constant 64 : i32
      %dma_start3A_75 = arith.constant 0 : i32
      %dma_start3A_76 = tpu.memref_slice %arg10[%dma_start3A_74, %dma_start3A_75] : memref<128x128xf32, #tpu.memory_space<vmem>> -> memref<64x128xf32, #tpu.memory_space<vmem>>
      %dma_start3A_77 = arith.constant 64 : i32
      %dma_start3A_78 = tpu.memref_slice %arg7[%dma_start3A_73, %dma_start3A_77] : memref<8x128xi32, #tpu.memory_space<vmem>> -> memref<1x64xi32, #tpu.memory_space<vmem>>
      %dma_start3A_79 = tpu.memref_squeeze %dma_start3A_78 : memref<1x64xi32, #tpu.memory_space<vmem>> -> memref<64xi32, #tpu.memory_space<vmem>>
      %dma_start3A_80 = arith.constant 0 : i32
      %dma_start3A_81 = arith.constant 0 : i32
      %dma_start3A_82 = tpu.memref_slice %arg2[%dma_start3A_80, %dma_start3A_81] : memref<20000x128xf32, #tpu.memory_space<hbm>> -> memref<20000x128xf32, #tpu.memory_space<hbm>>
      tpu.enqueue_indirect_dma source(%dma_start3A_82 : memref<20000x128xf32, #tpu.memory_space<hbm>>) target(%dma_start3A_76 : memref<64x128xf32, #tpu.memory_space<vmem>>) offsets(%dma_start3A_79 : memref<64xi32, #tpu.memory_space<vmem>>) semaphore(%arg12 : memref<!tpu.dma_semaphore, #tpu.memory_space<semaphore_mem>>)
      %dma_wait3A = arith.constant 0 : i32
      %dma_wait3A_83 = arith.constant 0 : i32
      %dma_wait3A_84 = arith.constant 0 : i32
      %dma_wait3A_85 = tpu.memref_slice %arg9[%dma_wait3A_83, %dma_wait3A_84] : memref<128x128xf32, #tpu.memory_space<vmem>> -> memref<64x128xf32, #tpu.memory_space<vmem>>
      %dma_wait3A_86 = arith.constant 0 : i32
      %dma_wait3A_87 = tpu.memref_slice %arg7[%dma_wait3A, %dma_wait3A_86] : memref<8x128xi32, #tpu.memory_space<vmem>> -> memref<1x64xi32, #tpu.memory_space<vmem>>
      %dma_wait3A_88 = tpu.memref_squeeze %dma_wait3A_87 : memref<1x64xi32, #tpu.memory_space<vmem>> -> memref<64xi32, #tpu.memory_space<vmem>>
      %dma_wait3A_89 = arith.constant 0 : i32
      %dma_wait3A_90 = arith.constant 0 : i32
      %dma_wait3A_91 = tpu.memref_slice %arg2[%dma_wait3A_89, %dma_wait3A_90] : memref<20000x128xf32, #tpu.memory_space<hbm>> -> memref<20000x128xf32, #tpu.memory_space<hbm>>
      tpu.wait_indirect_dma semaphore(%arg11 : memref<!tpu.dma_semaphore, #tpu.memory_space<semaphore_mem>>) src(%dma_wait3A_91 : memref<20000x128xf32, #tpu.memory_space<hbm>>) dst(%dma_wait3A_85 : memref<64x128xf32, #tpu.memory_space<vmem>>)
      %dma_wait3A_92 = arith.constant 0 : i32
      %dma_wait3A_93 = arith.constant 64 : i32
      %dma_wait3A_94 = arith.constant 0 : i32
      %dma_wait3A_95 = tpu.memref_slice %arg9[%dma_wait3A_93, %dma_wait3A_94] : memref<128x128xf32, #tpu.memory_space<vmem>> -> memref<64x128xf32, #tpu.memory_space<vmem>>
      %dma_wait3A_96 = arith.constant 64 : i32
      %dma_wait3A_97 = tpu.memref_slice %arg7[%dma_wait3A_92, %dma_wait3A_96] : memref<8x128xi32, #tpu.memory_space<vmem>> -> memref<1x64xi32, #tpu.memory_space<vmem>>
      %dma_wait3A_98 = tpu.memref_squeeze %dma_wait3A_97 : memref<1x64xi32, #tpu.memory_space<vmem>> -> memref<64xi32, #tpu.memory_space<vmem>>
      %dma_wait3A_99 = arith.constant 0 : i32
      %dma_wait3A_100 = arith.constant 0 : i32
      %dma_wait3A_101 = tpu.memref_slice %arg2[%dma_wait3A_99, %dma_wait3A_100] : memref<20000x128xf32, #tpu.memory_space<hbm>> -> memref<20000x128xf32, #tpu.memory_space<hbm>>
      tpu.wait_indirect_dma semaphore(%arg11 : memref<!tpu.dma_semaphore, #tpu.memory_space<semaphore_mem>>) src(%dma_wait3A_101 : memref<20000x128xf32, #tpu.memory_space<hbm>>) dst(%dma_wait3A_95 : memref<64x128xf32, #tpu.memory_space<vmem>>)
      %dma_start3A_102 = arith.constant 0 : i32
      %dma_start3A_103 = arith.constant 0 : i32
      %dma_start3A_104 = tpu.memref_slice %arg8[%dma_start3A_102, %dma_start3A_103] : memref<8x128xi32, #tpu.memory_space<vmem>> -> memref<1x128xi32, #tpu.memory_space<vmem>>
      %dma_start3A_105 = tpu.memref_squeeze %dma_start3A_104 : memref<1x128xi32, #tpu.memory_space<vmem>> -> memref<128xi32, #tpu.memory_space<vmem>>
      %dma_start3A_106 = arith.constant 0 : i32
      %dma_start3A_107 = arith.constant 0 : i32
      %dma_start3A_108 = tpu.memref_slice %arg6[%dma_start3A_106, %dma_start3A_107] : memref<10112x128xf32, #tpu.memory_space<vmem_shared>> -> memref<10112x128xf32, #tpu.memory_space<vmem_shared>>
      tpu.enqueue_indirect_dma source(%arg9 : memref<128x128xf32, #tpu.memory_space<vmem>>) target(%dma_start3A_108 : memref<10112x128xf32, #tpu.memory_space<vmem_shared>>) offsets(%dma_start3A_105 : memref<128xi32, #tpu.memory_space<vmem>>) semaphore(%arg13 : memref<!tpu.dma_semaphore, #tpu.memory_space<semaphore_mem>>) {add = true}
      %dma_wait3A_109 = arith.constant 0 : i32
      %dma_wait3A_110 = arith.constant 0 : i32
      %dma_wait3A_111 = tpu.memref_slice %arg8[%dma_wait3A_109, %dma_wait3A_110] : memref<8x128xi32, #tpu.memory_space<vmem>> -> memref<1x128xi32, #tpu.memory_space<vmem>>
      %dma_wait3A_112 = tpu.memref_squeeze %dma_wait3A_111 : memref<1x128xi32, #tpu.memory_space<vmem>> -> memref<128xi32, #tpu.memory_space<vmem>>
      %dma_wait3A_113 = arith.constant 0 : i32
      %dma_wait3A_114 = arith.constant 0 : i32
      %dma_wait3A_115 = tpu.memref_slice %arg6[%dma_wait3A_113, %dma_wait3A_114] : memref<10112x128xf32, #tpu.memory_space<vmem_shared>> -> memref<10112x128xf32, #tpu.memory_space<vmem_shared>>
      tpu.wait_indirect_dma semaphore(%arg13 : memref<!tpu.dma_semaphore, #tpu.memory_space<semaphore_mem>>) src(%arg9 : memref<128x128xf32, #tpu.memory_space<vmem>>) dst(%dma_wait3A_115 : memref<10112x128xf32, #tpu.memory_space<vmem_shared>>)
      %dma_start3A_116 = arith.constant 2 : i32
      %dma_start3A_117 = arith.constant 0 : i32
      %dma_start3A_118 = arith.constant 0 : i32
      %dma_start3A_119 = tpu.memref_slice %arg9[%dma_start3A_117, %dma_start3A_118] : memref<128x128xf32, #tpu.memory_space<vmem>> -> memref<64x128xf32, #tpu.memory_space<vmem>>
      %dma_start3A_120 = arith.constant 0 : i32
      %dma_start3A_121 = tpu.memref_slice %arg7[%dma_start3A_116, %dma_start3A_120] : memref<8x128xi32, #tpu.memory_space<vmem>> -> memref<1x64xi32, #tpu.memory_space<vmem>>
      %dma_start3A_122 = tpu.memref_squeeze %dma_start3A_121 : memref<1x64xi32, #tpu.memory_space<vmem>> -> memref<64xi32, #tpu.memory_space<vmem>>
      %dma_start3A_123 = arith.constant 0 : i32
      %dma_start3A_124 = arith.constant 0 : i32
      %dma_start3A_125 = tpu.memref_slice %arg2[%dma_start3A_123, %dma_start3A_124] : memref<20000x128xf32, #tpu.memory_space<hbm>> -> memref<20000x128xf32, #tpu.memory_space<hbm>>
      tpu.enqueue_indirect_dma source(%dma_start3A_125 : memref<20000x128xf32, #tpu.memory_space<hbm>>) target(%dma_start3A_119 : memref<64x128xf32, #tpu.memory_space<vmem>>) offsets(%dma_start3A_122 : memref<64xi32, #tpu.memory_space<vmem>>) semaphore(%arg11 : memref<!tpu.dma_semaphore, #tpu.memory_space<semaphore_mem>>)
      %dma_start3A_126 = arith.constant 2 : i32
      %dma_start3A_127 = arith.constant 64 : i32
      %dma_start3A_128 = arith.constant 0 : i32
      %dma_start3A_129 = tpu.memref_slice %arg9[%dma_start3A_127, %dma_start3A_128] : memref<128x128xf32, #tpu.memory_space<vmem>> -> memref<64x128xf32, #tpu.memory_space<vmem>>
      %dma_start3A_130 = arith.constant 64 : i32
      %dma_start3A_131 = tpu.memref_slice %arg7[%dma_start3A_126, %dma_start3A_130] : memref<8x128xi32, #tpu.memory_space<vmem>> -> memref<1x64xi32, #tpu.memory_space<vmem>>
      %dma_start3A_132 = tpu.memref_squeeze %dma_start3A_131 : memref<1x64xi32, #tpu.memory_space<vmem>> -> memref<64xi32, #tpu.memory_space<vmem>>
      %dma_start3A_133 = arith.constant 0 : i32
      %dma_start3A_134 = arith.constant 0 : i32
      %dma_start3A_135 = tpu.memref_slice %arg2[%dma_start3A_133, %dma_start3A_134] : memref<20000x128xf32, #tpu.memory_space<hbm>> -> memref<20000x128xf32, #tpu.memory_space<hbm>>
      tpu.enqueue_indirect_dma source(%dma_start3A_135 : memref<20000x128xf32, #tpu.memory_space<hbm>>) target(%dma_start3A_129 : memref<64x128xf32, #tpu.memory_space<vmem>>) offsets(%dma_start3A_132 : memref<64xi32, #tpu.memory_space<vmem>>) semaphore(%arg11 : memref<!tpu.dma_semaphore, #tpu.memory_space<semaphore_mem>>)
      %dma_wait3A_136 = arith.constant 1 : i32
      %dma_wait3A_137 = arith.constant 0 : i32
      %dma_wait3A_138 = arith.constant 0 : i32
      %dma_wait3A_139 = tpu.memref_slice %arg10[%dma_wait3A_137, %dma_wait3A_138] : memref<128x128xf32, #tpu.memory_space<vmem>> -> memref<64x128xf32, #tpu.memory_space<vmem>>
      %dma_wait3A_140 = arith.constant 0 : i32
      %dma_wait3A_141 = tpu.memref_slice %arg7[%dma_wait3A_136, %dma_wait3A_140] : memref<8x128xi32, #tpu.memory_space<vmem>> -> memref<1x64xi32, #tpu.memory_space<vmem>>
      %dma_wait3A_142 = tpu.memref_squeeze %dma_wait3A_141 : memref<1x64xi32, #tpu.memory_space<vmem>> -> memref<64xi32, #tpu.memory_space<vmem>>
      %dma_wait3A_143 = arith.constant 0 : i32
      %dma_wait3A_144 = arith.constant 0 : i32
      %dma_wait3A_145 = tpu.memref_slice %arg2[%dma_wait3A_143, %dma_wait3A_144] : memref<20000x128xf32, #tpu.memory_space<hbm>> -> memref<20000x128xf32, #tpu.memory_space<hbm>>
      tpu.wait_indirect_dma semaphore(%arg12 : memref<!tpu.dma_semaphore, #tpu.memory_space<semaphore_mem>>) src(%dma_wait3A_145 : memref<20000x128xf32, #tpu.memory_space<hbm>>) dst(%dma_wait3A_139 : memref<64x128xf32, #tpu.memory_space<vmem>>)
      %dma_wait3A_146 = arith.constant 1 : i32
      %dma_wait3A_147 = arith.constant 64 : i32
      %dma_wait3A_148 = arith.constant 0 : i32
      %dma_wait3A_149 = tpu.memref_slice %arg10[%dma_wait3A_147, %dma_wait3A_148] : memref<128x128xf32, #tpu.memory_space<vmem>> -> memref<64x128xf32, #tpu.memory_space<vmem>>
      %dma_wait3A_150 = arith.constant 64 : i32
      %dma_wait3A_151 = tpu.memref_slice %arg7[%dma_wait3A_146, %dma_wait3A_150] : memref<8x128xi32, #tpu.memory_space<vmem>> -> memref<1x64xi32, #tpu.memory_space<vmem>>
      %dma_wait3A_152 = tpu.memref_squeeze %dma_wait3A_151 : memref<1x64xi32, #tpu.memory_space<vmem>> -> memref<64xi32, #tpu.memory_space<vmem>>
      %dma_wait3A_153 = arith.constant 0 : i32
      %dma_wait3A_154 = arith.constant 0 : i32
      %dma_wait3A_155 = tpu.memref_slice %arg2[%dma_wait3A_153, %dma_wait3A_154] : memref<20000x128xf32, #tpu.memory_space<hbm>> -> memref<20000x128xf32, #tpu.memory_space<hbm>>
      tpu.wait_indirect_dma semaphore(%arg12 : memref<!tpu.dma_semaphore, #tpu.memory_space<semaphore_mem>>) src(%dma_wait3A_155 : memref<20000x128xf32, #tpu.memory_space<hbm>>) dst(%dma_wait3A_149 : memref<64x128xf32, #tpu.memory_space<vmem>>)
      %dma_start3A_156 = arith.constant 1 : i32
      %dma_start3A_157 = arith.constant 0 : i32
      %dma_start3A_158 = tpu.memref_slice %arg8[%dma_start3A_156, %dma_start3A_157] : memref<8x128xi32, #tpu.memory_space<vmem>> -> memref<1x128xi32, #tpu.memory_space<vmem>>
      %dma_start3A_159 = tpu.memref_squeeze %dma_start3A_158 : memref<1x128xi32, #tpu.memory_space<vmem>> -> memref<128xi32, #tpu.memory_space<vmem>>
      %dma_start3A_160 = arith.constant 0 : i32
      %dma_start3A_161 = arith.constant 0 : i32
      %dma_start3A_162 = tpu.memref_slice %arg6[%dma_start3A_160, %dma_start3A_161] : memref<10112x128xf32, #tpu.memory_space<vmem_shared>> -> memref<10112x128xf32, #tpu.memory_space<vmem_shared>>
      tpu.enqueue_indirect_dma source(%arg10 : memref<128x128xf32, #tpu.memory_space<vmem>>) target(%dma_start3A_162 : memref<10112x128xf32, #tpu.memory_space<vmem_shared>>) offsets(%dma_start3A_159 : memref<128xi32, #tpu.memory_space<vmem>>) semaphore(%arg14 : memref<!tpu.dma_semaphore, #tpu.memory_space<semaphore_mem>>) {add = true}
      %dma_wait3A_163 = arith.constant 1 : i32
      %dma_wait3A_164 = arith.constant 0 : i32
      %dma_wait3A_165 = tpu.memref_slice %arg8[%dma_wait3A_163, %dma_wait3A_164] : memref<8x128xi32, #tpu.memory_space<vmem>> -> memref<1x128xi32, #tpu.memory_space<vmem>>
      %dma_wait3A_166 = tpu.memref_squeeze %dma_wait3A_165 : memref<1x128xi32, #tpu.memory_space<vmem>> -> memref<128xi32, #tpu.memory_space<vmem>>
      %dma_wait3A_167 = arith.constant 0 : i32
      %dma_wait3A_168 = arith.constant 0 : i32
      %dma_wait3A_169 = tpu.memref_slice %arg6[%dma_wait3A_167, %dma_wait3A_168] : memref<10112x128xf32, #tpu.memory_space<vmem_shared>> -> memref<10112x128xf32, #tpu.memory_space<vmem_shared>>
      tpu.wait_indirect_dma semaphore(%arg14 : memref<!tpu.dma_semaphore, #tpu.memory_space<semaphore_mem>>) src(%arg10 : memref<128x128xf32, #tpu.memory_space<vmem>>) dst(%dma_wait3A_169 : memref<10112x128xf32, #tpu.memory_space<vmem_shared>>)
      %dma_start3A_170 = arith.constant 3 : i32
      %dma_start3A_171 = arith.constant 0 : i32
      %dma_start3A_172 = arith.constant 0 : i32
      %dma_start3A_173 = tpu.memref_slice %arg10[%dma_start3A_171, %dma_start3A_172] : memref<128x128xf32, #tpu.memory_space<vmem>> -> memref<64x128xf32, #tpu.memory_space<vmem>>
      %dma_start3A_174 = arith.constant 0 : i32
      %dma_start3A_175 = tpu.memref_slice %arg7[%dma_start3A_170, %dma_start3A_174] : memref<8x128xi32, #tpu.memory_space<vmem>> -> memref<1x64xi32, #tpu.memory_space<vmem>>
      %dma_start3A_176 = tpu.memref_squeeze %dma_start3A_175 : memref<1x64xi32, #tpu.memory_space<vmem>> -> memref<64xi32, #tpu.memory_space<vmem>>
      %dma_start3A_177 = arith.constant 0 : i32
      %dma_start3A_178 = arith.constant 0 : i32
      %dma_start3A_179 = tpu.memref_slice %arg2[%dma_start3A_177, %dma_start3A_178] : memref<20000x128xf32, #tpu.memory_space<hbm>> -> memref<20000x128xf32, #tpu.memory_space<hbm>>
      tpu.enqueue_indirect_dma source(%dma_start3A_179 : memref<20000x128xf32, #tpu.memory_space<hbm>>) target(%dma_start3A_173 : memref<64x128xf32, #tpu.memory_space<vmem>>) offsets(%dma_start3A_176 : memref<64xi32, #tpu.memory_space<vmem>>) semaphore(%arg12 : memref<!tpu.dma_semaphore, #tpu.memory_space<semaphore_mem>>)
      %dma_start3A_180 = arith.constant 3 : i32
      %dma_start3A_181 = arith.constant 64 : i32
      %dma_start3A_182 = arith.constant 0 : i32
      %dma_start3A_183 = tpu.memref_slice %arg10[%dma_start3A_181, %dma_start3A_182] : memref<128x128xf32, #tpu.memory_space<vmem>> -> memref<64x128xf32, #tpu.memory_space<vmem>>
      %dma_start3A_184 = arith.constant 64 : i32
      %dma_start3A_185 = tpu.memref_slice %arg7[%dma_start3A_180, %dma_start3A_184] : memref<8x128xi32, #tpu.memory_space<vmem>> -> memref<1x64xi32, #tpu.memory_space<vmem>>
      %dma_start3A_186 = tpu.memref_squeeze %dma_start3A_185 : memref<1x64xi32, #tpu.memory_space<vmem>> -> memref<64xi32, #tpu.memory_space<vmem>>
      %dma_start3A_187 = arith.constant 0 : i32
      %dma_start3A_188 = arith.constant 0 : i32
      %dma_start3A_189 = tpu.memref_slice %arg2[%dma_start3A_187, %dma_start3A_188] : memref<20000x128xf32, #tpu.memory_space<hbm>> -> memref<20000x128xf32, #tpu.memory_space<hbm>>
      tpu.enqueue_indirect_dma source(%dma_start3A_189 : memref<20000x128xf32, #tpu.memory_space<hbm>>) target(%dma_start3A_183 : memref<64x128xf32, #tpu.memory_space<vmem>>) offsets(%dma_start3A_186 : memref<64xi32, #tpu.memory_space<vmem>>) semaphore(%arg12 : memref<!tpu.dma_semaphore, #tpu.memory_space<semaphore_mem>>)
      %dma_wait3A_190 = arith.constant 2 : i32
      %dma_wait3A_191 = arith.constant 0 : i32
      %dma_wait3A_192 = arith.constant 0 : i32
      %dma_wait3A_193 = tpu.memref_slice %arg9[%dma_wait3A_191, %dma_wait3A_192] : memref<128x128xf32, #tpu.memory_space<vmem>> -> memref<64x128xf32, #tpu.memory_space<vmem>>
      %dma_wait3A_194 = arith.constant 0 : i32
      %dma_wait3A_195 = tpu.memref_slice %arg7[%dma_wait3A_190, %dma_wait3A_194] : memref<8x128xi32, #tpu.memory_space<vmem>> -> memref<1x64xi32, #tpu.memory_space<vmem>>
      %dma_wait3A_196 = tpu.memref_squeeze %dma_wait3A_195 : memref<1x64xi32, #tpu.memory_space<vmem>> -> memref<64xi32, #tpu.memory_space<vmem>>
      %dma_wait3A_197 = arith.constant 0 : i32
      %dma_wait3A_198 = arith.constant 0 : i32
      %dma_wait3A_199 = tpu.memref_slice %arg2[%dma_wait3A_197, %dma_wait3A_198] : memref<20000x128xf32, #tpu.memory_space<hbm>> -> memref<20000x128xf32, #tpu.memory_space<hbm>>
      tpu.wait_indirect_dma semaphore(%arg11 : memref<!tpu.dma_semaphore, #tpu.memory_space<semaphore_mem>>) src(%dma_wait3A_199 : memref<20000x128xf32, #tpu.memory_space<hbm>>) dst(%dma_wait3A_193 : memref<64x128xf32, #tpu.memory_space<vmem>>)
      %dma_wait3A_200 = arith.constant 2 : i32
      %dma_wait3A_201 = arith.constant 64 : i32
      %dma_wait3A_202 = arith.constant 0 : i32
      %dma_wait3A_203 = tpu.memref_slice %arg9[%dma_wait3A_201, %dma_wait3A_202] : memref<128x128xf32, #tpu.memory_space<vmem>> -> memref<64x128xf32, #tpu.memory_space<vmem>>
      %dma_wait3A_204 = arith.constant 64 : i32
      %dma_wait3A_205 = tpu.memref_slice %arg7[%dma_wait3A_200, %dma_wait3A_204] : memref<8x128xi32, #tpu.memory_space<vmem>> -> memref<1x64xi32, #tpu.memory_space<vmem>>
      %dma_wait3A_206 = tpu.memref_squeeze %dma_wait3A_205 : memref<1x64xi32, #tpu.memory_space<vmem>> -> memref<64xi32, #tpu.memory_space<vmem>>
      %dma_wait3A_207 = arith.constant 0 : i32
      %dma_wait3A_208 = arith.constant 0 : i32
      %dma_wait3A_209 = tpu.memref_slice %arg2[%dma_wait3A_207, %dma_wait3A_208] : memref<20000x128xf32, #tpu.memory_space<hbm>> -> memref<20000x128xf32, #tpu.memory_space<hbm>>
      tpu.wait_indirect_dma semaphore(%arg11 : memref<!tpu.dma_semaphore, #tpu.memory_space<semaphore_mem>>) src(%dma_wait3A_209 : memref<20000x128xf32, #tpu.memory_space<hbm>>) dst(%dma_wait3A_203 : memref<64x128xf32, #tpu.memory_space<vmem>>)
      %dma_start3A_210 = arith.constant 2 : i32
      %dma_start3A_211 = arith.constant 0 : i32
      %dma_start3A_212 = tpu.memref_slice %arg8[%dma_start3A_210, %dma_start3A_211] : memref<8x128xi32, #tpu.memory_space<vmem>> -> memref<1x128xi32, #tpu.memory_space<vmem>>
      %dma_start3A_213 = tpu.memref_squeeze %dma_start3A_212 : memref<1x128xi32, #tpu.memory_space<vmem>> -> memref<128xi32, #tpu.memory_space<vmem>>
      %dma_start3A_214 = arith.constant 0 : i32
      %dma_start3A_215 = arith.constant 0 : i32
      %dma_start3A_216 = tpu.memref_slice %arg6[%dma_start3A_214, %dma_start3A_215] : memref<10112x128xf32, #tpu.memory_space<vmem_shared>> -> memref<10112x128xf32, #tpu.memory_space<vmem_shared>>
      tpu.enqueue_indirect_dma source(%arg9 : memref<128x128xf32, #tpu.memory_space<vmem>>) target(%dma_start3A_216 : memref<10112x128xf32, #tpu.memory_space<vmem_shared>>) offsets(%dma_start3A_213 : memref<128xi32, #tpu.memory_space<vmem>>) semaphore(%arg13 : memref<!tpu.dma_semaphore, #tpu.memory_space<semaphore_mem>>) {add = true}
      %dma_wait3A_217 = arith.constant 2 : i32
      %dma_wait3A_218 = arith.constant 0 : i32
      %dma_wait3A_219 = tpu.memref_slice %arg8[%dma_wait3A_217, %dma_wait3A_218] : memref<8x128xi32, #tpu.memory_space<vmem>> -> memref<1x128xi32, #tpu.memory_space<vmem>>
      %dma_wait3A_220 = tpu.memref_squeeze %dma_wait3A_219 : memref<1x128xi32, #tpu.memory_space<vmem>> -> memref<128xi32, #tpu.memory_space<vmem>>
      %dma_wait3A_221 = arith.constant 0 : i32
      %dma_wait3A_222 = arith.constant 0 : i32
      %dma_wait3A_223 = tpu.memref_slice %arg6[%dma_wait3A_221, %dma_wait3A_222] : memref<10112x128xf32, #tpu.memory_space<vmem_shared>> -> memref<10112x128xf32, #tpu.memory_space<vmem_shared>>
      tpu.wait_indirect_dma semaphore(%arg13 : memref<!tpu.dma_semaphore, #tpu.memory_space<semaphore_mem>>) src(%arg9 : memref<128x128xf32, #tpu.memory_space<vmem>>) dst(%dma_wait3A_223 : memref<10112x128xf32, #tpu.memory_space<vmem_shared>>)
      %dma_start3A_224 = arith.constant 4 : i32
      %dma_start3A_225 = arith.constant 0 : i32
      %dma_start3A_226 = arith.constant 0 : i32
      %dma_start3A_227 = tpu.memref_slice %arg9[%dma_start3A_225, %dma_start3A_226] : memref<128x128xf32, #tpu.memory_space<vmem>> -> memref<64x128xf32, #tpu.memory_space<vmem>>
      %dma_start3A_228 = arith.constant 0 : i32
      %dma_start3A_229 = tpu.memref_slice %arg7[%dma_start3A_224, %dma_start3A_228] : memref<8x128xi32, #tpu.memory_space<vmem>> -> memref<1x64xi32, #tpu.memory_space<vmem>>
      %dma_start3A_230 = tpu.memref_squeeze %dma_start3A_229 : memref<1x64xi32, #tpu.memory_space<vmem>> -> memref<64xi32, #tpu.memory_space<vmem>>
      %dma_start3A_231 = arith.constant 0 : i32
      %dma_start3A_232 = arith.constant 0 : i32
      %dma_start3A_233 = tpu.memref_slice %arg2[%dma_start3A_231, %dma_start3A_232] : memref<20000x128xf32, #tpu.memory_space<hbm>> -> memref<20000x128xf32, #tpu.memory_space<hbm>>
      tpu.enqueue_indirect_dma source(%dma_start3A_233 : memref<20000x128xf32, #tpu.memory_space<hbm>>) target(%dma_start3A_227 : memref<64x128xf32, #tpu.memory_space<vmem>>) offsets(%dma_start3A_230 : memref<64xi32, #tpu.memory_space<vmem>>) semaphore(%arg11 : memref<!tpu.dma_semaphore, #tpu.memory_space<semaphore_mem>>)
      %dma_start3A_234 = arith.constant 4 : i32
      %dma_start3A_235 = arith.constant 64 : i32
      %dma_start3A_236 = arith.constant 0 : i32
      %dma_start3A_237 = tpu.memref_slice %arg9[%dma_start3A_235, %dma_start3A_236] : memref<128x128xf32, #tpu.memory_space<vmem>> -> memref<64x128xf32, #tpu.memory_space<vmem>>
      %dma_start3A_238 = arith.constant 64 : i32
      %dma_start3A_239 = tpu.memref_slice %arg7[%dma_start3A_234, %dma_start3A_238] : memref<8x128xi32, #tpu.memory_space<vmem>> -> memref<1x64xi32, #tpu.memory_space<vmem>>
      %dma_start3A_240 = tpu.memref_squeeze %dma_start3A_239 : memref<1x64xi32, #tpu.memory_space<vmem>> -> memref<64xi32, #tpu.memory_space<vmem>>
      %dma_start3A_241 = arith.constant 0 : i32
      %dma_start3A_242 = arith.constant 0 : i32
      %dma_start3A_243 = tpu.memref_slice %arg2[%dma_start3A_241, %dma_start3A_242] : memref<20000x128xf32, #tpu.memory_space<hbm>> -> memref<20000x128xf32, #tpu.memory_space<hbm>>
      tpu.enqueue_indirect_dma source(%dma_start3A_243 : memref<20000x128xf32, #tpu.memory_space<hbm>>) target(%dma_start3A_237 : memref<64x128xf32, #tpu.memory_space<vmem>>) offsets(%dma_start3A_240 : memref<64xi32, #tpu.memory_space<vmem>>) semaphore(%arg11 : memref<!tpu.dma_semaphore, #tpu.memory_space<semaphore_mem>>)
      %dma_wait3A_244 = arith.constant 3 : i32
      %dma_wait3A_245 = arith.constant 0 : i32
      %dma_wait3A_246 = arith.constant 0 : i32
      %dma_wait3A_247 = tpu.memref_slice %arg10[%dma_wait3A_245, %dma_wait3A_246] : memref<128x128xf32, #tpu.memory_space<vmem>> -> memref<64x128xf32, #tpu.memory_space<vmem>>
      %dma_wait3A_248 = arith.constant 0 : i32
      %dma_wait3A_249 = tpu.memref_slice %arg7[%dma_wait3A_244, %dma_wait3A_248] : memref<8x128xi32, #tpu.memory_space<vmem>> -> memref<1x64xi32, #tpu.memory_space<vmem>>
      %dma_wait3A_250 = tpu.memref_squeeze %dma_wait3A_249 : memref<1x64xi32, #tpu.memory_space<vmem>> -> memref<64xi32, #tpu.memory_space<vmem>>
      %dma_wait3A_251 = arith.constant 0 : i32
      %dma_wait3A_252 = arith.constant 0 : i32
      %dma_wait3A_253 = tpu.memref_slice %arg2[%dma_wait3A_251, %dma_wait3A_252] : memref<20000x128xf32, #tpu.memory_space<hbm>> -> memref<20000x128xf32, #tpu.memory_space<hbm>>
      tpu.wait_indirect_dma semaphore(%arg12 : memref<!tpu.dma_semaphore, #tpu.memory_space<semaphore_mem>>) src(%dma_wait3A_253 : memref<20000x128xf32, #tpu.memory_space<hbm>>) dst(%dma_wait3A_247 : memref<64x128xf32, #tpu.memory_space<vmem>>)
      %dma_wait3A_254 = arith.constant 3 : i32
      %dma_wait3A_255 = arith.constant 64 : i32
      %dma_wait3A_256 = arith.constant 0 : i32
      %dma_wait3A_257 = tpu.memref_slice %arg10[%dma_wait3A_255, %dma_wait3A_256] : memref<128x128xf32, #tpu.memory_space<vmem>> -> memref<64x128xf32, #tpu.memory_space<vmem>>
      %dma_wait3A_258 = arith.constant 64 : i32
      %dma_wait3A_259 = tpu.memref_slice %arg7[%dma_wait3A_254, %dma_wait3A_258] : memref<8x128xi32, #tpu.memory_space<vmem>> -> memref<1x64xi32, #tpu.memory_space<vmem>>
      %dma_wait3A_260 = tpu.memref_squeeze %dma_wait3A_259 : memref<1x64xi32, #tpu.memory_space<vmem>> -> memref<64xi32, #tpu.memory_space<vmem>>
      %dma_wait3A_261 = arith.constant 0 : i32
      %dma_wait3A_262 = arith.constant 0 : i32
      %dma_wait3A_263 = tpu.memref_slice %arg2[%dma_wait3A_261, %dma_wait3A_262] : memref<20000x128xf32, #tpu.memory_space<hbm>> -> memref<20000x128xf32, #tpu.memory_space<hbm>>
      tpu.wait_indirect_dma semaphore(%arg12 : memref<!tpu.dma_semaphore, #tpu.memory_space<semaphore_mem>>) src(%dma_wait3A_263 : memref<20000x128xf32, #tpu.memory_space<hbm>>) dst(%dma_wait3A_257 : memref<64x128xf32, #tpu.memory_space<vmem>>)
      %dma_start3A_264 = arith.constant 3 : i32
      %dma_start3A_265 = arith.constant 0 : i32
      %dma_start3A_266 = tpu.memref_slice %arg8[%dma_start3A_264, %dma_start3A_265] : memref<8x128xi32, #tpu.memory_space<vmem>> -> memref<1x128xi32, #tpu.memory_space<vmem>>
      %dma_start3A_267 = tpu.memref_squeeze %dma_start3A_266 : memref<1x128xi32, #tpu.memory_space<vmem>> -> memref<128xi32, #tpu.memory_space<vmem>>
      %dma_start3A_268 = arith.constant 0 : i32
      %dma_start3A_269 = arith.constant 0 : i32
      %dma_start3A_270 = tpu.memref_slice %arg6[%dma_start3A_268, %dma_start3A_269] : memref<10112x128xf32, #tpu.memory_space<vmem_shared>> -> memref<10112x128xf32, #tpu.memory_space<vmem_shared>>
      tpu.enqueue_indirect_dma source(%arg10 : memref<128x128xf32, #tpu.memory_space<vmem>>) target(%dma_start3A_270 : memref<10112x128xf32, #tpu.memory_space<vmem_shared>>) offsets(%dma_start3A_267 : memref<128xi32, #tpu.memory_space<vmem>>) semaphore(%arg14 : memref<!tpu.dma_semaphore, #tpu.memory_space<semaphore_mem>>) {add = true}
      %dma_wait3A_271 = arith.constant 3 : i32
      %dma_wait3A_272 = arith.constant 0 : i32
      %dma_wait3A_273 = tpu.memref_slice %arg8[%dma_wait3A_271, %dma_wait3A_272] : memref<8x128xi32, #tpu.memory_space<vmem>> -> memref<1x128xi32, #tpu.memory_space<vmem>>
      %dma_wait3A_274 = tpu.memref_squeeze %dma_wait3A_273 : memref<1x128xi32, #tpu.memory_space<vmem>> -> memref<128xi32, #tpu.memory_space<vmem>>
      %dma_wait3A_275 = arith.constant 0 : i32
      %dma_wait3A_276 = arith.constant 0 : i32
      %dma_wait3A_277 = tpu.memref_slice %arg6[%dma_wait3A_275, %dma_wait3A_276] : memref<10112x128xf32, #tpu.memory_space<vmem_shared>> -> memref<10112x128xf32, #tpu.memory_space<vmem_shared>>
      tpu.wait_indirect_dma semaphore(%arg14 : memref<!tpu.dma_semaphore, #tpu.memory_space<semaphore_mem>>) src(%arg10 : memref<128x128xf32, #tpu.memory_space<vmem>>) dst(%dma_wait3A_277 : memref<10112x128xf32, #tpu.memory_space<vmem_shared>>)
      %dma_start3A_278 = arith.constant 5 : i32
      %dma_start3A_279 = arith.constant 0 : i32
      %dma_start3A_280 = arith.constant 0 : i32
      %dma_start3A_281 = tpu.memref_slice %arg10[%dma_start3A_279, %dma_start3A_280] : memref<128x128xf32, #tpu.memory_space<vmem>> -> memref<64x128xf32, #tpu.memory_space<vmem>>
      %dma_start3A_282 = arith.constant 0 : i32
      %dma_start3A_283 = tpu.memref_slice %arg7[%dma_start3A_278, %dma_start3A_282] : memref<8x128xi32, #tpu.memory_space<vmem>> -> memref<1x64xi32, #tpu.memory_space<vmem>>
      %dma_start3A_284 = tpu.memref_squeeze %dma_start3A_283 : memref<1x64xi32, #tpu.memory_space<vmem>> -> memref<64xi32, #tpu.memory_space<vmem>>
      %dma_start3A_285 = arith.constant 0 : i32
      %dma_start3A_286 = arith.constant 0 : i32
      %dma_start3A_287 = tpu.memref_slice %arg2[%dma_start3A_285, %dma_start3A_286] : memref<20000x128xf32, #tpu.memory_space<hbm>> -> memref<20000x128xf32, #tpu.memory_space<hbm>>
      tpu.enqueue_indirect_dma source(%dma_start3A_287 : memref<20000x128xf32, #tpu.memory_space<hbm>>) target(%dma_start3A_281 : memref<64x128xf32, #tpu.memory_space<vmem>>) offsets(%dma_start3A_284 : memref<64xi32, #tpu.memory_space<vmem>>) semaphore(%arg12 : memref<!tpu.dma_semaphore, #tpu.memory_space<semaphore_mem>>)
      %dma_start3A_288 = arith.constant 5 : i32
      %dma_start3A_289 = arith.constant 64 : i32
      %dma_start3A_290 = arith.constant 0 : i32
      %dma_start3A_291 = tpu.memref_slice %arg10[%dma_start3A_289, %dma_start3A_290] : memref<128x128xf32, #tpu.memory_space<vmem>> -> memref<64x128xf32, #tpu.memory_space<vmem>>
      %dma_start3A_292 = arith.constant 64 : i32
      %dma_start3A_293 = tpu.memref_slice %arg7[%dma_start3A_288, %dma_start3A_292] : memref<8x128xi32, #tpu.memory_space<vmem>> -> memref<1x64xi32, #tpu.memory_space<vmem>>
      %dma_start3A_294 = tpu.memref_squeeze %dma_start3A_293 : memref<1x64xi32, #tpu.memory_space<vmem>> -> memref<64xi32, #tpu.memory_space<vmem>>
      %dma_start3A_295 = arith.constant 0 : i32
      %dma_start3A_296 = arith.constant 0 : i32
      %dma_start3A_297 = tpu.memref_slice %arg2[%dma_start3A_295, %dma_start3A_296] : memref<20000x128xf32, #tpu.memory_space<hbm>> -> memref<20000x128xf32, #tpu.memory_space<hbm>>
      tpu.enqueue_indirect_dma source(%dma_start3A_297 : memref<20000x128xf32, #tpu.memory_space<hbm>>) target(%dma_start3A_291 : memref<64x128xf32, #tpu.memory_space<vmem>>) offsets(%dma_start3A_294 : memref<64xi32, #tpu.memory_space<vmem>>) semaphore(%arg12 : memref<!tpu.dma_semaphore, #tpu.memory_space<semaphore_mem>>)
      %dma_wait3A_298 = arith.constant 4 : i32
      %dma_wait3A_299 = arith.constant 0 : i32
      %dma_wait3A_300 = arith.constant 0 : i32
      %dma_wait3A_301 = tpu.memref_slice %arg9[%dma_wait3A_299, %dma_wait3A_300] : memref<128x128xf32, #tpu.memory_space<vmem>> -> memref<64x128xf32, #tpu.memory_space<vmem>>
      %dma_wait3A_302 = arith.constant 0 : i32
      %dma_wait3A_303 = tpu.memref_slice %arg7[%dma_wait3A_298, %dma_wait3A_302] : memref<8x128xi32, #tpu.memory_space<vmem>> -> memref<1x64xi32, #tpu.memory_space<vmem>>
      %dma_wait3A_304 = tpu.memref_squeeze %dma_wait3A_303 : memref<1x64xi32, #tpu.memory_space<vmem>> -> memref<64xi32, #tpu.memory_space<vmem>>
      %dma_wait3A_305 = arith.constant 0 : i32
      %dma_wait3A_306 = arith.constant 0 : i32
      %dma_wait3A_307 = tpu.memref_slice %arg2[%dma_wait3A_305, %dma_wait3A_306] : memref<20000x128xf32, #tpu.memory_space<hbm>> -> memref<20000x128xf32, #tpu.memory_space<hbm>>
      tpu.wait_indirect_dma semaphore(%arg11 : memref<!tpu.dma_semaphore, #tpu.memory_space<semaphore_mem>>) src(%dma_wait3A_307 : memref<20000x128xf32, #tpu.memory_space<hbm>>) dst(%dma_wait3A_301 : memref<64x128xf32, #tpu.memory_space<vmem>>)
      %dma_wait3A_308 = arith.constant 4 : i32
      %dma_wait3A_309 = arith.constant 64 : i32
      %dma_wait3A_310 = arith.constant 0 : i32
      %dma_wait3A_311 = tpu.memref_slice %arg9[%dma_wait3A_309, %dma_wait3A_310] : memref<128x128xf32, #tpu.memory_space<vmem>> -> memref<64x128xf32, #tpu.memory_space<vmem>>
      %dma_wait3A_312 = arith.constant 64 : i32
      %dma_wait3A_313 = tpu.memref_slice %arg7[%dma_wait3A_308, %dma_wait3A_312] : memref<8x128xi32, #tpu.memory_space<vmem>> -> memref<1x64xi32, #tpu.memory_space<vmem>>
      %dma_wait3A_314 = tpu.memref_squeeze %dma_wait3A_313 : memref<1x64xi32, #tpu.memory_space<vmem>> -> memref<64xi32, #tpu.memory_space<vmem>>
      %dma_wait3A_315 = arith.constant 0 : i32
      %dma_wait3A_316 = arith.constant 0 : i32
      %dma_wait3A_317 = tpu.memref_slice %arg2[%dma_wait3A_315, %dma_wait3A_316] : memref<20000x128xf32, #tpu.memory_space<hbm>> -> memref<20000x128xf32, #tpu.memory_space<hbm>>
      tpu.wait_indirect_dma semaphore(%arg11 : memref<!tpu.dma_semaphore, #tpu.memory_space<semaphore_mem>>) src(%dma_wait3A_317 : memref<20000x128xf32, #tpu.memory_space<hbm>>) dst(%dma_wait3A_311 : memref<64x128xf32, #tpu.memory_space<vmem>>)
      %dma_start3A_318 = arith.constant 4 : i32
      %dma_start3A_319 = arith.constant 0 : i32
      %dma_start3A_320 = tpu.memref_slice %arg8[%dma_start3A_318, %dma_start3A_319] : memref<8x128xi32, #tpu.memory_space<vmem>> -> memref<1x128xi32, #tpu.memory_space<vmem>>
      %dma_start3A_321 = tpu.memref_squeeze %dma_start3A_320 : memref<1x128xi32, #tpu.memory_space<vmem>> -> memref<128xi32, #tpu.memory_space<vmem>>
      %dma_start3A_322 = arith.constant 0 : i32
      %dma_start3A_323 = arith.constant 0 : i32
      %dma_start3A_324 = tpu.memref_slice %arg6[%dma_start3A_322, %dma_start3A_323] : memref<10112x128xf32, #tpu.memory_space<vmem_shared>> -> memref<10112x128xf32, #tpu.memory_space<vmem_shared>>
      tpu.enqueue_indirect_dma source(%arg9 : memref<128x128xf32, #tpu.memory_space<vmem>>) target(%dma_start3A_324 : memref<10112x128xf32, #tpu.memory_space<vmem_shared>>) offsets(%dma_start3A_321 : memref<128xi32, #tpu.memory_space<vmem>>) semaphore(%arg13 : memref<!tpu.dma_semaphore, #tpu.memory_space<semaphore_mem>>) {add = true}
      %dma_wait3A_325 = arith.constant 4 : i32
      %dma_wait3A_326 = arith.constant 0 : i32
      %dma_wait3A_327 = tpu.memref_slice %arg8[%dma_wait3A_325, %dma_wait3A_326] : memref<8x128xi32, #tpu.memory_space<vmem>> -> memref<1x128xi32, #tpu.memory_space<vmem>>
      %dma_wait3A_328 = tpu.memref_squeeze %dma_wait3A_327 : memref<1x128xi32, #tpu.memory_space<vmem>> -> memref<128xi32, #tpu.memory_space<vmem>>
      %dma_wait3A_329 = arith.constant 0 : i32
      %dma_wait3A_330 = arith.constant 0 : i32
      %dma_wait3A_331 = tpu.memref_slice %arg6[%dma_wait3A_329, %dma_wait3A_330] : memref<10112x128xf32, #tpu.memory_space<vmem_shared>> -> memref<10112x128xf32, #tpu.memory_space<vmem_shared>>
      tpu.wait_indirect_dma semaphore(%arg13 : memref<!tpu.dma_semaphore, #tpu.memory_space<semaphore_mem>>) src(%arg9 : memref<128x128xf32, #tpu.memory_space<vmem>>) dst(%dma_wait3A_331 : memref<10112x128xf32, #tpu.memory_space<vmem_shared>>)
      %dma_start3A_332 = arith.constant 6 : i32
      %dma_start3A_333 = arith.constant 0 : i32
      %dma_start3A_334 = arith.constant 0 : i32
      %dma_start3A_335 = tpu.memref_slice %arg9[%dma_start3A_333, %dma_start3A_334] : memref<128x128xf32, #tpu.memory_space<vmem>> -> memref<64x128xf32, #tpu.memory_space<vmem>>
      %dma_start3A_336 = arith.constant 0 : i32
      %dma_start3A_337 = tpu.memref_slice %arg7[%dma_start3A_332, %dma_start3A_336] : memref<8x128xi32, #tpu.memory_space<vmem>> -> memref<1x64xi32, #tpu.memory_space<vmem>>
      %dma_start3A_338 = tpu.memref_squeeze %dma_start3A_337 : memref<1x64xi32, #tpu.memory_space<vmem>> -> memref<64xi32, #tpu.memory_space<vmem>>
      %dma_start3A_339 = arith.constant 0 : i32
      %dma_start3A_340 = arith.constant 0 : i32
      %dma_start3A_341 = tpu.memref_slice %arg2[%dma_start3A_339, %dma_start3A_340] : memref<20000x128xf32, #tpu.memory_space<hbm>> -> memref<20000x128xf32, #tpu.memory_space<hbm>>
      tpu.enqueue_indirect_dma source(%dma_start3A_341 : memref<20000x128xf32, #tpu.memory_space<hbm>>) target(%dma_start3A_335 : memref<64x128xf32, #tpu.memory_space<vmem>>) offsets(%dma_start3A_338 : memref<64xi32, #tpu.memory_space<vmem>>) semaphore(%arg11 : memref<!tpu.dma_semaphore, #tpu.memory_space<semaphore_mem>>)
      %dma_start3A_342 = arith.constant 6 : i32
      %dma_start3A_343 = arith.constant 64 : i32
      %dma_start3A_344 = arith.constant 0 : i32
      %dma_start3A_345 = tpu.memref_slice %arg9[%dma_start3A_343, %dma_start3A_344] : memref<128x128xf32, #tpu.memory_space<vmem>> -> memref<64x128xf32, #tpu.memory_space<vmem>>
      %dma_start3A_346 = arith.constant 64 : i32
      %dma_start3A_347 = tpu.memref_slice %arg7[%dma_start3A_342, %dma_start3A_346] : memref<8x128xi32, #tpu.memory_space<vmem>> -> memref<1x64xi32, #tpu.memory_space<vmem>>
      %dma_start3A_348 = tpu.memref_squeeze %dma_start3A_347 : memref<1x64xi32, #tpu.memory_space<vmem>> -> memref<64xi32, #tpu.memory_space<vmem>>
      %dma_start3A_349 = arith.constant 0 : i32
      %dma_start3A_350 = arith.constant 0 : i32
      %dma_start3A_351 = tpu.memref_slice %arg2[%dma_start3A_349, %dma_start3A_350] : memref<20000x128xf32, #tpu.memory_space<hbm>> -> memref<20000x128xf32, #tpu.memory_space<hbm>>
      tpu.enqueue_indirect_dma source(%dma_start3A_351 : memref<20000x128xf32, #tpu.memory_space<hbm>>) target(%dma_start3A_345 : memref<64x128xf32, #tpu.memory_space<vmem>>) offsets(%dma_start3A_348 : memref<64xi32, #tpu.memory_space<vmem>>) semaphore(%arg11 : memref<!tpu.dma_semaphore, #tpu.memory_space<semaphore_mem>>)
      %dma_wait3A_352 = arith.constant 5 : i32
      %dma_wait3A_353 = arith.constant 0 : i32
      %dma_wait3A_354 = arith.constant 0 : i32
      %dma_wait3A_355 = tpu.memref_slice %arg10[%dma_wait3A_353, %dma_wait3A_354] : memref<128x128xf32, #tpu.memory_space<vmem>> -> memref<64x128xf32, #tpu.memory_space<vmem>>
      %dma_wait3A_356 = arith.constant 0 : i32
      %dma_wait3A_357 = tpu.memref_slice %arg7[%dma_wait3A_352, %dma_wait3A_356] : memref<8x128xi32, #tpu.memory_space<vmem>> -> memref<1x64xi32, #tpu.memory_space<vmem>>
      %dma_wait3A_358 = tpu.memref_squeeze %dma_wait3A_357 : memref<1x64xi32, #tpu.memory_space<vmem>> -> memref<64xi32, #tpu.memory_space<vmem>>
      %dma_wait3A_359 = arith.constant 0 : i32
      %dma_wait3A_360 = arith.constant 0 : i32
      %dma_wait3A_361 = tpu.memref_slice %arg2[%dma_wait3A_359, %dma_wait3A_360] : memref<20000x128xf32, #tpu.memory_space<hbm>> -> memref<20000x128xf32, #tpu.memory_space<hbm>>
      tpu.wait_indirect_dma semaphore(%arg12 : memref<!tpu.dma_semaphore, #tpu.memory_space<semaphore_mem>>) src(%dma_wait3A_361 : memref<20000x128xf32, #tpu.memory_space<hbm>>) dst(%dma_wait3A_355 : memref<64x128xf32, #tpu.memory_space<vmem>>)
      %dma_wait3A_362 = arith.constant 5 : i32
      %dma_wait3A_363 = arith.constant 64 : i32
      %dma_wait3A_364 = arith.constant 0 : i32
      %dma_wait3A_365 = tpu.memref_slice %arg10[%dma_wait3A_363, %dma_wait3A_364] : memref<128x128xf32, #tpu.memory_space<vmem>> -> memref<64x128xf32, #tpu.memory_space<vmem>>
      %dma_wait3A_366 = arith.constant 64 : i32
      %dma_wait3A_367 = tpu.memref_slice %arg7[%dma_wait3A_362, %dma_wait3A_366] : memref<8x128xi32, #tpu.memory_space<vmem>> -> memref<1x64xi32, #tpu.memory_space<vmem>>
      %dma_wait3A_368 = tpu.memref_squeeze %dma_wait3A_367 : memref<1x64xi32, #tpu.memory_space<vmem>> -> memref<64xi32, #tpu.memory_space<vmem>>
      %dma_wait3A_369 = arith.constant 0 : i32
      %dma_wait3A_370 = arith.constant 0 : i32
      %dma_wait3A_371 = tpu.memref_slice %arg2[%dma_wait3A_369, %dma_wait3A_370] : memref<20000x128xf32, #tpu.memory_space<hbm>> -> memref<20000x128xf32, #tpu.memory_space<hbm>>
      tpu.wait_indirect_dma semaphore(%arg12 : memref<!tpu.dma_semaphore, #tpu.memory_space<semaphore_mem>>) src(%dma_wait3A_371 : memref<20000x128xf32, #tpu.memory_space<hbm>>) dst(%dma_wait3A_365 : memref<64x128xf32, #tpu.memory_space<vmem>>)
      %dma_start3A_372 = arith.constant 5 : i32
      %dma_start3A_373 = arith.constant 0 : i32
      %dma_start3A_374 = tpu.memref_slice %arg8[%dma_start3A_372, %dma_start3A_373] : memref<8x128xi32, #tpu.memory_space<vmem>> -> memref<1x128xi32, #tpu.memory_space<vmem>>
      %dma_start3A_375 = tpu.memref_squeeze %dma_start3A_374 : memref<1x128xi32, #tpu.memory_space<vmem>> -> memref<128xi32, #tpu.memory_space<vmem>>
      %dma_start3A_376 = arith.constant 0 : i32
      %dma_start3A_377 = arith.constant 0 : i32
      %dma_start3A_378 = tpu.memref_slice %arg6[%dma_start3A_376, %dma_start3A_377] : memref<10112x128xf32, #tpu.memory_space<vmem_shared>> -> memref<10112x128xf32, #tpu.memory_space<vmem_shared>>
      tpu.enqueue_indirect_dma source(%arg10 : memref<128x128xf32, #tpu.memory_space<vmem>>) target(%dma_start3A_378 : memref<10112x128xf32, #tpu.memory_space<vmem_shared>>) offsets(%dma_start3A_375 : memref<128xi32, #tpu.memory_space<vmem>>) semaphore(%arg14 : memref<!tpu.dma_semaphore, #tpu.memory_space<semaphore_mem>>) {add = true}
      %dma_wait3A_379 = arith.constant 5 : i32
      %dma_wait3A_380 = arith.constant 0 : i32
      %dma_wait3A_381 = tpu.memref_slice %arg8[%dma_wait3A_379, %dma_wait3A_380] : memref<8x128xi32, #tpu.memory_space<vmem>> -> memref<1x128xi32, #tpu.memory_space<vmem>>
      %dma_wait3A_382 = tpu.memref_squeeze %dma_wait3A_381 : memref<1x128xi32, #tpu.memory_space<vmem>> -> memref<128xi32, #tpu.memory_space<vmem>>
      %dma_wait3A_383 = arith.constant 0 : i32
      %dma_wait3A_384 = arith.constant 0 : i32
      %dma_wait3A_385 = tpu.memref_slice %arg6[%dma_wait3A_383, %dma_wait3A_384] : memref<10112x128xf32, #tpu.memory_space<vmem_shared>> -> memref<10112x128xf32, #tpu.memory_space<vmem_shared>>
      tpu.wait_indirect_dma semaphore(%arg14 : memref<!tpu.dma_semaphore, #tpu.memory_space<semaphore_mem>>) src(%arg10 : memref<128x128xf32, #tpu.memory_space<vmem>>) dst(%dma_wait3A_385 : memref<10112x128xf32, #tpu.memory_space<vmem_shared>>)
      %dma_start3A_386 = arith.constant 7 : i32
      %dma_start3A_387 = arith.constant 0 : i32
      %dma_start3A_388 = arith.constant 0 : i32
      %dma_start3A_389 = tpu.memref_slice %arg10[%dma_start3A_387, %dma_start3A_388] : memref<128x128xf32, #tpu.memory_space<vmem>> -> memref<64x128xf32, #tpu.memory_space<vmem>>
      %dma_start3A_390 = arith.constant 0 : i32
      %dma_start3A_391 = tpu.memref_slice %arg7[%dma_start3A_386, %dma_start3A_390] : memref<8x128xi32, #tpu.memory_space<vmem>> -> memref<1x64xi32, #tpu.memory_space<vmem>>
      %dma_start3A_392 = tpu.memref_squeeze %dma_start3A_391 : memref<1x64xi32, #tpu.memory_space<vmem>> -> memref<64xi32, #tpu.memory_space<vmem>>
      %dma_start3A_393 = arith.constant 0 : i32
      %dma_start3A_394 = arith.constant 0 : i32
      %dma_start3A_395 = tpu.memref_slice %arg2[%dma_start3A_393, %dma_start3A_394] : memref<20000x128xf32, #tpu.memory_space<hbm>> -> memref<20000x128xf32, #tpu.memory_space<hbm>>
      tpu.enqueue_indirect_dma source(%dma_start3A_395 : memref<20000x128xf32, #tpu.memory_space<hbm>>) target(%dma_start3A_389 : memref<64x128xf32, #tpu.memory_space<vmem>>) offsets(%dma_start3A_392 : memref<64xi32, #tpu.memory_space<vmem>>) semaphore(%arg12 : memref<!tpu.dma_semaphore, #tpu.memory_space<semaphore_mem>>)
      %dma_start3A_396 = arith.constant 7 : i32
      %dma_start3A_397 = arith.constant 64 : i32
      %dma_start3A_398 = arith.constant 0 : i32
      %dma_start3A_399 = tpu.memref_slice %arg10[%dma_start3A_397, %dma_start3A_398] : memref<128x128xf32, #tpu.memory_space<vmem>> -> memref<64x128xf32, #tpu.memory_space<vmem>>
      %dma_start3A_400 = arith.constant 64 : i32
      %dma_start3A_401 = tpu.memref_slice %arg7[%dma_start3A_396, %dma_start3A_400] : memref<8x128xi32, #tpu.memory_space<vmem>> -> memref<1x64xi32, #tpu.memory_space<vmem>>
      %dma_start3A_402 = tpu.memref_squeeze %dma_start3A_401 : memref<1x64xi32, #tpu.memory_space<vmem>> -> memref<64xi32, #tpu.memory_space<vmem>>
      %dma_start3A_403 = arith.constant 0 : i32
      %dma_start3A_404 = arith.constant 0 : i32
      %dma_start3A_405 = tpu.memref_slice %arg2[%dma_start3A_403, %dma_start3A_404] : memref<20000x128xf32, #tpu.memory_space<hbm>> -> memref<20000x128xf32, #tpu.memory_space<hbm>>
      tpu.enqueue_indirect_dma source(%dma_start3A_405 : memref<20000x128xf32, #tpu.memory_space<hbm>>) target(%dma_start3A_399 : memref<64x128xf32, #tpu.memory_space<vmem>>) offsets(%dma_start3A_402 : memref<64xi32, #tpu.memory_space<vmem>>) semaphore(%arg12 : memref<!tpu.dma_semaphore, #tpu.memory_space<semaphore_mem>>)
      %dma_wait3A_406 = arith.constant 6 : i32
      %dma_wait3A_407 = arith.constant 0 : i32
      %dma_wait3A_408 = arith.constant 0 : i32
      %dma_wait3A_409 = tpu.memref_slice %arg9[%dma_wait3A_407, %dma_wait3A_408] : memref<128x128xf32, #tpu.memory_space<vmem>> -> memref<64x128xf32, #tpu.memory_space<vmem>>
      %dma_wait3A_410 = arith.constant 0 : i32
      %dma_wait3A_411 = tpu.memref_slice %arg7[%dma_wait3A_406, %dma_wait3A_410] : memref<8x128xi32, #tpu.memory_space<vmem>> -> memref<1x64xi32, #tpu.memory_space<vmem>>
      %dma_wait3A_412 = tpu.memref_squeeze %dma_wait3A_411 : memref<1x64xi32, #tpu.memory_space<vmem>> -> memref<64xi32, #tpu.memory_space<vmem>>
      %dma_wait3A_413 = arith.constant 0 : i32
      %dma_wait3A_414 = arith.constant 0 : i32
      %dma_wait3A_415 = tpu.memref_slice %arg2[%dma_wait3A_413, %dma_wait3A_414] : memref<20000x128xf32, #tpu.memory_space<hbm>> -> memref<20000x128xf32, #tpu.memory_space<hbm>>
      tpu.wait_indirect_dma semaphore(%arg11 : memref<!tpu.dma_semaphore, #tpu.memory_space<semaphore_mem>>) src(%dma_wait3A_415 : memref<20000x128xf32, #tpu.memory_space<hbm>>) dst(%dma_wait3A_409 : memref<64x128xf32, #tpu.memory_space<vmem>>)
      %dma_wait3A_416 = arith.constant 6 : i32
      %dma_wait3A_417 = arith.constant 64 : i32
      %dma_wait3A_418 = arith.constant 0 : i32
      %dma_wait3A_419 = tpu.memref_slice %arg9[%dma_wait3A_417, %dma_wait3A_418] : memref<128x128xf32, #tpu.memory_space<vmem>> -> memref<64x128xf32, #tpu.memory_space<vmem>>
      %dma_wait3A_420 = arith.constant 64 : i32
      %dma_wait3A_421 = tpu.memref_slice %arg7[%dma_wait3A_416, %dma_wait3A_420] : memref<8x128xi32, #tpu.memory_space<vmem>> -> memref<1x64xi32, #tpu.memory_space<vmem>>
      %dma_wait3A_422 = tpu.memref_squeeze %dma_wait3A_421 : memref<1x64xi32, #tpu.memory_space<vmem>> -> memref<64xi32, #tpu.memory_space<vmem>>
      %dma_wait3A_423 = arith.constant 0 : i32
      %dma_wait3A_424 = arith.constant 0 : i32
      %dma_wait3A_425 = tpu.memref_slice %arg2[%dma_wait3A_423, %dma_wait3A_424] : memref<20000x128xf32, #tpu.memory_space<hbm>> -> memref<20000x128xf32, #tpu.memory_space<hbm>>
      tpu.wait_indirect_dma semaphore(%arg11 : memref<!tpu.dma_semaphore, #tpu.memory_space<semaphore_mem>>) src(%dma_wait3A_425 : memref<20000x128xf32, #tpu.memory_space<hbm>>) dst(%dma_wait3A_419 : memref<64x128xf32, #tpu.memory_space<vmem>>)
      %dma_start3A_426 = arith.constant 6 : i32
      %dma_start3A_427 = arith.constant 0 : i32
      %dma_start3A_428 = tpu.memref_slice %arg8[%dma_start3A_426, %dma_start3A_427] : memref<8x128xi32, #tpu.memory_space<vmem>> -> memref<1x128xi32, #tpu.memory_space<vmem>>
      %dma_start3A_429 = tpu.memref_squeeze %dma_start3A_428 : memref<1x128xi32, #tpu.memory_space<vmem>> -> memref<128xi32, #tpu.memory_space<vmem>>
      %dma_start3A_430 = arith.constant 0 : i32
      %dma_start3A_431 = arith.constant 0 : i32
      %dma_start3A_432 = tpu.memref_slice %arg6[%dma_start3A_430, %dma_start3A_431] : memref<10112x128xf32, #tpu.memory_space<vmem_shared>> -> memref<10112x128xf32, #tpu.memory_space<vmem_shared>>
      tpu.enqueue_indirect_dma source(%arg9 : memref<128x128xf32, #tpu.memory_space<vmem>>) target(%dma_start3A_432 : memref<10112x128xf32, #tpu.memory_space<vmem_shared>>) offsets(%dma_start3A_429 : memref<128xi32, #tpu.memory_space<vmem>>) semaphore(%arg13 : memref<!tpu.dma_semaphore, #tpu.memory_space<semaphore_mem>>) {add = true}
      %dma_wait3A_433 = arith.constant 7 : i32
      %dma_wait3A_434 = arith.constant 0 : i32
      %dma_wait3A_435 = arith.constant 0 : i32
      %dma_wait3A_436 = tpu.memref_slice %arg10[%dma_wait3A_434, %dma_wait3A_435] : memref<128x128xf32, #tpu.memory_space<vmem>> -> memref<64x128xf32, #tpu.memory_space<vmem>>
      %dma_wait3A_437 = arith.constant 0 : i32
      %dma_wait3A_438 = tpu.memref_slice %arg7[%dma_wait3A_433, %dma_wait3A_437] : memref<8x128xi32, #tpu.memory_space<vmem>> -> memref<1x64xi32, #tpu.memory_space<vmem>>
      %dma_wait3A_439 = tpu.memref_squeeze %dma_wait3A_438 : memref<1x64xi32, #tpu.memory_space<vmem>> -> memref<64xi32, #tpu.memory_space<vmem>>
      %dma_wait3A_440 = arith.constant 0 : i32
      %dma_wait3A_441 = arith.constant 0 : i32
      %dma_wait3A_442 = tpu.memref_slice %arg2[%dma_wait3A_440, %dma_wait3A_441] : memref<20000x128xf32, #tpu.memory_space<hbm>> -> memref<20000x128xf32, #tpu.memory_space<hbm>>
      tpu.wait_indirect_dma semaphore(%arg12 : memref<!tpu.dma_semaphore, #tpu.memory_space<semaphore_mem>>) src(%dma_wait3A_442 : memref<20000x128xf32, #tpu.memory_space<hbm>>) dst(%dma_wait3A_436 : memref<64x128xf32, #tpu.memory_space<vmem>>)
      %dma_wait3A_443 = arith.constant 7 : i32
      %dma_wait3A_444 = arith.constant 64 : i32
      %dma_wait3A_445 = arith.constant 0 : i32
      %dma_wait3A_446 = tpu.memref_slice %arg10[%dma_wait3A_444, %dma_wait3A_445] : memref<128x128xf32, #tpu.memory_space<vmem>> -> memref<64x128xf32, #tpu.memory_space<vmem>>
      %dma_wait3A_447 = arith.constant 64 : i32
      %dma_wait3A_448 = tpu.memref_slice %arg7[%dma_wait3A_443, %dma_wait3A_447] : memref<8x128xi32, #tpu.memory_space<vmem>> -> memref<1x64xi32, #tpu.memory_space<vmem>>
      %dma_wait3A_449 = tpu.memref_squeeze %dma_wait3A_448 : memref<1x64xi32, #tpu.memory_space<vmem>> -> memref<64xi32, #tpu.memory_space<vmem>>
      %dma_wait3A_450 = arith.constant 0 : i32
      %dma_wait3A_451 = arith.constant 0 : i32
      %dma_wait3A_452 = tpu.memref_slice %arg2[%dma_wait3A_450, %dma_wait3A_451] : memref<20000x128xf32, #tpu.memory_space<hbm>> -> memref<20000x128xf32, #tpu.memory_space<hbm>>
      tpu.wait_indirect_dma semaphore(%arg12 : memref<!tpu.dma_semaphore, #tpu.memory_space<semaphore_mem>>) src(%dma_wait3A_452 : memref<20000x128xf32, #tpu.memory_space<hbm>>) dst(%dma_wait3A_446 : memref<64x128xf32, #tpu.memory_space<vmem>>)
      %dma_start3A_453 = arith.constant 7 : i32
      %dma_start3A_454 = arith.constant 0 : i32
      %dma_start3A_455 = tpu.memref_slice %arg8[%dma_start3A_453, %dma_start3A_454] : memref<8x128xi32, #tpu.memory_space<vmem>> -> memref<1x128xi32, #tpu.memory_space<vmem>>
      %dma_start3A_456 = tpu.memref_squeeze %dma_start3A_455 : memref<1x128xi32, #tpu.memory_space<vmem>> -> memref<128xi32, #tpu.memory_space<vmem>>
      %dma_start3A_457 = arith.constant 0 : i32
      %dma_start3A_458 = arith.constant 0 : i32
      %dma_start3A_459 = tpu.memref_slice %arg6[%dma_start3A_457, %dma_start3A_458] : memref<10112x128xf32, #tpu.memory_space<vmem_shared>> -> memref<10112x128xf32, #tpu.memory_space<vmem_shared>>
      tpu.enqueue_indirect_dma source(%arg10 : memref<128x128xf32, #tpu.memory_space<vmem>>) target(%dma_start3A_459 : memref<10112x128xf32, #tpu.memory_space<vmem_shared>>) offsets(%dma_start3A_456 : memref<128xi32, #tpu.memory_space<vmem>>) semaphore(%arg14 : memref<!tpu.dma_semaphore, #tpu.memory_space<semaphore_mem>>) {add = true}
      %dma_wait3A_460 = arith.constant 6 : i32
      %dma_wait3A_461 = arith.constant 0 : i32
      %dma_wait3A_462 = tpu.memref_slice %arg8[%dma_wait3A_460, %dma_wait3A_461] : memref<8x128xi32, #tpu.memory_space<vmem>> -> memref<1x128xi32, #tpu.memory_space<vmem>>
      %dma_wait3A_463 = tpu.memref_squeeze %dma_wait3A_462 : memref<1x128xi32, #tpu.memory_space<vmem>> -> memref<128xi32, #tpu.memory_space<vmem>>
      %dma_wait3A_464 = arith.constant 0 : i32
      %dma_wait3A_465 = arith.constant 0 : i32
      %dma_wait3A_466 = tpu.memref_slice %arg6[%dma_wait3A_464, %dma_wait3A_465] : memref<10112x128xf32, #tpu.memory_space<vmem_shared>> -> memref<10112x128xf32, #tpu.memory_space<vmem_shared>>
      tpu.wait_indirect_dma semaphore(%arg13 : memref<!tpu.dma_semaphore, #tpu.memory_space<semaphore_mem>>) src(%arg9 : memref<128x128xf32, #tpu.memory_space<vmem>>) dst(%dma_wait3A_466 : memref<10112x128xf32, #tpu.memory_space<vmem_shared>>)
      %dma_wait3A_467 = arith.constant 7 : i32
      %dma_wait3A_468 = arith.constant 0 : i32
      %dma_wait3A_469 = tpu.memref_slice %arg8[%dma_wait3A_467, %dma_wait3A_468] : memref<8x128xi32, #tpu.memory_space<vmem>> -> memref<1x128xi32, #tpu.memory_space<vmem>>
      %dma_wait3A_470 = tpu.memref_squeeze %dma_wait3A_469 : memref<1x128xi32, #tpu.memory_space<vmem>> -> memref<128xi32, #tpu.memory_space<vmem>>
      %dma_wait3A_471 = arith.constant 0 : i32
      %dma_wait3A_472 = arith.constant 0 : i32
      %dma_wait3A_473 = tpu.memref_slice %arg6[%dma_wait3A_471, %dma_wait3A_472] : memref<10112x128xf32, #tpu.memory_space<vmem_shared>> -> memref<10112x128xf32, #tpu.memory_space<vmem_shared>>
      tpu.wait_indirect_dma semaphore(%arg14 : memref<!tpu.dma_semaphore, #tpu.memory_space<semaphore_mem>>) src(%arg10 : memref<128x128xf32, #tpu.memory_space<vmem>>) dst(%dma_wait3A_473 : memref<10112x128xf32, #tpu.memory_space<vmem_shared>>)
      %scan3A_474 = arith.constant 0 : i32
      scf.yield %scan3A_474 : i32
    }
    %scan3A_24 = arith.constant 10 : i32
    %barrier3A_25 = arith.constant 0 : index
    tpu.barrier barrier_id(%barrier3A_25)
    %mul3A_26 = arith.constant 10112 : i32
    %mul3A_27 = arith.muli %arg0, %mul3A_26 : i32
    %add3A_28 = arith.addi %mul3A_27, %mul3A_7 : i32
    "tpu.region"() ({
      %run_scoped3A = tpu.sem_alloc : memref<!tpu.dma_semaphore, #tpu.memory_space<semaphore_mem>>
      %dma_start3A = arith.constant 0 : i32
      %dma_start3A_29 = tpu.memref_slice %arg5[%add3A_28, %dma_start3A] : memref<20224x128xf32, #tpu.memory_space<hbm>> -> memref<632x128xf32, #tpu.memory_space<hbm>>
      %dma_start3A_30 = arith.constant 0 : i32
      %dma_start3A_31 = tpu.memref_slice %arg6[%mul3A_7, %dma_start3A_30] : memref<10112x128xf32, #tpu.memory_space<vmem_shared>> -> memref<632x128xf32, #tpu.memory_space<vmem_shared>>
      tpu.enqueue_dma source(%dma_start3A_31 : memref<632x128xf32, #tpu.memory_space<vmem_shared>>) target(%dma_start3A_29 : memref<632x128xf32, #tpu.memory_space<hbm>>) target_semaphore(%run_scoped3A : memref<!tpu.dma_semaphore, #tpu.memory_space<semaphore_mem>>)
      %dma_wait3A = arith.constant 0 : i32
      %dma_wait3A_32 = tpu.memref_slice %arg5[%add3A_28, %dma_wait3A] : memref<20224x128xf32, #tpu.memory_space<hbm>> -> memref<632x128xf32, #tpu.memory_space<hbm>>
      %dma_wait3A_33 = arith.constant 0 : i32
      %dma_wait3A_34 = tpu.memref_slice %arg6[%mul3A_7, %dma_wait3A_33] : memref<10112x128xf32, #tpu.memory_space<vmem_shared>> -> memref<632x128xf32, #tpu.memory_space<vmem_shared>>
      tpu.wait_dma2 semaphore(%run_scoped3A : memref<!tpu.dma_semaphore, #tpu.memory_space<semaphore_mem>>) src(%dma_wait3A_34 : memref<632x128xf32, #tpu.memory_space<vmem_shared>>) dst(%dma_wait3A_32 : memref<632x128xf32, #tpu.memory_space<hbm>>)
      tpu.yield
    }) : () -> ()
    return
  }
}

#map = affine_map<(d0, d1) -> (0, 0)>
#map1 = affine_map<(d0, d1) -> (0, 0, 0)>
module attributes {stable_mosaic.version = 14 : i64} {
  func.func @_sc_agg_body(%arg0: i32, %arg1: i32, %arg2: memref<20000x128xf32, #tpu.memory_space<hbm>>, %arg3: memref<160x8x128xi32, #tpu.memory_space<hbm>>, %arg4: memref<160x8x128xi32, #tpu.memory_space<hbm>>, %arg5: memref<20224x128xf32, #tpu.memory_space<hbm>>, %arg6: memref<10112x128xf32, #tpu.memory_space<vmem_shared>>, %arg7: memref<8x128xi32, #tpu.memory_space<vmem>>, %arg8: memref<8x128xi32, #tpu.memory_space<vmem>>, %arg9: memref<128x128xf32, #tpu.memory_space<vmem>>, %arg10: memref<128x128xf32, #tpu.memory_space<vmem>>, %arg11: memref<!tpu.dma_semaphore, #tpu.memory_space<semaphore_mem>>, %arg12: memref<!tpu.dma_semaphore, #tpu.memory_space<semaphore_mem>>, %arg13: memref<!tpu.dma_semaphore, #tpu.memory_space<semaphore_mem>>, %arg14: memref<!tpu.dma_semaphore, #tpu.memory_space<semaphore_mem>>) attributes {dimension_semantics = [#tpu.dimension_semantics<core_parallel>, #tpu.dimension_semantics<subcore_parallel>], iteration_bounds = array<i64: 2, 16>, scalar_prefetch = 0 : i64, scratch_operands = 9 : i64, tpu.core_type = #tpu.core_type<sc_vector_subcore>, window_params = [{transform_indices = #map}, {transform_indices = #map1}, {transform_indices = #map1}, {transform_indices = #map}]} {
    %broadcast_in_dim3A = arith.constant 0.000000e+00 : f32
    %broadcast_in_dim3A_0 = vector.broadcast %broadcast_in_dim3A : f32 to vector<16xf32>
    %scan3A = arith.constant 0 : i32
    %scan3A_1 = arith.constant 0 : i32
    %scan3A_2 = arith.constant 128 : i32
    %scan3A_3 = arith.addi %scan3A_1, %scan3A_2 : i32
    %scan3A_4 = arith.constant 1 : i32
    %scan3A_5 = scf.for %scan3A_29 = %scan3A_1 to %scan3A_3 step %scan3A_4 iter_args(%scan3A_30 = %scan3A) -> (i32)  : i32 {
      %scan3A_31 = arith.constant 0 : i32
      %scan3A_32 = arith.constant 0 : i32
      %scan3A_33 = arith.constant 8 : i32
      %scan3A_34 = arith.addi %scan3A_32, %scan3A_33 : i32
      %scan3A_35 = arith.constant 1 : i32
      %scan3A_36 = scf.for %scan3A_38 = %scan3A_32 to %scan3A_34 step %scan3A_35 iter_args(%scan3A_39 = %scan3A_31) -> (i32)  : i32 {
        %mul3A_40 = arith.constant 16 : i32
        %mul3A_41 = arith.muli %scan3A_38, %mul3A_40 : i32
        %swap3A = arith.index_cast %scan3A_29 : i32 to index
        %swap3A_42 = arith.index_cast %mul3A_41 : i32 to index
        %swap3A_43 = tpu.vector_load %arg9[%swap3A, %swap3A_42] {strides = array<i32>} : memref<128x128xf32, #tpu.memory_space<vmem>>, vector<1x16xf32>,
        %swap3A_44 = vector.shape_cast %swap3A_43 : vector<1x16xf32> to vector<16xf32>
        %swap3A_45 = vector.shape_cast %broadcast_in_dim3A_0 : vector<16xf32> to vector<1x16xf32>
        tpu.vector_store %arg9[%swap3A, %swap3A_42], %swap3A_45 {strides = array<i32>} : memref<128x128xf32, #tpu.memory_space<vmem>>, vector<1x16xf32>,
        %scan3A_46 = arith.constant 0 : i32
        scf.yield %scan3A_46 : i32
      }
      %scan3A_37 = arith.constant 8 : i32
      scf.yield %scan3A_36 : i32
    }
    %scan3A_6 = arith.constant 128 : i32
    %mul3A = arith.constant 632 : i32
    %mul3A_7 = arith.muli %arg1, %mul3A : i32
    %add3A = arith.constant 0 : i32
    %add3A_8 = arith.addi %mul3A_7, %add3A : i32
    "tpu.region"() ({
      %run_scoped3A = tpu.sem_alloc : memref<!tpu.dma_semaphore, #tpu.memory_space<semaphore_mem>>
      %dma_start3A = arith.constant 0 : i32
      %dma_start3A_29 = tpu.memref_slice %arg6[%add3A_8, %dma_start3A] : memref<10112x128xf32, #tpu.memory_space<vmem_shared>> -> memref<128x128xf32, #tpu.memory_space<vmem_shared>>
      %dma_start3A_30 = arith.constant 0 : i32
      %dma_start3A_31 = tpu.memref_slice %arg6[%add3A_8, %dma_start3A_30] : memref<10112x128xf32, #tpu.memory_space<vmem_shared>> -> memref<128x128xf32, #tpu.memory_space<vmem_shared>>
      tpu.enqueue_dma source(%arg9 : memref<128x128xf32, #tpu.memory_space<vmem>>) target(%dma_start3A_31 : memref<128x128xf32, #tpu.memory_space<vmem_shared>>) target_semaphore(%run_scoped3A : memref<!tpu.dma_semaphore, #tpu.memory_space<semaphore_mem>>)
      %dma_wait3A = arith.constant 0 : i32
      %dma_wait3A_32 = tpu.memref_slice %arg6[%add3A_8, %dma_wait3A] : memref<10112x128xf32, #tpu.memory_space<vmem_shared>> -> memref<128x128xf32, #tpu.memory_space<vmem_shared>>
      %dma_wait3A_33 = arith.constant 0 : i32
      %dma_wait3A_34 = tpu.memref_slice %arg6[%add3A_8, %dma_wait3A_33] : memref<10112x128xf32, #tpu.memory_space<vmem_shared>> -> memref<128x128xf32, #tpu.memory_space<vmem_shared>>
      tpu.wait_dma2 semaphore(%run_scoped3A : memref<!tpu.dma_semaphore, #tpu.memory_space<semaphore_mem>>) src(%arg9 : memref<128x128xf32, #tpu.memory_space<vmem>>) dst(%dma_wait3A_34 : memref<128x128xf32, #tpu.memory_space<vmem_shared>>)
      tpu.yield
    }) : () -> ()
    %add3A_9 = arith.constant 128 : i32
    %add3A_10 = arith.addi %mul3A_7, %add3A_9 : i32
    "tpu.region"() ({
      %run_scoped3A = tpu.sem_alloc : memref<!tpu.dma_semaphore, #tpu.memory_space<semaphore_mem>>
      %dma_start3A = arith.constant 0 : i32
      %dma_start3A_29 = tpu.memref_slice %arg6[%add3A_10, %dma_start3A] : memref<10112x128xf32, #tpu.memory_space<vmem_shared>> -> memref<128x128xf32, #tpu.memory_space<vmem_shared>>
      %dma_start3A_30 = arith.constant 0 : i32
      %dma_start3A_31 = tpu.memref_slice %arg6[%add3A_10, %dma_start3A_30] : memref<10112x128xf32, #tpu.memory_space<vmem_shared>> -> memref<128x128xf32, #tpu.memory_space<vmem_shared>>
      tpu.enqueue_dma source(%arg9 : memref<128x128xf32, #tpu.memory_space<vmem>>) target(%dma_start3A_31 : memref<128x128xf32, #tpu.memory_space<vmem_shared>>) target_semaphore(%run_scoped3A : memref<!tpu.dma_semaphore, #tpu.memory_space<semaphore_mem>>)
      %dma_wait3A = arith.constant 0 : i32
      %dma_wait3A_32 = tpu.memref_slice %arg6[%add3A_10, %dma_wait3A] : memref<10112x128xf32, #tpu.memory_space<vmem_shared>> -> memref<128x128xf32, #tpu.memory_space<vmem_shared>>
      %dma_wait3A_33 = arith.constant 0 : i32
      %dma_wait3A_34 = tpu.memref_slice %arg6[%add3A_10, %dma_wait3A_33] : memref<10112x128xf32, #tpu.memory_space<vmem_shared>> -> memref<128x128xf32, #tpu.memory_space<vmem_shared>>
      tpu.wait_dma2 semaphore(%run_scoped3A : memref<!tpu.dma_semaphore, #tpu.memory_space<semaphore_mem>>) src(%arg9 : memref<128x128xf32, #tpu.memory_space<vmem>>) dst(%dma_wait3A_34 : memref<128x128xf32, #tpu.memory_space<vmem_shared>>)
      tpu.yield
    }) : () -> ()
    %add3A_11 = arith.constant 256 : i32
    %add3A_12 = arith.addi %mul3A_7, %add3A_11 : i32
    "tpu.region"() ({
      %run_scoped3A = tpu.sem_alloc : memref<!tpu.dma_semaphore, #tpu.memory_space<semaphore_mem>>
      %dma_start3A = arith.constant 0 : i32
      %dma_start3A_29 = tpu.memref_slice %arg6[%add3A_12, %dma_start3A] : memref<10112x128xf32, #tpu.memory_space<vmem_shared>> -> memref<128x128xf32, #tpu.memory_space<vmem_shared>>
      %dma_start3A_30 = arith.constant 0 : i32
      %dma_start3A_31 = tpu.memref_slice %arg6[%add3A_12, %dma_start3A_30] : memref<10112x128xf32, #tpu.memory_space<vmem_shared>> -> memref<128x128xf32, #tpu.memory_space<vmem_shared>>
      tpu.enqueue_dma source(%arg9 : memref<128x128xf32, #tpu.memory_space<vmem>>) target(%dma_start3A_31 : memref<128x128xf32, #tpu.memory_space<vmem_shared>>) target_semaphore(%run_scoped3A : memref<!tpu.dma_semaphore, #tpu.memory_space<semaphore_mem>>)
      %dma_wait3A = arith.constant 0 : i32
      %dma_wait3A_32 = tpu.memref_slice %arg6[%add3A_12, %dma_wait3A] : memref<10112x128xf32, #tpu.memory_space<vmem_shared>> -> memref<128x128xf32, #tpu.memory_space<vmem_shared>>
      %dma_wait3A_33 = arith.constant 0 : i32
      %dma_wait3A_34 = tpu.memref_slice %arg6[%add3A_12, %dma_wait3A_33] : memref<10112x128xf32, #tpu.memory_space<vmem_shared>> -> memref<128x128xf32, #tpu.memory_space<vmem_shared>>
      tpu.wait_dma2 semaphore(%run_scoped3A : memref<!tpu.dma_semaphore, #tpu.memory_space<semaphore_mem>>) src(%arg9 : memref<128x128xf32, #tpu.memory_space<vmem>>) dst(%dma_wait3A_34 : memref<128x128xf32, #tpu.memory_space<vmem_shared>>)
      tpu.yield
    }) : () -> ()
    %add3A_13 = arith.constant 384 : i32
    %add3A_14 = arith.addi %mul3A_7, %add3A_13 : i32
    "tpu.region"() ({
      %run_scoped3A = tpu.sem_alloc : memref<!tpu.dma_semaphore, #tpu.memory_space<semaphore_mem>>
      %dma_start3A = arith.constant 0 : i32
      %dma_start3A_29 = tpu.memref_slice %arg6[%add3A_14, %dma_start3A] : memref<10112x128xf32, #tpu.memory_space<vmem_shared>> -> memref<128x128xf32, #tpu.memory_space<vmem_shared>>
      %dma_start3A_30 = arith.constant 0 : i32
      %dma_start3A_31 = tpu.memref_slice %arg6[%add3A_14, %dma_start3A_30] : memref<10112x128xf32, #tpu.memory_space<vmem_shared>> -> memref<128x128xf32, #tpu.memory_space<vmem_shared>>
      tpu.enqueue_dma source(%arg9 : memref<128x128xf32, #tpu.memory_space<vmem>>) target(%dma_start3A_31 : memref<128x128xf32, #tpu.memory_space<vmem_shared>>) target_semaphore(%run_scoped3A : memref<!tpu.dma_semaphore, #tpu.memory_space<semaphore_mem>>)
      %dma_wait3A = arith.constant 0 : i32
      %dma_wait3A_32 = tpu.memref_slice %arg6[%add3A_14, %dma_wait3A] : memref<10112x128xf32, #tpu.memory_space<vmem_shared>> -> memref<128x128xf32, #tpu.memory_space<vmem_shared>>
      %dma_wait3A_33 = arith.constant 0 : i32
      %dma_wait3A_34 = tpu.memref_slice %arg6[%add3A_14, %dma_wait3A_33] : memref<10112x128xf32, #tpu.memory_space<vmem_shared>> -> memref<128x128xf32, #tpu.memory_space<vmem_shared>>
      tpu.wait_dma2 semaphore(%run_scoped3A : memref<!tpu.dma_semaphore, #tpu.memory_space<semaphore_mem>>) src(%arg9 : memref<128x128xf32, #tpu.memory_space<vmem>>) dst(%dma_wait3A_34 : memref<128x128xf32, #tpu.memory_space<vmem_shared>>)
      tpu.yield
    }) : () -> ()
    %add3A_15 = arith.constant 512 : i32
    %add3A_16 = arith.addi %mul3A_7, %add3A_15 : i32
    "tpu.region"() ({
      %run_scoped3A = tpu.sem_alloc : memref<!tpu.dma_semaphore, #tpu.memory_space<semaphore_mem>>
      %dma_start3A = arith.constant 0 : i32
      %dma_start3A_29 = arith.constant 0 : i32
      %dma_start3A_30 = tpu.memref_slice %arg9[%dma_start3A, %dma_start3A_29] : memref<128x128xf32, #tpu.memory_space<vmem>> -> memref<120x128xf32, #tpu.memory_space<vmem>>
      %dma_start3A_31 = arith.constant 0 : i32
      %dma_start3A_32 = tpu.memref_slice %arg6[%add3A_16, %dma_start3A_31] : memref<10112x128xf32, #tpu.memory_space<vmem_shared>> -> memref<120x128xf32, #tpu.memory_space<vmem_shared>>
      %dma_start3A_33 = arith.constant 0 : i32
      %dma_start3A_34 = tpu.memref_slice %arg6[%add3A_16, %dma_start3A_33] : memref<10112x128xf32, #tpu.memory_space<vmem_shared>> -> memref<120x128xf32, #tpu.memory_space<vmem_shared>>
      %dma_start3A_35 = arith.constant 0 : i32
      %dma_start3A_36 = arith.constant 0 : i32
      %dma_start3A_37 = tpu.memref_slice %arg9[%dma_start3A_35, %dma_start3A_36] : memref<128x128xf32, #tpu.memory_space<vmem>> -> memref<120x128xf32, #tpu.memory_space<vmem>>
      tpu.enqueue_dma source(%dma_start3A_37 : memref<120x128xf32, #tpu.memory_space<vmem>>) target(%dma_start3A_34 : memref<120x128xf32, #tpu.memory_space<vmem_shared>>) target_semaphore(%run_scoped3A : memref<!tpu.dma_semaphore, #tpu.memory_space<semaphore_mem>>)
      %dma_wait3A = arith.constant 0 : i32
      %dma_wait3A_38 = arith.constant 0 : i32
      %dma_wait3A_39 = tpu.memref_slice %arg9[%dma_wait3A, %dma_wait3A_38] : memref<128x128xf32, #tpu.memory_space<vmem>> -> memref<120x128xf32, #tpu.memory_space<vmem>>
      %dma_wait3A_40 = arith.constant 0 : i32
      %dma_wait3A_41 = tpu.memref_slice %arg6[%add3A_16, %dma_wait3A_40] : memref<10112x128xf32, #tpu.memory_space<vmem_shared>> -> memref<120x128xf32, #tpu.memory_space<vmem_shared>>
      %dma_wait3A_42 = arith.constant 0 : i32
      %dma_wait3A_43 = tpu.memref_slice %arg6[%add3A_16, %dma_wait3A_42] : memref<10112x128xf32, #tpu.memory_space<vmem_shared>> -> memref<120x128xf32, #tpu.memory_space<vmem_shared>>
      %dma_wait3A_44 = arith.constant 0 : i32
      %dma_wait3A_45 = arith.constant 0 : i32
      %dma_wait3A_46 = tpu.memref_slice %arg9[%dma_wait3A_44, %dma_wait3A_45] : memref<128x128xf32, #tpu.memory_space<vmem>> -> memref<120x128xf32, #tpu.memory_space<vmem>>
      tpu.wait_dma2 semaphore(%run_scoped3A : memref<!tpu.dma_semaphore, #tpu.memory_space<semaphore_mem>>) src(%dma_wait3A_46 : memref<120x128xf32, #tpu.memory_space<vmem>>) dst(%dma_wait3A_43 : memref<120x128xf32, #tpu.memory_space<vmem_shared>>)
      tpu.yield
    }) : () -> ()
    %broadcast_in_dim3A_17 = vector.broadcast %arg0 : i32 to vector<16xi32>
    %barrier3A = arith.constant 0 : index
    tpu.barrier barrier_id(%barrier3A)
    %scan3A_18 = arith.constant 0 : i32
    %scan3A_19 = arith.constant 0 : i32
    %scan3A_20 = arith.constant 10 : i32
    %scan3A_21 = arith.addi %scan3A_19, %scan3A_20 : i32
    %scan3A_22 = arith.constant 1 : i32
    %scan3A_23 = scf.for %scan3A_29 = %scan3A_19 to %scan3A_21 step %scan3A_22 iter_args(%scan3A_30 = %scan3A_18) -> (i32)  : i32 {
      %mul3A_31 = arith.constant 10 : i32
      %mul3A_32 = arith.muli %arg1, %mul3A_31 : i32
      %add3A_33 = arith.addi %mul3A_32, %scan3A_29 : i32
      "tpu.region"() ({
        %run_scoped3A = tpu.sem_alloc : memref<!tpu.dma_semaphore, #tpu.memory_space<semaphore_mem>>
        %dma_start3A_475 = arith.constant 0 : i32
        %dma_start3A_476 = arith.constant 0 : i32
        %dma_start3A_477 = tpu.memref_slice %arg3[%add3A_33, %dma_start3A_475, %dma_start3A_476] : memref<160x8x128xi32, #tpu.memory_space<hbm>> -> memref<1x8x128xi32, #tpu.memory_space<hbm>>
        %dma_start3A_478 = tpu.memref_squeeze %dma_start3A_477 : memref<1x8x128xi32, #tpu.memory_space<hbm>> -> memref<8x128xi32, #tpu.memory_space<hbm>>
        %dma_start3A_479 = arith.constant 0 : i32
        %dma_start3A_480 = arith.constant 0 : i32
        %dma_start3A_481 = tpu.memref_slice %arg3[%add3A_33, %dma_start3A_479, %dma_start3A_480] : memref<160x8x128xi32, #tpu.memory_space<hbm>> -> memref<1x8x128xi32, #tpu.memory_space<hbm>>
        %dma_start3A_482 = tpu.memref_squeeze %dma_start3A_481 : memref<1x8x128xi32, #tpu.memory_space<hbm>> -> memref<8x128xi32, #tpu.memory_space<hbm>>
        tpu.enqueue_dma source(%dma_start3A_482 : memref<8x128xi32, #tpu.memory_space<hbm>>) target(%arg7 : memref<8x128xi32, #tpu.memory_space<vmem>>) target_semaphore(%run_scoped3A : memref<!tpu.dma_semaphore, #tpu.memory_space<semaphore_mem>>)
        %dma_wait3A_483 = arith.constant 0 : i32
        %dma_wait3A_484 = arith.constant 0 : i32
        %dma_wait3A_485 = tpu.memref_slice %arg3[%add3A_33, %dma_wait3A_483, %dma_wait3A_484] : memref<160x8x128xi32, #tpu.memory_space<hbm>> -> memref<1x8x128xi32, #tpu.memory_space<hbm>>
        %dma_wait3A_486 = tpu.memref_squeeze %dma_wait3A_485 : memref<1x8x128xi32, #tpu.memory_space<hbm>> -> memref<8x128xi32, #tpu.memory_space<hbm>>
        %dma_wait3A_487 = arith.constant 0 : i32
        %dma_wait3A_488 = arith.constant 0 : i32
        %dma_wait3A_489 = tpu.memref_slice %arg3[%add3A_33, %dma_wait3A_487, %dma_wait3A_488] : memref<160x8x128xi32, #tpu.memory_space<hbm>> -> memref<1x8x128xi32, #tpu.memory_space<hbm>>
        %dma_wait3A_490 = tpu.memref_squeeze %dma_wait3A_489 : memref<1x8x128xi32, #tpu.memory_space<hbm>> -> memref<8x128xi32, #tpu.memory_space<hbm>>
        tpu.wait_dma2 semaphore(%run_scoped3A : memref<!tpu.dma_semaphore, #tpu.memory_space<semaphore_mem>>) src(%dma_wait3A_490 : memref<8x128xi32, #tpu.memory_space<hbm>>) dst(%arg7 : memref<8x128xi32, #tpu.memory_space<vmem>>)
        tpu.yield
      }) : () -> ()
      %mul3A_34 = arith.constant 10 : i32
      %mul3A_35 = arith.muli %arg1, %mul3A_34 : i32
      %add3A_36 = arith.addi %mul3A_35, %scan3A_29 : i32
      "tpu.region"() ({
        %run_scoped3A = tpu.sem_alloc : memref<!tpu.dma_semaphore, #tpu.memory_space<semaphore_mem>>
        %dma_start3A_475 = arith.constant 0 : i32
        %dma_start3A_476 = arith.constant 0 : i32
        %dma_start3A_477 = tpu.memref_slice %arg4[%add3A_36, %dma_start3A_475, %dma_start3A_476] : memref<160x8x128xi32, #tpu.memory_space<hbm>> -> memref<1x8x128xi32, #tpu.memory_space<hbm>>
        %dma_start3A_478 = tpu.memref_squeeze %dma_start3A_477 : memref<1x8x128xi32, #tpu.memory_space<hbm>> -> memref<8x128xi32, #tpu.memory_space<hbm>>
        %dma_start3A_479 = arith.constant 0 : i32
        %dma_start3A_480 = arith.constant 0 : i32
        %dma_start3A_481 = tpu.memref_slice %arg4[%add3A_36, %dma_start3A_479, %dma_start3A_480] : memref<160x8x128xi32, #tpu.memory_space<hbm>> -> memref<1x8x128xi32, #tpu.memory_space<hbm>>
        %dma_start3A_482 = tpu.memref_squeeze %dma_start3A_481 : memref<1x8x128xi32, #tpu.memory_space<hbm>> -> memref<8x128xi32, #tpu.memory_space<hbm>>
        tpu.enqueue_dma source(%dma_start3A_482 : memref<8x128xi32, #tpu.memory_space<hbm>>) target(%arg8 : memref<8x128xi32, #tpu.memory_space<vmem>>) target_semaphore(%run_scoped3A : memref<!tpu.dma_semaphore, #tpu.memory_space<semaphore_mem>>)
        %dma_wait3A_483 = arith.constant 0 : i32
        %dma_wait3A_484 = arith.constant 0 : i32
        %dma_wait3A_485 = tpu.memref_slice %arg4[%add3A_36, %dma_wait3A_483, %dma_wait3A_484] : memref<160x8x128xi32, #tpu.memory_space<hbm>> -> memref<1x8x128xi32, #tpu.memory_space<hbm>>
        %dma_wait3A_486 = tpu.memref_squeeze %dma_wait3A_485 : memref<1x8x128xi32, #tpu.memory_space<hbm>> -> memref<8x128xi32, #tpu.memory_space<hbm>>
        %dma_wait3A_487 = arith.constant 0 : i32
        %dma_wait3A_488 = arith.constant 0 : i32
        %dma_wait3A_489 = tpu.memref_slice %arg4[%add3A_36, %dma_wait3A_487, %dma_wait3A_488] : memref<160x8x128xi32, #tpu.memory_space<hbm>> -> memref<1x8x128xi32, #tpu.memory_space<hbm>>
        %dma_wait3A_490 = tpu.memref_squeeze %dma_wait3A_489 : memref<1x8x128xi32, #tpu.memory_space<hbm>> -> memref<8x128xi32, #tpu.memory_space<hbm>>
        tpu.wait_dma2 semaphore(%run_scoped3A : memref<!tpu.dma_semaphore, #tpu.memory_space<semaphore_mem>>) src(%dma_wait3A_490 : memref<8x128xi32, #tpu.memory_space<hbm>>) dst(%arg8 : memref<8x128xi32, #tpu.memory_space<vmem>>)
        tpu.yield
      }) : () -> ()
      %scan3A_37 = arith.constant 0 : i32
      %scan3A_38 = arith.constant 0 : i32
      %scan3A_39 = arith.constant 8 : i32
      %scan3A_40 = arith.addi %scan3A_38, %scan3A_39 : i32
      %scan3A_41 = arith.constant 1 : i32
      %scan3A_42 = scf.for %scan3A_475 = %scan3A_38 to %scan3A_40 step %scan3A_41 iter_args(%scan3A_476 = %scan3A_37) -> (i32)  : i32 {
        %scan3A_477 = arith.constant 0 : i32
        %scan3A_478 = arith.constant 0 : i32
        %scan3A_479 = arith.constant 8 : i32
        %scan3A_480 = arith.addi %scan3A_478, %scan3A_479 : i32
        %scan3A_481 = arith.constant 1 : i32
        %scan3A_482 = scf.for %scan3A_484 = %scan3A_478 to %scan3A_480 step %scan3A_481 iter_args(%scan3A_485 = %scan3A_477) -> (i32)  : i32 {
          %mul3A_486 = arith.constant 16 : i32
          %mul3A_487 = arith.muli %scan3A_484, %mul3A_486 : i32
          %get3A = arith.index_cast %scan3A_475 : i32 to index
          %get3A_488 = arith.index_cast %mul3A_487 : i32 to index
          %get3A_489 = tpu.vector_load %arg7[%get3A, %get3A_488] {strides = array<i32>} : memref<8x128xi32, #tpu.memory_space<vmem>>, vector<1x16xi32>,
          %get3A_490 = vector.shape_cast %get3A_489 : vector<1x16xi32> to vector<16xi32>
          %get3A_491 = arith.index_cast %scan3A_475 : i32 to index
          %get3A_492 = arith.index_cast %mul3A_487 : i32 to index
          %get3A_493 = tpu.vector_load %arg7[%get3A_491, %get3A_492] {strides = array<i32>} : memref<8x128xi32, #tpu.memory_space<vmem>>, vector<1x16xi32>,
          %get3A_494 = vector.shape_cast %get3A_493 : vector<1x16xi32> to vector<16xi32>
          %add3A_495 = arith.addi %get3A_490, %get3A_494 : vector<16xi32>
          %add3A_496 = arith.addi %add3A_495, %broadcast_in_dim3A_17 : vector<16xi32>
          %swap3A = arith.index_cast %scan3A_475 : i32 to index
          %swap3A_497 = arith.index_cast %mul3A_487 : i32 to index
          %swap3A_498 = tpu.vector_load %arg7[%swap3A, %swap3A_497] {strides = array<i32>} : memref<8x128xi32, #tpu.memory_space<vmem>>, vector<1x16xi32>,
          %swap3A_499 = vector.shape_cast %swap3A_498 : vector<1x16xi32> to vector<16xi32>
          %swap3A_500 = vector.shape_cast %add3A_496 : vector<16xi32> to vector<1x16xi32>
          tpu.vector_store %arg7[%swap3A, %swap3A_497], %swap3A_500 {strides = array<i32>} : memref<8x128xi32, #tpu.memory_space<vmem>>, vector<1x16xi32>,
          %scan3A_501 = arith.constant 0 : i32
          scf.yield %scan3A_501 : i32
        }
        %scan3A_483 = arith.constant 8 : i32
        scf.yield %scan3A_482 : i32
      }
      %scan3A_43 = arith.constant 8 : i32
      %dma_start3A = arith.constant 0 : i32
      %dma_start3A_44 = arith.constant 0 : i32
      %dma_start3A_45 = arith.constant 0 : i32
      %dma_start3A_46 = tpu.memref_slice %arg9[%dma_start3A_44, %dma_start3A_45] : memref<128x128xf32, #tpu.memory_space<vmem>> -> memref<64x128xf32, #tpu.memory_space<vmem>>
      %dma_start3A_47 = arith.constant 0 : i32
      %dma_start3A_48 = tpu.memref_slice %arg7[%dma_start3A, %dma_start3A_47] : memref<8x128xi32, #tpu.memory_space<vmem>> -> memref<1x64xi32, #tpu.memory_space<vmem>>
      %dma_start3A_49 = tpu.memref_squeeze %dma_start3A_48 : memref<1x64xi32, #tpu.memory_space<vmem>> -> memref<64xi32, #tpu.memory_space<vmem>>
      %dma_start3A_50 = arith.constant 0 : i32
      %dma_start3A_51 = arith.constant 0 : i32
      %dma_start3A_52 = tpu.memref_slice %arg2[%dma_start3A_50, %dma_start3A_51] : memref<20000x128xf32, #tpu.memory_space<hbm>> -> memref<20000x128xf32, #tpu.memory_space<hbm>>
      tpu.enqueue_indirect_dma source(%dma_start3A_52 : memref<20000x128xf32, #tpu.memory_space<hbm>>) target(%dma_start3A_46 : memref<64x128xf32, #tpu.memory_space<vmem>>) offsets(%dma_start3A_49 : memref<64xi32, #tpu.memory_space<vmem>>) semaphore(%arg11 : memref<!tpu.dma_semaphore, #tpu.memory_space<semaphore_mem>>)
      %dma_start3A_53 = arith.constant 0 : i32
      %dma_start3A_54 = arith.constant 64 : i32
      %dma_start3A_55 = arith.constant 0 : i32
      %dma_start3A_56 = tpu.memref_slice %arg9[%dma_start3A_54, %dma_start3A_55] : memref<128x128xf32, #tpu.memory_space<vmem>> -> memref<64x128xf32, #tpu.memory_space<vmem>>
      %dma_start3A_57 = arith.constant 64 : i32
      %dma_start3A_58 = tpu.memref_slice %arg7[%dma_start3A_53, %dma_start3A_57] : memref<8x128xi32, #tpu.memory_space<vmem>> -> memref<1x64xi32, #tpu.memory_space<vmem>>
      %dma_start3A_59 = tpu.memref_squeeze %dma_start3A_58 : memref<1x64xi32, #tpu.memory_space<vmem>> -> memref<64xi32, #tpu.memory_space<vmem>>
      %dma_start3A_60 = arith.constant 0 : i32
      %dma_start3A_61 = arith.constant 0 : i32
      %dma_start3A_62 = tpu.memref_slice %arg2[%dma_start3A_60, %dma_start3A_61] : memref<20000x128xf32, #tpu.memory_space<hbm>> -> memref<20000x128xf32, #tpu.memory_space<hbm>>
      tpu.enqueue_indirect_dma source(%dma_start3A_62 : memref<20000x128xf32, #tpu.memory_space<hbm>>) target(%dma_start3A_56 : memref<64x128xf32, #tpu.memory_space<vmem>>) offsets(%dma_start3A_59 : memref<64xi32, #tpu.memory_space<vmem>>) semaphore(%arg11 : memref<!tpu.dma_semaphore, #tpu.memory_space<semaphore_mem>>)
      %dma_start3A_63 = arith.constant 1 : i32
      %dma_start3A_64 = arith.constant 0 : i32
      %dma_start3A_65 = arith.constant 0 : i32
      %dma_start3A_66 = tpu.memref_slice %arg10[%dma_start3A_64, %dma_start3A_65] : memref<128x128xf32, #tpu.memory_space<vmem>> -> memref<64x128xf32, #tpu.memory_space<vmem>>
      %dma_start3A_67 = arith.constant 0 : i32
      %dma_start3A_68 = tpu.memref_slice %arg7[%dma_start3A_63, %dma_start3A_67] : memref<8x128xi32, #tpu.memory_space<vmem>> -> memref<1x64xi32, #tpu.memory_space<vmem>>
      %dma_start3A_69 = tpu.memref_squeeze %dma_start3A_68 : memref<1x64xi32, #tpu.memory_space<vmem>> -> memref<64xi32, #tpu.memory_space<vmem>>
      %dma_start3A_70 = arith.constant 0 : i32
      %dma_start3A_71 = arith.constant 0 : i32
      %dma_start3A_72 = tpu.memref_slice %arg2[%dma_start3A_70, %dma_start3A_71] : memref<20000x128xf32, #tpu.memory_space<hbm>> -> memref<20000x128xf32, #tpu.memory_space<hbm>>
      tpu.enqueue_indirect_dma source(%dma_start3A_72 : memref<20000x128xf32, #tpu.memory_space<hbm>>) target(%dma_start3A_66 : memref<64x128xf32, #tpu.memory_space<vmem>>) offsets(%dma_start3A_69 : memref<64xi32, #tpu.memory_space<vmem>>) semaphore(%arg12 : memref<!tpu.dma_semaphore, #tpu.memory_space<semaphore_mem>>)
      %dma_start3A_73 = arith.constant 1 : i32
      %dma_start3A_74 = arith.constant 64 : i32
      %dma_start3A_75 = arith.constant 0 : i32
      %dma_start3A_76 = tpu.memref_slice %arg10[%dma_start3A_74, %dma_start3A_75] : memref<128x128xf32, #tpu.memory_space<vmem>> -> memref<64x128xf32, #tpu.memory_space<vmem>>
      %dma_start3A_77 = arith.constant 64 : i32
      %dma_start3A_78 = tpu.memref_slice %arg7[%dma_start3A_73, %dma_start3A_77] : memref<8x128xi32, #tpu.memory_space<vmem>> -> memref<1x64xi32, #tpu.memory_space<vmem>>
      %dma_start3A_79 = tpu.memref_squeeze %dma_start3A_78 : memref<1x64xi32, #tpu.memory_space<vmem>> -> memref<64xi32, #tpu.memory_space<vmem>>
      %dma_start3A_80 = arith.constant 0 : i32
      %dma_start3A_81 = arith.constant 0 : i32
      %dma_start3A_82 = tpu.memref_slice %arg2[%dma_start3A_80, %dma_start3A_81] : memref<20000x128xf32, #tpu.memory_space<hbm>> -> memref<20000x128xf32, #tpu.memory_space<hbm>>
      tpu.enqueue_indirect_dma source(%dma_start3A_82 : memref<20000x128xf32, #tpu.memory_space<hbm>>) target(%dma_start3A_76 : memref<64x128xf32, #tpu.memory_space<vmem>>) offsets(%dma_start3A_79 : memref<64xi32, #tpu.memory_space<vmem>>) semaphore(%arg12 : memref<!tpu.dma_semaphore, #tpu.memory_space<semaphore_mem>>)
      %dma_wait3A = arith.constant 0 : i32
      %dma_wait3A_83 = arith.constant 0 : i32
      %dma_wait3A_84 = arith.constant 0 : i32
      %dma_wait3A_85 = tpu.memref_slice %arg9[%dma_wait3A_83, %dma_wait3A_84] : memref<128x128xf32, #tpu.memory_space<vmem>> -> memref<64x128xf32, #tpu.memory_space<vmem>>
      %dma_wait3A_86 = arith.constant 0 : i32
      %dma_wait3A_87 = tpu.memref_slice %arg7[%dma_wait3A, %dma_wait3A_86] : memref<8x128xi32, #tpu.memory_space<vmem>> -> memref<1x64xi32, #tpu.memory_space<vmem>>
      %dma_wait3A_88 = tpu.memref_squeeze %dma_wait3A_87 : memref<1x64xi32, #tpu.memory_space<vmem>> -> memref<64xi32, #tpu.memory_space<vmem>>
      %dma_wait3A_89 = arith.constant 0 : i32
      %dma_wait3A_90 = arith.constant 0 : i32
      %dma_wait3A_91 = tpu.memref_slice %arg2[%dma_wait3A_89, %dma_wait3A_90] : memref<20000x128xf32, #tpu.memory_space<hbm>> -> memref<20000x128xf32, #tpu.memory_space<hbm>>
      tpu.wait_indirect_dma semaphore(%arg11 : memref<!tpu.dma_semaphore, #tpu.memory_space<semaphore_mem>>) src(%dma_wait3A_91 : memref<20000x128xf32, #tpu.memory_space<hbm>>) dst(%dma_wait3A_85 : memref<64x128xf32, #tpu.memory_space<vmem>>)
      %dma_wait3A_92 = arith.constant 0 : i32
      %dma_wait3A_93 = arith.constant 64 : i32
      %dma_wait3A_94 = arith.constant 0 : i32
      %dma_wait3A_95 = tpu.memref_slice %arg9[%dma_wait3A_93, %dma_wait3A_94] : memref<128x128xf32, #tpu.memory_space<vmem>> -> memref<64x128xf32, #tpu.memory_space<vmem>>
      %dma_wait3A_96 = arith.constant 64 : i32
      %dma_wait3A_97 = tpu.memref_slice %arg7[%dma_wait3A_92, %dma_wait3A_96] : memref<8x128xi32, #tpu.memory_space<vmem>> -> memref<1x64xi32, #tpu.memory_space<vmem>>
      %dma_wait3A_98 = tpu.memref_squeeze %dma_wait3A_97 : memref<1x64xi32, #tpu.memory_space<vmem>> -> memref<64xi32, #tpu.memory_space<vmem>>
      %dma_wait3A_99 = arith.constant 0 : i32
      %dma_wait3A_100 = arith.constant 0 : i32
      %dma_wait3A_101 = tpu.memref_slice %arg2[%dma_wait3A_99, %dma_wait3A_100] : memref<20000x128xf32, #tpu.memory_space<hbm>> -> memref<20000x128xf32, #tpu.memory_space<hbm>>
      tpu.wait_indirect_dma semaphore(%arg11 : memref<!tpu.dma_semaphore, #tpu.memory_space<semaphore_mem>>) src(%dma_wait3A_101 : memref<20000x128xf32, #tpu.memory_space<hbm>>) dst(%dma_wait3A_95 : memref<64x128xf32, #tpu.memory_space<vmem>>)
      %dma_start3A_102 = arith.constant 0 : i32
      %dma_start3A_103 = arith.constant 0 : i32
      %dma_start3A_104 = tpu.memref_slice %arg8[%dma_start3A_102, %dma_start3A_103] : memref<8x128xi32, #tpu.memory_space<vmem>> -> memref<1x128xi32, #tpu.memory_space<vmem>>
      %dma_start3A_105 = tpu.memref_squeeze %dma_start3A_104 : memref<1x128xi32, #tpu.memory_space<vmem>> -> memref<128xi32, #tpu.memory_space<vmem>>
      %dma_start3A_106 = arith.constant 0 : i32
      %dma_start3A_107 = arith.constant 0 : i32
      %dma_start3A_108 = tpu.memref_slice %arg6[%dma_start3A_106, %dma_start3A_107] : memref<10112x128xf32, #tpu.memory_space<vmem_shared>> -> memref<10112x128xf32, #tpu.memory_space<vmem_shared>>
      tpu.enqueue_indirect_dma source(%arg9 : memref<128x128xf32, #tpu.memory_space<vmem>>) target(%dma_start3A_108 : memref<10112x128xf32, #tpu.memory_space<vmem_shared>>) offsets(%dma_start3A_105 : memref<128xi32, #tpu.memory_space<vmem>>) semaphore(%arg13 : memref<!tpu.dma_semaphore, #tpu.memory_space<semaphore_mem>>) {add = true}
      %dma_wait3A_109 = arith.constant 0 : i32
      %dma_wait3A_110 = arith.constant 0 : i32
      %dma_wait3A_111 = tpu.memref_slice %arg8[%dma_wait3A_109, %dma_wait3A_110] : memref<8x128xi32, #tpu.memory_space<vmem>> -> memref<1x128xi32, #tpu.memory_space<vmem>>
      %dma_wait3A_112 = tpu.memref_squeeze %dma_wait3A_111 : memref<1x128xi32, #tpu.memory_space<vmem>> -> memref<128xi32, #tpu.memory_space<vmem>>
      %dma_wait3A_113 = arith.constant 0 : i32
      %dma_wait3A_114 = arith.constant 0 : i32
      %dma_wait3A_115 = tpu.memref_slice %arg6[%dma_wait3A_113, %dma_wait3A_114] : memref<10112x128xf32, #tpu.memory_space<vmem_shared>> -> memref<10112x128xf32, #tpu.memory_space<vmem_shared>>
      tpu.wait_indirect_dma semaphore(%arg13 : memref<!tpu.dma_semaphore, #tpu.memory_space<semaphore_mem>>) src(%arg9 : memref<128x128xf32, #tpu.memory_space<vmem>>) dst(%dma_wait3A_115 : memref<10112x128xf32, #tpu.memory_space<vmem_shared>>)
      %dma_start3A_116 = arith.constant 2 : i32
      %dma_start3A_117 = arith.constant 0 : i32
      %dma_start3A_118 = arith.constant 0 : i32
      %dma_start3A_119 = tpu.memref_slice %arg9[%dma_start3A_117, %dma_start3A_118] : memref<128x128xf32, #tpu.memory_space<vmem>> -> memref<64x128xf32, #tpu.memory_space<vmem>>
      %dma_start3A_120 = arith.constant 0 : i32
      %dma_start3A_121 = tpu.memref_slice %arg7[%dma_start3A_116, %dma_start3A_120] : memref<8x128xi32, #tpu.memory_space<vmem>> -> memref<1x64xi32, #tpu.memory_space<vmem>>
      %dma_start3A_122 = tpu.memref_squeeze %dma_start3A_121 : memref<1x64xi32, #tpu.memory_space<vmem>> -> memref<64xi32, #tpu.memory_space<vmem>>
      %dma_start3A_123 = arith.constant 0 : i32
      %dma_start3A_124 = arith.constant 0 : i32
      %dma_start3A_125 = tpu.memref_slice %arg2[%dma_start3A_123, %dma_start3A_124] : memref<20000x128xf32, #tpu.memory_space<hbm>> -> memref<20000x128xf32, #tpu.memory_space<hbm>>
      tpu.enqueue_indirect_dma source(%dma_start3A_125 : memref<20000x128xf32, #tpu.memory_space<hbm>>) target(%dma_start3A_119 : memref<64x128xf32, #tpu.memory_space<vmem>>) offsets(%dma_start3A_122 : memref<64xi32, #tpu.memory_space<vmem>>) semaphore(%arg11 : memref<!tpu.dma_semaphore, #tpu.memory_space<semaphore_mem>>)
      %dma_start3A_126 = arith.constant 2 : i32
      %dma_start3A_127 = arith.constant 64 : i32
      %dma_start3A_128 = arith.constant 0 : i32
      %dma_start3A_129 = tpu.memref_slice %arg9[%dma_start3A_127, %dma_start3A_128] : memref<128x128xf32, #tpu.memory_space<vmem>> -> memref<64x128xf32, #tpu.memory_space<vmem>>
      %dma_start3A_130 = arith.constant 64 : i32
      %dma_start3A_131 = tpu.memref_slice %arg7[%dma_start3A_126, %dma_start3A_130] : memref<8x128xi32, #tpu.memory_space<vmem>> -> memref<1x64xi32, #tpu.memory_space<vmem>>
      %dma_start3A_132 = tpu.memref_squeeze %dma_start3A_131 : memref<1x64xi32, #tpu.memory_space<vmem>> -> memref<64xi32, #tpu.memory_space<vmem>>
      %dma_start3A_133 = arith.constant 0 : i32
      %dma_start3A_134 = arith.constant 0 : i32
      %dma_start3A_135 = tpu.memref_slice %arg2[%dma_start3A_133, %dma_start3A_134] : memref<20000x128xf32, #tpu.memory_space<hbm>> -> memref<20000x128xf32, #tpu.memory_space<hbm>>
      tpu.enqueue_indirect_dma source(%dma_start3A_135 : memref<20000x128xf32, #tpu.memory_space<hbm>>) target(%dma_start3A_129 : memref<64x128xf32, #tpu.memory_space<vmem>>) offsets(%dma_start3A_132 : memref<64xi32, #tpu.memory_space<vmem>>) semaphore(%arg11 : memref<!tpu.dma_semaphore, #tpu.memory_space<semaphore_mem>>)
      %dma_wait3A_136 = arith.constant 1 : i32
      %dma_wait3A_137 = arith.constant 0 : i32
      %dma_wait3A_138 = arith.constant 0 : i32
      %dma_wait3A_139 = tpu.memref_slice %arg10[%dma_wait3A_137, %dma_wait3A_138] : memref<128x128xf32, #tpu.memory_space<vmem>> -> memref<64x128xf32, #tpu.memory_space<vmem>>
      %dma_wait3A_140 = arith.constant 0 : i32
      %dma_wait3A_141 = tpu.memref_slice %arg7[%dma_wait3A_136, %dma_wait3A_140] : memref<8x128xi32, #tpu.memory_space<vmem>> -> memref<1x64xi32, #tpu.memory_space<vmem>>
      %dma_wait3A_142 = tpu.memref_squeeze %dma_wait3A_141 : memref<1x64xi32, #tpu.memory_space<vmem>> -> memref<64xi32, #tpu.memory_space<vmem>>
      %dma_wait3A_143 = arith.constant 0 : i32
      %dma_wait3A_144 = arith.constant 0 : i32
      %dma_wait3A_145 = tpu.memref_slice %arg2[%dma_wait3A_143, %dma_wait3A_144] : memref<20000x128xf32, #tpu.memory_space<hbm>> -> memref<20000x128xf32, #tpu.memory_space<hbm>>
      tpu.wait_indirect_dma semaphore(%arg12 : memref<!tpu.dma_semaphore, #tpu.memory_space<semaphore_mem>>) src(%dma_wait3A_145 : memref<20000x128xf32, #tpu.memory_space<hbm>>) dst(%dma_wait3A_139 : memref<64x128xf32, #tpu.memory_space<vmem>>)
      %dma_wait3A_146 = arith.constant 1 : i32
      %dma_wait3A_147 = arith.constant 64 : i32
      %dma_wait3A_148 = arith.constant 0 : i32
      %dma_wait3A_149 = tpu.memref_slice %arg10[%dma_wait3A_147, %dma_wait3A_148] : memref<128x128xf32, #tpu.memory_space<vmem>> -> memref<64x128xf32, #tpu.memory_space<vmem>>
      %dma_wait3A_150 = arith.constant 64 : i32
      %dma_wait3A_151 = tpu.memref_slice %arg7[%dma_wait3A_146, %dma_wait3A_150] : memref<8x128xi32, #tpu.memory_space<vmem>> -> memref<1x64xi32, #tpu.memory_space<vmem>>
      %dma_wait3A_152 = tpu.memref_squeeze %dma_wait3A_151 : memref<1x64xi32, #tpu.memory_space<vmem>> -> memref<64xi32, #tpu.memory_space<vmem>>
      %dma_wait3A_153 = arith.constant 0 : i32
      %dma_wait3A_154 = arith.constant 0 : i32
      %dma_wait3A_155 = tpu.memref_slice %arg2[%dma_wait3A_153, %dma_wait3A_154] : memref<20000x128xf32, #tpu.memory_space<hbm>> -> memref<20000x128xf32, #tpu.memory_space<hbm>>
      tpu.wait_indirect_dma semaphore(%arg12 : memref<!tpu.dma_semaphore, #tpu.memory_space<semaphore_mem>>) src(%dma_wait3A_155 : memref<20000x128xf32, #tpu.memory_space<hbm>>) dst(%dma_wait3A_149 : memref<64x128xf32, #tpu.memory_space<vmem>>)
      %dma_start3A_156 = arith.constant 1 : i32
      %dma_start3A_157 = arith.constant 0 : i32
      %dma_start3A_158 = tpu.memref_slice %arg8[%dma_start3A_156, %dma_start3A_157] : memref<8x128xi32, #tpu.memory_space<vmem>> -> memref<1x128xi32, #tpu.memory_space<vmem>>
      %dma_start3A_159 = tpu.memref_squeeze %dma_start3A_158 : memref<1x128xi32, #tpu.memory_space<vmem>> -> memref<128xi32, #tpu.memory_space<vmem>>
      %dma_start3A_160 = arith.constant 0 : i32
      %dma_start3A_161 = arith.constant 0 : i32
      %dma_start3A_162 = tpu.memref_slice %arg6[%dma_start3A_160, %dma_start3A_161] : memref<10112x128xf32, #tpu.memory_space<vmem_shared>> -> memref<10112x128xf32, #tpu.memory_space<vmem_shared>>
      tpu.enqueue_indirect_dma source(%arg10 : memref<128x128xf32, #tpu.memory_space<vmem>>) target(%dma_start3A_162 : memref<10112x128xf32, #tpu.memory_space<vmem_shared>>) offsets(%dma_start3A_159 : memref<128xi32, #tpu.memory_space<vmem>>) semaphore(%arg14 : memref<!tpu.dma_semaphore, #tpu.memory_space<semaphore_mem>>) {add = true}
      %dma_wait3A_163 = arith.constant 1 : i32
      %dma_wait3A_164 = arith.constant 0 : i32
      %dma_wait3A_165 = tpu.memref_slice %arg8[%dma_wait3A_163, %dma_wait3A_164] : memref<8x128xi32, #tpu.memory_space<vmem>> -> memref<1x128xi32, #tpu.memory_space<vmem>>
      %dma_wait3A_166 = tpu.memref_squeeze %dma_wait3A_165 : memref<1x128xi32, #tpu.memory_space<vmem>> -> memref<128xi32, #tpu.memory_space<vmem>>
      %dma_wait3A_167 = arith.constant 0 : i32
      %dma_wait3A_168 = arith.constant 0 : i32
      %dma_wait3A_169 = tpu.memref_slice %arg6[%dma_wait3A_167, %dma_wait3A_168] : memref<10112x128xf32, #tpu.memory_space<vmem_shared>> -> memref<10112x128xf32, #tpu.memory_space<vmem_shared>>
      tpu.wait_indirect_dma semaphore(%arg14 : memref<!tpu.dma_semaphore, #tpu.memory_space<semaphore_mem>>) src(%arg10 : memref<128x128xf32, #tpu.memory_space<vmem>>) dst(%dma_wait3A_169 : memref<10112x128xf32, #tpu.memory_space<vmem_shared>>)
      %dma_start3A_170 = arith.constant 3 : i32
      %dma_start3A_171 = arith.constant 0 : i32
      %dma_start3A_172 = arith.constant 0 : i32
      %dma_start3A_173 = tpu.memref_slice %arg10[%dma_start3A_171, %dma_start3A_172] : memref<128x128xf32, #tpu.memory_space<vmem>> -> memref<64x128xf32, #tpu.memory_space<vmem>>
      %dma_start3A_174 = arith.constant 0 : i32
      %dma_start3A_175 = tpu.memref_slice %arg7[%dma_start3A_170, %dma_start3A_174] : memref<8x128xi32, #tpu.memory_space<vmem>> -> memref<1x64xi32, #tpu.memory_space<vmem>>
      %dma_start3A_176 = tpu.memref_squeeze %dma_start3A_175 : memref<1x64xi32, #tpu.memory_space<vmem>> -> memref<64xi32, #tpu.memory_space<vmem>>
      %dma_start3A_177 = arith.constant 0 : i32
      %dma_start3A_178 = arith.constant 0 : i32
      %dma_start3A_179 = tpu.memref_slice %arg2[%dma_start3A_177, %dma_start3A_178] : memref<20000x128xf32, #tpu.memory_space<hbm>> -> memref<20000x128xf32, #tpu.memory_space<hbm>>
      tpu.enqueue_indirect_dma source(%dma_start3A_179 : memref<20000x128xf32, #tpu.memory_space<hbm>>) target(%dma_start3A_173 : memref<64x128xf32, #tpu.memory_space<vmem>>) offsets(%dma_start3A_176 : memref<64xi32, #tpu.memory_space<vmem>>) semaphore(%arg12 : memref<!tpu.dma_semaphore, #tpu.memory_space<semaphore_mem>>)
      %dma_start3A_180 = arith.constant 3 : i32
      %dma_start3A_181 = arith.constant 64 : i32
      %dma_start3A_182 = arith.constant 0 : i32
      %dma_start3A_183 = tpu.memref_slice %arg10[%dma_start3A_181, %dma_start3A_182] : memref<128x128xf32, #tpu.memory_space<vmem>> -> memref<64x128xf32, #tpu.memory_space<vmem>>
      %dma_start3A_184 = arith.constant 64 : i32
      %dma_start3A_185 = tpu.memref_slice %arg7[%dma_start3A_180, %dma_start3A_184] : memref<8x128xi32, #tpu.memory_space<vmem>> -> memref<1x64xi32, #tpu.memory_space<vmem>>
      %dma_start3A_186 = tpu.memref_squeeze %dma_start3A_185 : memref<1x64xi32, #tpu.memory_space<vmem>> -> memref<64xi32, #tpu.memory_space<vmem>>
      %dma_start3A_187 = arith.constant 0 : i32
      %dma_start3A_188 = arith.constant 0 : i32
      %dma_start3A_189 = tpu.memref_slice %arg2[%dma_start3A_187, %dma_start3A_188] : memref<20000x128xf32, #tpu.memory_space<hbm>> -> memref<20000x128xf32, #tpu.memory_space<hbm>>
      tpu.enqueue_indirect_dma source(%dma_start3A_189 : memref<20000x128xf32, #tpu.memory_space<hbm>>) target(%dma_start3A_183 : memref<64x128xf32, #tpu.memory_space<vmem>>) offsets(%dma_start3A_186 : memref<64xi32, #tpu.memory_space<vmem>>) semaphore(%arg12 : memref<!tpu.dma_semaphore, #tpu.memory_space<semaphore_mem>>)
      %dma_wait3A_190 = arith.constant 2 : i32
      %dma_wait3A_191 = arith.constant 0 : i32
      %dma_wait3A_192 = arith.constant 0 : i32
      %dma_wait3A_193 = tpu.memref_slice %arg9[%dma_wait3A_191, %dma_wait3A_192] : memref<128x128xf32, #tpu.memory_space<vmem>> -> memref<64x128xf32, #tpu.memory_space<vmem>>
      %dma_wait3A_194 = arith.constant 0 : i32
      %dma_wait3A_195 = tpu.memref_slice %arg7[%dma_wait3A_190, %dma_wait3A_194] : memref<8x128xi32, #tpu.memory_space<vmem>> -> memref<1x64xi32, #tpu.memory_space<vmem>>
      %dma_wait3A_196 = tpu.memref_squeeze %dma_wait3A_195 : memref<1x64xi32, #tpu.memory_space<vmem>> -> memref<64xi32, #tpu.memory_space<vmem>>
      %dma_wait3A_197 = arith.constant 0 : i32
      %dma_wait3A_198 = arith.constant 0 : i32
      %dma_wait3A_199 = tpu.memref_slice %arg2[%dma_wait3A_197, %dma_wait3A_198] : memref<20000x128xf32, #tpu.memory_space<hbm>> -> memref<20000x128xf32, #tpu.memory_space<hbm>>
      tpu.wait_indirect_dma semaphore(%arg11 : memref<!tpu.dma_semaphore, #tpu.memory_space<semaphore_mem>>) src(%dma_wait3A_199 : memref<20000x128xf32, #tpu.memory_space<hbm>>) dst(%dma_wait3A_193 : memref<64x128xf32, #tpu.memory_space<vmem>>)
      %dma_wait3A_200 = arith.constant 2 : i32
      %dma_wait3A_201 = arith.constant 64 : i32
      %dma_wait3A_202 = arith.constant 0 : i32
      %dma_wait3A_203 = tpu.memref_slice %arg9[%dma_wait3A_201, %dma_wait3A_202] : memref<128x128xf32, #tpu.memory_space<vmem>> -> memref<64x128xf32, #tpu.memory_space<vmem>>
      %dma_wait3A_204 = arith.constant 64 : i32
      %dma_wait3A_205 = tpu.memref_slice %arg7[%dma_wait3A_200, %dma_wait3A_204] : memref<8x128xi32, #tpu.memory_space<vmem>> -> memref<1x64xi32, #tpu.memory_space<vmem>>
      %dma_wait3A_206 = tpu.memref_squeeze %dma_wait3A_205 : memref<1x64xi32, #tpu.memory_space<vmem>> -> memref<64xi32, #tpu.memory_space<vmem>>
      %dma_wait3A_207 = arith.constant 0 : i32
      %dma_wait3A_208 = arith.constant 0 : i32
      %dma_wait3A_209 = tpu.memref_slice %arg2[%dma_wait3A_207, %dma_wait3A_208] : memref<20000x128xf32, #tpu.memory_space<hbm>> -> memref<20000x128xf32, #tpu.memory_space<hbm>>
      tpu.wait_indirect_dma semaphore(%arg11 : memref<!tpu.dma_semaphore, #tpu.memory_space<semaphore_mem>>) src(%dma_wait3A_209 : memref<20000x128xf32, #tpu.memory_space<hbm>>) dst(%dma_wait3A_203 : memref<64x128xf32, #tpu.memory_space<vmem>>)
      %dma_start3A_210 = arith.constant 2 : i32
      %dma_start3A_211 = arith.constant 0 : i32
      %dma_start3A_212 = tpu.memref_slice %arg8[%dma_start3A_210, %dma_start3A_211] : memref<8x128xi32, #tpu.memory_space<vmem>> -> memref<1x128xi32, #tpu.memory_space<vmem>>
      %dma_start3A_213 = tpu.memref_squeeze %dma_start3A_212 : memref<1x128xi32, #tpu.memory_space<vmem>> -> memref<128xi32, #tpu.memory_space<vmem>>
      %dma_start3A_214 = arith.constant 0 : i32
      %dma_start3A_215 = arith.constant 0 : i32
      %dma_start3A_216 = tpu.memref_slice %arg6[%dma_start3A_214, %dma_start3A_215] : memref<10112x128xf32, #tpu.memory_space<vmem_shared>> -> memref<10112x128xf32, #tpu.memory_space<vmem_shared>>
      tpu.enqueue_indirect_dma source(%arg9 : memref<128x128xf32, #tpu.memory_space<vmem>>) target(%dma_start3A_216 : memref<10112x128xf32, #tpu.memory_space<vmem_shared>>) offsets(%dma_start3A_213 : memref<128xi32, #tpu.memory_space<vmem>>) semaphore(%arg13 : memref<!tpu.dma_semaphore, #tpu.memory_space<semaphore_mem>>) {add = true}
      %dma_wait3A_217 = arith.constant 2 : i32
      %dma_wait3A_218 = arith.constant 0 : i32
      %dma_wait3A_219 = tpu.memref_slice %arg8[%dma_wait3A_217, %dma_wait3A_218] : memref<8x128xi32, #tpu.memory_space<vmem>> -> memref<1x128xi32, #tpu.memory_space<vmem>>
      %dma_wait3A_220 = tpu.memref_squeeze %dma_wait3A_219 : memref<1x128xi32, #tpu.memory_space<vmem>> -> memref<128xi32, #tpu.memory_space<vmem>>
      %dma_wait3A_221 = arith.constant 0 : i32
      %dma_wait3A_222 = arith.constant 0 : i32
      %dma_wait3A_223 = tpu.memref_slice %arg6[%dma_wait3A_221, %dma_wait3A_222] : memref<10112x128xf32, #tpu.memory_space<vmem_shared>> -> memref<10112x128xf32, #tpu.memory_space<vmem_shared>>
      tpu.wait_indirect_dma semaphore(%arg13 : memref<!tpu.dma_semaphore, #tpu.memory_space<semaphore_mem>>) src(%arg9 : memref<128x128xf32, #tpu.memory_space<vmem>>) dst(%dma_wait3A_223 : memref<10112x128xf32, #tpu.memory_space<vmem_shared>>)
      %dma_start3A_224 = arith.constant 4 : i32
      %dma_start3A_225 = arith.constant 0 : i32
      %dma_start3A_226 = arith.constant 0 : i32
      %dma_start3A_227 = tpu.memref_slice %arg9[%dma_start3A_225, %dma_start3A_226] : memref<128x128xf32, #tpu.memory_space<vmem>> -> memref<64x128xf32, #tpu.memory_space<vmem>>
      %dma_start3A_228 = arith.constant 0 : i32
      %dma_start3A_229 = tpu.memref_slice %arg7[%dma_start3A_224, %dma_start3A_228] : memref<8x128xi32, #tpu.memory_space<vmem>> -> memref<1x64xi32, #tpu.memory_space<vmem>>
      %dma_start3A_230 = tpu.memref_squeeze %dma_start3A_229 : memref<1x64xi32, #tpu.memory_space<vmem>> -> memref<64xi32, #tpu.memory_space<vmem>>
      %dma_start3A_231 = arith.constant 0 : i32
      %dma_start3A_232 = arith.constant 0 : i32
      %dma_start3A_233 = tpu.memref_slice %arg2[%dma_start3A_231, %dma_start3A_232] : memref<20000x128xf32, #tpu.memory_space<hbm>> -> memref<20000x128xf32, #tpu.memory_space<hbm>>
      tpu.enqueue_indirect_dma source(%dma_start3A_233 : memref<20000x128xf32, #tpu.memory_space<hbm>>) target(%dma_start3A_227 : memref<64x128xf32, #tpu.memory_space<vmem>>) offsets(%dma_start3A_230 : memref<64xi32, #tpu.memory_space<vmem>>) semaphore(%arg11 : memref<!tpu.dma_semaphore, #tpu.memory_space<semaphore_mem>>)
      %dma_start3A_234 = arith.constant 4 : i32
      %dma_start3A_235 = arith.constant 64 : i32
      %dma_start3A_236 = arith.constant 0 : i32
      %dma_start3A_237 = tpu.memref_slice %arg9[%dma_start3A_235, %dma_start3A_236] : memref<128x128xf32, #tpu.memory_space<vmem>> -> memref<64x128xf32, #tpu.memory_space<vmem>>
      %dma_start3A_238 = arith.constant 64 : i32
      %dma_start3A_239 = tpu.memref_slice %arg7[%dma_start3A_234, %dma_start3A_238] : memref<8x128xi32, #tpu.memory_space<vmem>> -> memref<1x64xi32, #tpu.memory_space<vmem>>
      %dma_start3A_240 = tpu.memref_squeeze %dma_start3A_239 : memref<1x64xi32, #tpu.memory_space<vmem>> -> memref<64xi32, #tpu.memory_space<vmem>>
      %dma_start3A_241 = arith.constant 0 : i32
      %dma_start3A_242 = arith.constant 0 : i32
      %dma_start3A_243 = tpu.memref_slice %arg2[%dma_start3A_241, %dma_start3A_242] : memref<20000x128xf32, #tpu.memory_space<hbm>> -> memref<20000x128xf32, #tpu.memory_space<hbm>>
      tpu.enqueue_indirect_dma source(%dma_start3A_243 : memref<20000x128xf32, #tpu.memory_space<hbm>>) target(%dma_start3A_237 : memref<64x128xf32, #tpu.memory_space<vmem>>) offsets(%dma_start3A_240 : memref<64xi32, #tpu.memory_space<vmem>>) semaphore(%arg11 : memref<!tpu.dma_semaphore, #tpu.memory_space<semaphore_mem>>)
      %dma_wait3A_244 = arith.constant 3 : i32
      %dma_wait3A_245 = arith.constant 0 : i32
      %dma_wait3A_246 = arith.constant 0 : i32
      %dma_wait3A_247 = tpu.memref_slice %arg10[%dma_wait3A_245, %dma_wait3A_246] : memref<128x128xf32, #tpu.memory_space<vmem>> -> memref<64x128xf32, #tpu.memory_space<vmem>>
      %dma_wait3A_248 = arith.constant 0 : i32
      %dma_wait3A_249 = tpu.memref_slice %arg7[%dma_wait3A_244, %dma_wait3A_248] : memref<8x128xi32, #tpu.memory_space<vmem>> -> memref<1x64xi32, #tpu.memory_space<vmem>>
      %dma_wait3A_250 = tpu.memref_squeeze %dma_wait3A_249 : memref<1x64xi32, #tpu.memory_space<vmem>> -> memref<64xi32, #tpu.memory_space<vmem>>
      %dma_wait3A_251 = arith.constant 0 : i32
      %dma_wait3A_252 = arith.constant 0 : i32
      %dma_wait3A_253 = tpu.memref_slice %arg2[%dma_wait3A_251, %dma_wait3A_252] : memref<20000x128xf32, #tpu.memory_space<hbm>> -> memref<20000x128xf32, #tpu.memory_space<hbm>>
      tpu.wait_indirect_dma semaphore(%arg12 : memref<!tpu.dma_semaphore, #tpu.memory_space<semaphore_mem>>) src(%dma_wait3A_253 : memref<20000x128xf32, #tpu.memory_space<hbm>>) dst(%dma_wait3A_247 : memref<64x128xf32, #tpu.memory_space<vmem>>)
      %dma_wait3A_254 = arith.constant 3 : i32
      %dma_wait3A_255 = arith.constant 64 : i32
      %dma_wait3A_256 = arith.constant 0 : i32
      %dma_wait3A_257 = tpu.memref_slice %arg10[%dma_wait3A_255, %dma_wait3A_256] : memref<128x128xf32, #tpu.memory_space<vmem>> -> memref<64x128xf32, #tpu.memory_space<vmem>>
      %dma_wait3A_258 = arith.constant 64 : i32
      %dma_wait3A_259 = tpu.memref_slice %arg7[%dma_wait3A_254, %dma_wait3A_258] : memref<8x128xi32, #tpu.memory_space<vmem>> -> memref<1x64xi32, #tpu.memory_space<vmem>>
      %dma_wait3A_260 = tpu.memref_squeeze %dma_wait3A_259 : memref<1x64xi32, #tpu.memory_space<vmem>> -> memref<64xi32, #tpu.memory_space<vmem>>
      %dma_wait3A_261 = arith.constant 0 : i32
      %dma_wait3A_262 = arith.constant 0 : i32
      %dma_wait3A_263 = tpu.memref_slice %arg2[%dma_wait3A_261, %dma_wait3A_262] : memref<20000x128xf32, #tpu.memory_space<hbm>> -> memref<20000x128xf32, #tpu.memory_space<hbm>>
      tpu.wait_indirect_dma semaphore(%arg12 : memref<!tpu.dma_semaphore, #tpu.memory_space<semaphore_mem>>) src(%dma_wait3A_263 : memref<20000x128xf32, #tpu.memory_space<hbm>>) dst(%dma_wait3A_257 : memref<64x128xf32, #tpu.memory_space<vmem>>)
      %dma_start3A_264 = arith.constant 3 : i32
      %dma_start3A_265 = arith.constant 0 : i32
      %dma_start3A_266 = tpu.memref_slice %arg8[%dma_start3A_264, %dma_start3A_265] : memref<8x128xi32, #tpu.memory_space<vmem>> -> memref<1x128xi32, #tpu.memory_space<vmem>>
      %dma_start3A_267 = tpu.memref_squeeze %dma_start3A_266 : memref<1x128xi32, #tpu.memory_space<vmem>> -> memref<128xi32, #tpu.memory_space<vmem>>
      %dma_start3A_268 = arith.constant 0 : i32
      %dma_start3A_269 = arith.constant 0 : i32
      %dma_start3A_270 = tpu.memref_slice %arg6[%dma_start3A_268, %dma_start3A_269] : memref<10112x128xf32, #tpu.memory_space<vmem_shared>> -> memref<10112x128xf32, #tpu.memory_space<vmem_shared>>
      tpu.enqueue_indirect_dma source(%arg10 : memref<128x128xf32, #tpu.memory_space<vmem>>) target(%dma_start3A_270 : memref<10112x128xf32, #tpu.memory_space<vmem_shared>>) offsets(%dma_start3A_267 : memref<128xi32, #tpu.memory_space<vmem>>) semaphore(%arg14 : memref<!tpu.dma_semaphore, #tpu.memory_space<semaphore_mem>>) {add = true}
      %dma_wait3A_271 = arith.constant 3 : i32
      %dma_wait3A_272 = arith.constant 0 : i32
      %dma_wait3A_273 = tpu.memref_slice %arg8[%dma_wait3A_271, %dma_wait3A_272] : memref<8x128xi32, #tpu.memory_space<vmem>> -> memref<1x128xi32, #tpu.memory_space<vmem>>
      %dma_wait3A_274 = tpu.memref_squeeze %dma_wait3A_273 : memref<1x128xi32, #tpu.memory_space<vmem>> -> memref<128xi32, #tpu.memory_space<vmem>>
      %dma_wait3A_275 = arith.constant 0 : i32
      %dma_wait3A_276 = arith.constant 0 : i32
      %dma_wait3A_277 = tpu.memref_slice %arg6[%dma_wait3A_275, %dma_wait3A_276] : memref<10112x128xf32, #tpu.memory_space<vmem_shared>> -> memref<10112x128xf32, #tpu.memory_space<vmem_shared>>
      tpu.wait_indirect_dma semaphore(%arg14 : memref<!tpu.dma_semaphore, #tpu.memory_space<semaphore_mem>>) src(%arg10 : memref<128x128xf32, #tpu.memory_space<vmem>>) dst(%dma_wait3A_277 : memref<10112x128xf32, #tpu.memory_space<vmem_shared>>)
      %dma_start3A_278 = arith.constant 5 : i32
      %dma_start3A_279 = arith.constant 0 : i32
      %dma_start3A_280 = arith.constant 0 : i32
      %dma_start3A_281 = tpu.memref_slice %arg10[%dma_start3A_279, %dma_start3A_280] : memref<128x128xf32, #tpu.memory_space<vmem>> -> memref<64x128xf32, #tpu.memory_space<vmem>>
      %dma_start3A_282 = arith.constant 0 : i32
      %dma_start3A_283 = tpu.memref_slice %arg7[%dma_start3A_278, %dma_start3A_282] : memref<8x128xi32, #tpu.memory_space<vmem>> -> memref<1x64xi32, #tpu.memory_space<vmem>>
      %dma_start3A_284 = tpu.memref_squeeze %dma_start3A_283 : memref<1x64xi32, #tpu.memory_space<vmem>> -> memref<64xi32, #tpu.memory_space<vmem>>
      %dma_start3A_285 = arith.constant 0 : i32
      %dma_start3A_286 = arith.constant 0 : i32
      %dma_start3A_287 = tpu.memref_slice %arg2[%dma_start3A_285, %dma_start3A_286] : memref<20000x128xf32, #tpu.memory_space<hbm>> -> memref<20000x128xf32, #tpu.memory_space<hbm>>
      tpu.enqueue_indirect_dma source(%dma_start3A_287 : memref<20000x128xf32, #tpu.memory_space<hbm>>) target(%dma_start3A_281 : memref<64x128xf32, #tpu.memory_space<vmem>>) offsets(%dma_start3A_284 : memref<64xi32, #tpu.memory_space<vmem>>) semaphore(%arg12 : memref<!tpu.dma_semaphore, #tpu.memory_space<semaphore_mem>>)
      %dma_start3A_288 = arith.constant 5 : i32
      %dma_start3A_289 = arith.constant 64 : i32
      %dma_start3A_290 = arith.constant 0 : i32
      %dma_start3A_291 = tpu.memref_slice %arg10[%dma_start3A_289, %dma_start3A_290] : memref<128x128xf32, #tpu.memory_space<vmem>> -> memref<64x128xf32, #tpu.memory_space<vmem>>
      %dma_start3A_292 = arith.constant 64 : i32
      %dma_start3A_293 = tpu.memref_slice %arg7[%dma_start3A_288, %dma_start3A_292] : memref<8x128xi32, #tpu.memory_space<vmem>> -> memref<1x64xi32, #tpu.memory_space<vmem>>
      %dma_start3A_294 = tpu.memref_squeeze %dma_start3A_293 : memref<1x64xi32, #tpu.memory_space<vmem>> -> memref<64xi32, #tpu.memory_space<vmem>>
      %dma_start3A_295 = arith.constant 0 : i32
      %dma_start3A_296 = arith.constant 0 : i32
      %dma_start3A_297 = tpu.memref_slice %arg2[%dma_start3A_295, %dma_start3A_296] : memref<20000x128xf32, #tpu.memory_space<hbm>> -> memref<20000x128xf32, #tpu.memory_space<hbm>>
      tpu.enqueue_indirect_dma source(%dma_start3A_297 : memref<20000x128xf32, #tpu.memory_space<hbm>>) target(%dma_start3A_291 : memref<64x128xf32, #tpu.memory_space<vmem>>) offsets(%dma_start3A_294 : memref<64xi32, #tpu.memory_space<vmem>>) semaphore(%arg12 : memref<!tpu.dma_semaphore, #tpu.memory_space<semaphore_mem>>)
      %dma_wait3A_298 = arith.constant 4 : i32
      %dma_wait3A_299 = arith.constant 0 : i32
      %dma_wait3A_300 = arith.constant 0 : i32
      %dma_wait3A_301 = tpu.memref_slice %arg9[%dma_wait3A_299, %dma_wait3A_300] : memref<128x128xf32, #tpu.memory_space<vmem>> -> memref<64x128xf32, #tpu.memory_space<vmem>>
      %dma_wait3A_302 = arith.constant 0 : i32
      %dma_wait3A_303 = tpu.memref_slice %arg7[%dma_wait3A_298, %dma_wait3A_302] : memref<8x128xi32, #tpu.memory_space<vmem>> -> memref<1x64xi32, #tpu.memory_space<vmem>>
      %dma_wait3A_304 = tpu.memref_squeeze %dma_wait3A_303 : memref<1x64xi32, #tpu.memory_space<vmem>> -> memref<64xi32, #tpu.memory_space<vmem>>
      %dma_wait3A_305 = arith.constant 0 : i32
      %dma_wait3A_306 = arith.constant 0 : i32
      %dma_wait3A_307 = tpu.memref_slice %arg2[%dma_wait3A_305, %dma_wait3A_306] : memref<20000x128xf32, #tpu.memory_space<hbm>> -> memref<20000x128xf32, #tpu.memory_space<hbm>>
      tpu.wait_indirect_dma semaphore(%arg11 : memref<!tpu.dma_semaphore, #tpu.memory_space<semaphore_mem>>) src(%dma_wait3A_307 : memref<20000x128xf32, #tpu.memory_space<hbm>>) dst(%dma_wait3A_301 : memref<64x128xf32, #tpu.memory_space<vmem>>)
      %dma_wait3A_308 = arith.constant 4 : i32
      %dma_wait3A_309 = arith.constant 64 : i32
      %dma_wait3A_310 = arith.constant 0 : i32
      %dma_wait3A_311 = tpu.memref_slice %arg9[%dma_wait3A_309, %dma_wait3A_310] : memref<128x128xf32, #tpu.memory_space<vmem>> -> memref<64x128xf32, #tpu.memory_space<vmem>>
      %dma_wait3A_312 = arith.constant 64 : i32
      %dma_wait3A_313 = tpu.memref_slice %arg7[%dma_wait3A_308, %dma_wait3A_312] : memref<8x128xi32, #tpu.memory_space<vmem>> -> memref<1x64xi32, #tpu.memory_space<vmem>>
      %dma_wait3A_314 = tpu.memref_squeeze %dma_wait3A_313 : memref<1x64xi32, #tpu.memory_space<vmem>> -> memref<64xi32, #tpu.memory_space<vmem>>
      %dma_wait3A_315 = arith.constant 0 : i32
      %dma_wait3A_316 = arith.constant 0 : i32
      %dma_wait3A_317 = tpu.memref_slice %arg2[%dma_wait3A_315, %dma_wait3A_316] : memref<20000x128xf32, #tpu.memory_space<hbm>> -> memref<20000x128xf32, #tpu.memory_space<hbm>>
      tpu.wait_indirect_dma semaphore(%arg11 : memref<!tpu.dma_semaphore, #tpu.memory_space<semaphore_mem>>) src(%dma_wait3A_317 : memref<20000x128xf32, #tpu.memory_space<hbm>>) dst(%dma_wait3A_311 : memref<64x128xf32, #tpu.memory_space<vmem>>)
      %dma_start3A_318 = arith.constant 4 : i32
      %dma_start3A_319 = arith.constant 0 : i32
      %dma_start3A_320 = tpu.memref_slice %arg8[%dma_start3A_318, %dma_start3A_319] : memref<8x128xi32, #tpu.memory_space<vmem>> -> memref<1x128xi32, #tpu.memory_space<vmem>>
      %dma_start3A_321 = tpu.memref_squeeze %dma_start3A_320 : memref<1x128xi32, #tpu.memory_space<vmem>> -> memref<128xi32, #tpu.memory_space<vmem>>
      %dma_start3A_322 = arith.constant 0 : i32
      %dma_start3A_323 = arith.constant 0 : i32
      %dma_start3A_324 = tpu.memref_slice %arg6[%dma_start3A_322, %dma_start3A_323] : memref<10112x128xf32, #tpu.memory_space<vmem_shared>> -> memref<10112x128xf32, #tpu.memory_space<vmem_shared>>
      tpu.enqueue_indirect_dma source(%arg9 : memref<128x128xf32, #tpu.memory_space<vmem>>) target(%dma_start3A_324 : memref<10112x128xf32, #tpu.memory_space<vmem_shared>>) offsets(%dma_start3A_321 : memref<128xi32, #tpu.memory_space<vmem>>) semaphore(%arg13 : memref<!tpu.dma_semaphore, #tpu.memory_space<semaphore_mem>>) {add = true}
      %dma_wait3A_325 = arith.constant 4 : i32
      %dma_wait3A_326 = arith.constant 0 : i32
      %dma_wait3A_327 = tpu.memref_slice %arg8[%dma_wait3A_325, %dma_wait3A_326] : memref<8x128xi32, #tpu.memory_space<vmem>> -> memref<1x128xi32, #tpu.memory_space<vmem>>
      %dma_wait3A_328 = tpu.memref_squeeze %dma_wait3A_327 : memref<1x128xi32, #tpu.memory_space<vmem>> -> memref<128xi32, #tpu.memory_space<vmem>>
      %dma_wait3A_329 = arith.constant 0 : i32
      %dma_wait3A_330 = arith.constant 0 : i32
      %dma_wait3A_331 = tpu.memref_slice %arg6[%dma_wait3A_329, %dma_wait3A_330] : memref<10112x128xf32, #tpu.memory_space<vmem_shared>> -> memref<10112x128xf32, #tpu.memory_space<vmem_shared>>
      tpu.wait_indirect_dma semaphore(%arg13 : memref<!tpu.dma_semaphore, #tpu.memory_space<semaphore_mem>>) src(%arg9 : memref<128x128xf32, #tpu.memory_space<vmem>>) dst(%dma_wait3A_331 : memref<10112x128xf32, #tpu.memory_space<vmem_shared>>)
      %dma_start3A_332 = arith.constant 6 : i32
      %dma_start3A_333 = arith.constant 0 : i32
      %dma_start3A_334 = arith.constant 0 : i32
      %dma_start3A_335 = tpu.memref_slice %arg9[%dma_start3A_333, %dma_start3A_334] : memref<128x128xf32, #tpu.memory_space<vmem>> -> memref<64x128xf32, #tpu.memory_space<vmem>>
      %dma_start3A_336 = arith.constant 0 : i32
      %dma_start3A_337 = tpu.memref_slice %arg7[%dma_start3A_332, %dma_start3A_336] : memref<8x128xi32, #tpu.memory_space<vmem>> -> memref<1x64xi32, #tpu.memory_space<vmem>>
      %dma_start3A_338 = tpu.memref_squeeze %dma_start3A_337 : memref<1x64xi32, #tpu.memory_space<vmem>> -> memref<64xi32, #tpu.memory_space<vmem>>
      %dma_start3A_339 = arith.constant 0 : i32
      %dma_start3A_340 = arith.constant 0 : i32
      %dma_start3A_341 = tpu.memref_slice %arg2[%dma_start3A_339, %dma_start3A_340] : memref<20000x128xf32, #tpu.memory_space<hbm>> -> memref<20000x128xf32, #tpu.memory_space<hbm>>
      tpu.enqueue_indirect_dma source(%dma_start3A_341 : memref<20000x128xf32, #tpu.memory_space<hbm>>) target(%dma_start3A_335 : memref<64x128xf32, #tpu.memory_space<vmem>>) offsets(%dma_start3A_338 : memref<64xi32, #tpu.memory_space<vmem>>) semaphore(%arg11 : memref<!tpu.dma_semaphore, #tpu.memory_space<semaphore_mem>>)
      %dma_start3A_342 = arith.constant 6 : i32
      %dma_start3A_343 = arith.constant 64 : i32
      %dma_start3A_344 = arith.constant 0 : i32
      %dma_start3A_345 = tpu.memref_slice %arg9[%dma_start3A_343, %dma_start3A_344] : memref<128x128xf32, #tpu.memory_space<vmem>> -> memref<64x128xf32, #tpu.memory_space<vmem>>
      %dma_start3A_346 = arith.constant 64 : i32
      %dma_start3A_347 = tpu.memref_slice %arg7[%dma_start3A_342, %dma_start3A_346] : memref<8x128xi32, #tpu.memory_space<vmem>> -> memref<1x64xi32, #tpu.memory_space<vmem>>
      %dma_start3A_348 = tpu.memref_squeeze %dma_start3A_347 : memref<1x64xi32, #tpu.memory_space<vmem>> -> memref<64xi32, #tpu.memory_space<vmem>>
      %dma_start3A_349 = arith.constant 0 : i32
      %dma_start3A_350 = arith.constant 0 : i32
      %dma_start3A_351 = tpu.memref_slice %arg2[%dma_start3A_349, %dma_start3A_350] : memref<20000x128xf32, #tpu.memory_space<hbm>> -> memref<20000x128xf32, #tpu.memory_space<hbm>>
      tpu.enqueue_indirect_dma source(%dma_start3A_351 : memref<20000x128xf32, #tpu.memory_space<hbm>>) target(%dma_start3A_345 : memref<64x128xf32, #tpu.memory_space<vmem>>) offsets(%dma_start3A_348 : memref<64xi32, #tpu.memory_space<vmem>>) semaphore(%arg11 : memref<!tpu.dma_semaphore, #tpu.memory_space<semaphore_mem>>)
      %dma_wait3A_352 = arith.constant 5 : i32
      %dma_wait3A_353 = arith.constant 0 : i32
      %dma_wait3A_354 = arith.constant 0 : i32
      %dma_wait3A_355 = tpu.memref_slice %arg10[%dma_wait3A_353, %dma_wait3A_354] : memref<128x128xf32, #tpu.memory_space<vmem>> -> memref<64x128xf32, #tpu.memory_space<vmem>>
      %dma_wait3A_356 = arith.constant 0 : i32
      %dma_wait3A_357 = tpu.memref_slice %arg7[%dma_wait3A_352, %dma_wait3A_356] : memref<8x128xi32, #tpu.memory_space<vmem>> -> memref<1x64xi32, #tpu.memory_space<vmem>>
      %dma_wait3A_358 = tpu.memref_squeeze %dma_wait3A_357 : memref<1x64xi32, #tpu.memory_space<vmem>> -> memref<64xi32, #tpu.memory_space<vmem>>
      %dma_wait3A_359 = arith.constant 0 : i32
      %dma_wait3A_360 = arith.constant 0 : i32
      %dma_wait3A_361 = tpu.memref_slice %arg2[%dma_wait3A_359, %dma_wait3A_360] : memref<20000x128xf32, #tpu.memory_space<hbm>> -> memref<20000x128xf32, #tpu.memory_space<hbm>>
      tpu.wait_indirect_dma semaphore(%arg12 : memref<!tpu.dma_semaphore, #tpu.memory_space<semaphore_mem>>) src(%dma_wait3A_361 : memref<20000x128xf32, #tpu.memory_space<hbm>>) dst(%dma_wait3A_355 : memref<64x128xf32, #tpu.memory_space<vmem>>)
      %dma_wait3A_362 = arith.constant 5 : i32
      %dma_wait3A_363 = arith.constant 64 : i32
      %dma_wait3A_364 = arith.constant 0 : i32
      %dma_wait3A_365 = tpu.memref_slice %arg10[%dma_wait3A_363, %dma_wait3A_364] : memref<128x128xf32, #tpu.memory_space<vmem>> -> memref<64x128xf32, #tpu.memory_space<vmem>>
      %dma_wait3A_366 = arith.constant 64 : i32
      %dma_wait3A_367 = tpu.memref_slice %arg7[%dma_wait3A_362, %dma_wait3A_366] : memref<8x128xi32, #tpu.memory_space<vmem>> -> memref<1x64xi32, #tpu.memory_space<vmem>>
      %dma_wait3A_368 = tpu.memref_squeeze %dma_wait3A_367 : memref<1x64xi32, #tpu.memory_space<vmem>> -> memref<64xi32, #tpu.memory_space<vmem>>
      %dma_wait3A_369 = arith.constant 0 : i32
      %dma_wait3A_370 = arith.constant 0 : i32
      %dma_wait3A_371 = tpu.memref_slice %arg2[%dma_wait3A_369, %dma_wait3A_370] : memref<20000x128xf32, #tpu.memory_space<hbm>> -> memref<20000x128xf32, #tpu.memory_space<hbm>>
      tpu.wait_indirect_dma semaphore(%arg12 : memref<!tpu.dma_semaphore, #tpu.memory_space<semaphore_mem>>) src(%dma_wait3A_371 : memref<20000x128xf32, #tpu.memory_space<hbm>>) dst(%dma_wait3A_365 : memref<64x128xf32, #tpu.memory_space<vmem>>)
      %dma_start3A_372 = arith.constant 5 : i32
      %dma_start3A_373 = arith.constant 0 : i32
      %dma_start3A_374 = tpu.memref_slice %arg8[%dma_start3A_372, %dma_start3A_373] : memref<8x128xi32, #tpu.memory_space<vmem>> -> memref<1x128xi32, #tpu.memory_space<vmem>>
      %dma_start3A_375 = tpu.memref_squeeze %dma_start3A_374 : memref<1x128xi32, #tpu.memory_space<vmem>> -> memref<128xi32, #tpu.memory_space<vmem>>
      %dma_start3A_376 = arith.constant 0 : i32
      %dma_start3A_377 = arith.constant 0 : i32
      %dma_start3A_378 = tpu.memref_slice %arg6[%dma_start3A_376, %dma_start3A_377] : memref<10112x128xf32, #tpu.memory_space<vmem_shared>> -> memref<10112x128xf32, #tpu.memory_space<vmem_shared>>
      tpu.enqueue_indirect_dma source(%arg10 : memref<128x128xf32, #tpu.memory_space<vmem>>) target(%dma_start3A_378 : memref<10112x128xf32, #tpu.memory_space<vmem_shared>>) offsets(%dma_start3A_375 : memref<128xi32, #tpu.memory_space<vmem>>) semaphore(%arg14 : memref<!tpu.dma_semaphore, #tpu.memory_space<semaphore_mem>>) {add = true}
      %dma_wait3A_379 = arith.constant 5 : i32
      %dma_wait3A_380 = arith.constant 0 : i32
      %dma_wait3A_381 = tpu.memref_slice %arg8[%dma_wait3A_379, %dma_wait3A_380] : memref<8x128xi32, #tpu.memory_space<vmem>> -> memref<1x128xi32, #tpu.memory_space<vmem>>
      %dma_wait3A_382 = tpu.memref_squeeze %dma_wait3A_381 : memref<1x128xi32, #tpu.memory_space<vmem>> -> memref<128xi32, #tpu.memory_space<vmem>>
      %dma_wait3A_383 = arith.constant 0 : i32
      %dma_wait3A_384 = arith.constant 0 : i32
      %dma_wait3A_385 = tpu.memref_slice %arg6[%dma_wait3A_383, %dma_wait3A_384] : memref<10112x128xf32, #tpu.memory_space<vmem_shared>> -> memref<10112x128xf32, #tpu.memory_space<vmem_shared>>
      tpu.wait_indirect_dma semaphore(%arg14 : memref<!tpu.dma_semaphore, #tpu.memory_space<semaphore_mem>>) src(%arg10 : memref<128x128xf32, #tpu.memory_space<vmem>>) dst(%dma_wait3A_385 : memref<10112x128xf32, #tpu.memory_space<vmem_shared>>)
      %dma_start3A_386 = arith.constant 7 : i32
      %dma_start3A_387 = arith.constant 0 : i32
      %dma_start3A_388 = arith.constant 0 : i32
      %dma_start3A_389 = tpu.memref_slice %arg10[%dma_start3A_387, %dma_start3A_388] : memref<128x128xf32, #tpu.memory_space<vmem>> -> memref<64x128xf32, #tpu.memory_space<vmem>>
      %dma_start3A_390 = arith.constant 0 : i32
      %dma_start3A_391 = tpu.memref_slice %arg7[%dma_start3A_386, %dma_start3A_390] : memref<8x128xi32, #tpu.memory_space<vmem>> -> memref<1x64xi32, #tpu.memory_space<vmem>>
      %dma_start3A_392 = tpu.memref_squeeze %dma_start3A_391 : memref<1x64xi32, #tpu.memory_space<vmem>> -> memref<64xi32, #tpu.memory_space<vmem>>
      %dma_start3A_393 = arith.constant 0 : i32
      %dma_start3A_394 = arith.constant 0 : i32
      %dma_start3A_395 = tpu.memref_slice %arg2[%dma_start3A_393, %dma_start3A_394] : memref<20000x128xf32, #tpu.memory_space<hbm>> -> memref<20000x128xf32, #tpu.memory_space<hbm>>
      tpu.enqueue_indirect_dma source(%dma_start3A_395 : memref<20000x128xf32, #tpu.memory_space<hbm>>) target(%dma_start3A_389 : memref<64x128xf32, #tpu.memory_space<vmem>>) offsets(%dma_start3A_392 : memref<64xi32, #tpu.memory_space<vmem>>) semaphore(%arg12 : memref<!tpu.dma_semaphore, #tpu.memory_space<semaphore_mem>>)
      %dma_start3A_396 = arith.constant 7 : i32
      %dma_start3A_397 = arith.constant 64 : i32
      %dma_start3A_398 = arith.constant 0 : i32
      %dma_start3A_399 = tpu.memref_slice %arg10[%dma_start3A_397, %dma_start3A_398] : memref<128x128xf32, #tpu.memory_space<vmem>> -> memref<64x128xf32, #tpu.memory_space<vmem>>
      %dma_start3A_400 = arith.constant 64 : i32
      %dma_start3A_401 = tpu.memref_slice %arg7[%dma_start3A_396, %dma_start3A_400] : memref<8x128xi32, #tpu.memory_space<vmem>> -> memref<1x64xi32, #tpu.memory_space<vmem>>
      %dma_start3A_402 = tpu.memref_squeeze %dma_start3A_401 : memref<1x64xi32, #tpu.memory_space<vmem>> -> memref<64xi32, #tpu.memory_space<vmem>>
      %dma_start3A_403 = arith.constant 0 : i32
      %dma_start3A_404 = arith.constant 0 : i32
      %dma_start3A_405 = tpu.memref_slice %arg2[%dma_start3A_403, %dma_start3A_404] : memref<20000x128xf32, #tpu.memory_space<hbm>> -> memref<20000x128xf32, #tpu.memory_space<hbm>>
      tpu.enqueue_indirect_dma source(%dma_start3A_405 : memref<20000x128xf32, #tpu.memory_space<hbm>>) target(%dma_start3A_399 : memref<64x128xf32, #tpu.memory_space<vmem>>) offsets(%dma_start3A_402 : memref<64xi32, #tpu.memory_space<vmem>>) semaphore(%arg12 : memref<!tpu.dma_semaphore, #tpu.memory_space<semaphore_mem>>)
      %dma_wait3A_406 = arith.constant 6 : i32
      %dma_wait3A_407 = arith.constant 0 : i32
      %dma_wait3A_408 = arith.constant 0 : i32
      %dma_wait3A_409 = tpu.memref_slice %arg9[%dma_wait3A_407, %dma_wait3A_408] : memref<128x128xf32, #tpu.memory_space<vmem>> -> memref<64x128xf32, #tpu.memory_space<vmem>>
      %dma_wait3A_410 = arith.constant 0 : i32
      %dma_wait3A_411 = tpu.memref_slice %arg7[%dma_wait3A_406, %dma_wait3A_410] : memref<8x128xi32, #tpu.memory_space<vmem>> -> memref<1x64xi32, #tpu.memory_space<vmem>>
      %dma_wait3A_412 = tpu.memref_squeeze %dma_wait3A_411 : memref<1x64xi32, #tpu.memory_space<vmem>> -> memref<64xi32, #tpu.memory_space<vmem>>
      %dma_wait3A_413 = arith.constant 0 : i32
      %dma_wait3A_414 = arith.constant 0 : i32
      %dma_wait3A_415 = tpu.memref_slice %arg2[%dma_wait3A_413, %dma_wait3A_414] : memref<20000x128xf32, #tpu.memory_space<hbm>> -> memref<20000x128xf32, #tpu.memory_space<hbm>>
      tpu.wait_indirect_dma semaphore(%arg11 : memref<!tpu.dma_semaphore, #tpu.memory_space<semaphore_mem>>) src(%dma_wait3A_415 : memref<20000x128xf32, #tpu.memory_space<hbm>>) dst(%dma_wait3A_409 : memref<64x128xf32, #tpu.memory_space<vmem>>)
      %dma_wait3A_416 = arith.constant 6 : i32
      %dma_wait3A_417 = arith.constant 64 : i32
      %dma_wait3A_418 = arith.constant 0 : i32
      %dma_wait3A_419 = tpu.memref_slice %arg9[%dma_wait3A_417, %dma_wait3A_418] : memref<128x128xf32, #tpu.memory_space<vmem>> -> memref<64x128xf32, #tpu.memory_space<vmem>>
      %dma_wait3A_420 = arith.constant 64 : i32
      %dma_wait3A_421 = tpu.memref_slice %arg7[%dma_wait3A_416, %dma_wait3A_420] : memref<8x128xi32, #tpu.memory_space<vmem>> -> memref<1x64xi32, #tpu.memory_space<vmem>>
      %dma_wait3A_422 = tpu.memref_squeeze %dma_wait3A_421 : memref<1x64xi32, #tpu.memory_space<vmem>> -> memref<64xi32, #tpu.memory_space<vmem>>
      %dma_wait3A_423 = arith.constant 0 : i32
      %dma_wait3A_424 = arith.constant 0 : i32
      %dma_wait3A_425 = tpu.memref_slice %arg2[%dma_wait3A_423, %dma_wait3A_424] : memref<20000x128xf32, #tpu.memory_space<hbm>> -> memref<20000x128xf32, #tpu.memory_space<hbm>>
      tpu.wait_indirect_dma semaphore(%arg11 : memref<!tpu.dma_semaphore, #tpu.memory_space<semaphore_mem>>) src(%dma_wait3A_425 : memref<20000x128xf32, #tpu.memory_space<hbm>>) dst(%dma_wait3A_419 : memref<64x128xf32, #tpu.memory_space<vmem>>)
      %dma_start3A_426 = arith.constant 6 : i32
      %dma_start3A_427 = arith.constant 0 : i32
      %dma_start3A_428 = tpu.memref_slice %arg8[%dma_start3A_426, %dma_start3A_427] : memref<8x128xi32, #tpu.memory_space<vmem>> -> memref<1x128xi32, #tpu.memory_space<vmem>>
      %dma_start3A_429 = tpu.memref_squeeze %dma_start3A_428 : memref<1x128xi32, #tpu.memory_space<vmem>> -> memref<128xi32, #tpu.memory_space<vmem>>
      %dma_start3A_430 = arith.constant 0 : i32
      %dma_start3A_431 = arith.constant 0 : i32
      %dma_start3A_432 = tpu.memref_slice %arg6[%dma_start3A_430, %dma_start3A_431] : memref<10112x128xf32, #tpu.memory_space<vmem_shared>> -> memref<10112x128xf32, #tpu.memory_space<vmem_shared>>
      tpu.enqueue_indirect_dma source(%arg9 : memref<128x128xf32, #tpu.memory_space<vmem>>) target(%dma_start3A_432 : memref<10112x128xf32, #tpu.memory_space<vmem_shared>>) offsets(%dma_start3A_429 : memref<128xi32, #tpu.memory_space<vmem>>) semaphore(%arg13 : memref<!tpu.dma_semaphore, #tpu.memory_space<semaphore_mem>>) {add = true}
      %dma_wait3A_433 = arith.constant 7 : i32
      %dma_wait3A_434 = arith.constant 0 : i32
      %dma_wait3A_435 = arith.constant 0 : i32
      %dma_wait3A_436 = tpu.memref_slice %arg10[%dma_wait3A_434, %dma_wait3A_435] : memref<128x128xf32, #tpu.memory_space<vmem>> -> memref<64x128xf32, #tpu.memory_space<vmem>>
      %dma_wait3A_437 = arith.constant 0 : i32
      %dma_wait3A_438 = tpu.memref_slice %arg7[%dma_wait3A_433, %dma_wait3A_437] : memref<8x128xi32, #tpu.memory_space<vmem>> -> memref<1x64xi32, #tpu.memory_space<vmem>>
      %dma_wait3A_439 = tpu.memref_squeeze %dma_wait3A_438 : memref<1x64xi32, #tpu.memory_space<vmem>> -> memref<64xi32, #tpu.memory_space<vmem>>
      %dma_wait3A_440 = arith.constant 0 : i32
      %dma_wait3A_441 = arith.constant 0 : i32
      %dma_wait3A_442 = tpu.memref_slice %arg2[%dma_wait3A_440, %dma_wait3A_441] : memref<20000x128xf32, #tpu.memory_space<hbm>> -> memref<20000x128xf32, #tpu.memory_space<hbm>>
      tpu.wait_indirect_dma semaphore(%arg12 : memref<!tpu.dma_semaphore, #tpu.memory_space<semaphore_mem>>) src(%dma_wait3A_442 : memref<20000x128xf32, #tpu.memory_space<hbm>>) dst(%dma_wait3A_436 : memref<64x128xf32, #tpu.memory_space<vmem>>)
      %dma_wait3A_443 = arith.constant 7 : i32
      %dma_wait3A_444 = arith.constant 64 : i32
      %dma_wait3A_445 = arith.constant 0 : i32
      %dma_wait3A_446 = tpu.memref_slice %arg10[%dma_wait3A_444, %dma_wait3A_445] : memref<128x128xf32, #tpu.memory_space<vmem>> -> memref<64x128xf32, #tpu.memory_space<vmem>>
      %dma_wait3A_447 = arith.constant 64 : i32
      %dma_wait3A_448 = tpu.memref_slice %arg7[%dma_wait3A_443, %dma_wait3A_447] : memref<8x128xi32, #tpu.memory_space<vmem>> -> memref<1x64xi32, #tpu.memory_space<vmem>>
      %dma_wait3A_449 = tpu.memref_squeeze %dma_wait3A_448 : memref<1x64xi32, #tpu.memory_space<vmem>> -> memref<64xi32, #tpu.memory_space<vmem>>
      %dma_wait3A_450 = arith.constant 0 : i32
      %dma_wait3A_451 = arith.constant 0 : i32
      %dma_wait3A_452 = tpu.memref_slice %arg2[%dma_wait3A_450, %dma_wait3A_451] : memref<20000x128xf32, #tpu.memory_space<hbm>> -> memref<20000x128xf32, #tpu.memory_space<hbm>>
      tpu.wait_indirect_dma semaphore(%arg12 : memref<!tpu.dma_semaphore, #tpu.memory_space<semaphore_mem>>) src(%dma_wait3A_452 : memref<20000x128xf32, #tpu.memory_space<hbm>>) dst(%dma_wait3A_446 : memref<64x128xf32, #tpu.memory_space<vmem>>)
      %dma_start3A_453 = arith.constant 7 : i32
      %dma_start3A_454 = arith.constant 0 : i32
      %dma_start3A_455 = tpu.memref_slice %arg8[%dma_start3A_453, %dma_start3A_454] : memref<8x128xi32, #tpu.memory_space<vmem>> -> memref<1x128xi32, #tpu.memory_space<vmem>>
      %dma_start3A_456 = tpu.memref_squeeze %dma_start3A_455 : memref<1x128xi32, #tpu.memory_space<vmem>> -> memref<128xi32, #tpu.memory_space<vmem>>
      %dma_start3A_457 = arith.constant 0 : i32
      %dma_start3A_458 = arith.constant 0 : i32
      %dma_start3A_459 = tpu.memref_slice %arg6[%dma_start3A_457, %dma_start3A_458] : memref<10112x128xf32, #tpu.memory_space<vmem_shared>> -> memref<10112x128xf32, #tpu.memory_space<vmem_shared>>
      tpu.enqueue_indirect_dma source(%arg10 : memref<128x128xf32, #tpu.memory_space<vmem>>) target(%dma_start3A_459 : memref<10112x128xf32, #tpu.memory_space<vmem_shared>>) offsets(%dma_start3A_456 : memref<128xi32, #tpu.memory_space<vmem>>) semaphore(%arg14 : memref<!tpu.dma_semaphore, #tpu.memory_space<semaphore_mem>>) {add = true}
      %dma_wait3A_460 = arith.constant 6 : i32
      %dma_wait3A_461 = arith.constant 0 : i32
      %dma_wait3A_462 = tpu.memref_slice %arg8[%dma_wait3A_460, %dma_wait3A_461] : memref<8x128xi32, #tpu.memory_space<vmem>> -> memref<1x128xi32, #tpu.memory_space<vmem>>
      %dma_wait3A_463 = tpu.memref_squeeze %dma_wait3A_462 : memref<1x128xi32, #tpu.memory_space<vmem>> -> memref<128xi32, #tpu.memory_space<vmem>>
      %dma_wait3A_464 = arith.constant 0 : i32
      %dma_wait3A_465 = arith.constant 0 : i32
      %dma_wait3A_466 = tpu.memref_slice %arg6[%dma_wait3A_464, %dma_wait3A_465] : memref<10112x128xf32, #tpu.memory_space<vmem_shared>> -> memref<10112x128xf32, #tpu.memory_space<vmem_shared>>
      tpu.wait_indirect_dma semaphore(%arg13 : memref<!tpu.dma_semaphore, #tpu.memory_space<semaphore_mem>>) src(%arg9 : memref<128x128xf32, #tpu.memory_space<vmem>>) dst(%dma_wait3A_466 : memref<10112x128xf32, #tpu.memory_space<vmem_shared>>)
      %dma_wait3A_467 = arith.constant 7 : i32
      %dma_wait3A_468 = arith.constant 0 : i32
      %dma_wait3A_469 = tpu.memref_slice %arg8[%dma_wait3A_467, %dma_wait3A_468] : memref<8x128xi32, #tpu.memory_space<vmem>> -> memref<1x128xi32, #tpu.memory_space<vmem>>
      %dma_wait3A_470 = tpu.memref_squeeze %dma_wait3A_469 : memref<1x128xi32, #tpu.memory_space<vmem>> -> memref<128xi32, #tpu.memory_space<vmem>>
      %dma_wait3A_471 = arith.constant 0 : i32
      %dma_wait3A_472 = arith.constant 0 : i32
      %dma_wait3A_473 = tpu.memref_slice %arg6[%dma_wait3A_471, %dma_wait3A_472] : memref<10112x128xf32, #tpu.memory_space<vmem_shared>> -> memref<10112x128xf32, #tpu.memory_space<vmem_shared>>
      tpu.wait_indirect_dma semaphore(%arg14 : memref<!tpu.dma_semaphore, #tpu.memory_space<semaphore_mem>>) src(%arg10 : memref<128x128xf32, #tpu.memory_space<vmem>>) dst(%dma_wait3A_473 : memref<10112x128xf32, #tpu.memory_space<vmem_shared>>)
      %scan3A_474 = arith.constant 0 : i32
      scf.yield %scan3A_474 : i32
    }
    %scan3A_24 = arith.constant 10 : i32
    %barrier3A_25 = arith.constant 0 : index
    tpu.barrier barrier_id(%barrier3A_25)
    %mul3A_26 = arith.constant 10112 : i32
    %mul3A_27 = arith.muli %arg0, %mul3A_26 : i32
    %add3A_28 = arith.addi %mul3A_27, %mul3A_7 : i32
    "tpu.region"() ({
      %run_scoped3A = tpu.sem_alloc : memref<!tpu.dma_semaphore, #tpu.memory_space<semaphore_mem>>
      %dma_start3A = arith.constant 0 : i32
      %dma_start3A_29 = tpu.memref_slice %arg5[%add3A_28, %dma_start3A] : memref<20224x128xf32, #tpu.memory_space<hbm>> -> memref<632x128xf32, #tpu.memory_space<hbm>>
      %dma_start3A_30 = arith.constant 0 : i32
      %dma_start3A_31 = tpu.memref_slice %arg6[%mul3A_7, %dma_start3A_30] : memref<10112x128xf32, #tpu.memory_space<vmem_shared>> -> memref<632x128xf32, #tpu.memory_space<vmem_shared>>
      tpu.enqueue_dma source(%dma_start3A_31 : memref<632x128xf32, #tpu.memory_space<vmem_shared>>) target(%dma_start3A_29 : memref<632x128xf32, #tpu.memory_space<hbm>>) target_semaphore(%run_scoped3A : memref<!tpu.dma_semaphore, #tpu.memory_space<semaphore_mem>>)
      %dma_wait3A = arith.constant 0 : i32
      %dma_wait3A_32 = tpu.memref_slice %arg5[%add3A_28, %dma_wait3A] : memref<20224x128xf32, #tpu.memory_space<hbm>> -> memref<632x128xf32, #tpu.memory_space<hbm>>
      %dma_wait3A_33 = arith.constant 0 : i32
      %dma_wait3A_34 = tpu.memref_slice %arg6[%mul3A_7, %dma_wait3A_33] : memref<10112x128xf32, #tpu.memory_space<vmem_shared>> -> memref<632x128xf32, #tpu.memory_space<vmem_shared>>
      tpu.wait_dma2 semaphore(%run_scoped3A : memref<!tpu.dma_semaphore, #tpu.memory_space<semaphore_mem>>) src(%dma_wait3A_34 : memref<632x128xf32, #tpu.memory_space<vmem_shared>>) dst(%dma_wait3A_32 : memref<632x128xf32, #tpu.memory_space<hbm>>)
      tpu.yield
    }) : () -> ()
    return
  }
}

#map = affine_map<(d0, d1) -> (0, 0, 0, 0)>
#map1 = affine_map<(d0, d1) -> (0, 0)>
module attributes {stable_mosaic.version = 14 : i64} {
  func.func @_sc_counts_body(%arg0: i32, %arg1: i32, %arg2: memref<2x16x40x128xi32, #tpu.memory_space<hbm>>, %arg3: memref<20224x128xf32, #tpu.memory_space<hbm>>, %arg4: memref<10112x128xf32, #tpu.memory_space<vmem_shared>>, %arg5: memref<40x128xi32, #tpu.memory_space<vmem>>, %arg6: memref<128x128xf32, #tpu.memory_space<vmem>>, %arg7: memref<128x128xf32, #tpu.memory_space<vmem>>) attributes {dimension_semantics = [#tpu.dimension_semantics<core_parallel>, #tpu.dimension_semantics<subcore_parallel>], iteration_bounds = array<i64: 2, 16>, scalar_prefetch = 0 : i64, scratch_operands = 4 : i64, tpu.core_type = #tpu.core_type<sc_vector_subcore>, window_params = [{transform_indices = #map}, {transform_indices = #map1}]} {
    "tpu.region"() ({
      %run_scoped3A = tpu.sem_alloc : memref<!tpu.dma_semaphore, #tpu.memory_space<semaphore_mem>>
      %dma_start3A = arith.constant 0 : i32
      %dma_start3A_37 = arith.constant 0 : i32
      %dma_start3A_38 = tpu.memref_slice %arg2[%arg0, %arg1, %dma_start3A, %dma_start3A_37] : memref<2x16x40x128xi32, #tpu.memory_space<hbm>> -> memref<1x1x40x128xi32, #tpu.memory_space<hbm>>
      %dma_start3A_39 = tpu.memref_squeeze %dma_start3A_38 : memref<1x1x40x128xi32, #tpu.memory_space<hbm>> -> memref<40x128xi32, #tpu.memory_space<hbm>>
      %dma_start3A_40 = arith.constant 0 : i32
      %dma_start3A_41 = arith.constant 0 : i32
      %dma_start3A_42 = tpu.memref_slice %arg2[%arg0, %arg1, %dma_start3A_40, %dma_start3A_41] : memref<2x16x40x128xi32, #tpu.memory_space<hbm>> -> memref<1x1x40x128xi32, #tpu.memory_space<hbm>>
      %dma_start3A_43 = tpu.memref_squeeze %dma_start3A_42 : memref<1x1x40x128xi32, #tpu.memory_space<hbm>> -> memref<40x128xi32, #tpu.memory_space<hbm>>
      tpu.enqueue_dma source(%dma_start3A_43 : memref<40x128xi32, #tpu.memory_space<hbm>>) target(%arg5 : memref<40x128xi32, #tpu.memory_space<vmem>>) target_semaphore(%run_scoped3A : memref<!tpu.dma_semaphore, #tpu.memory_space<semaphore_mem>>)
      %dma_wait3A = arith.constant 0 : i32
      %dma_wait3A_44 = arith.constant 0 : i32
      %dma_wait3A_45 = tpu.memref_slice %arg2[%arg0, %arg1, %dma_wait3A, %dma_wait3A_44] : memref<2x16x40x128xi32, #tpu.memory_space<hbm>> -> memref<1x1x40x128xi32, #tpu.memory_space<hbm>>
      %dma_wait3A_46 = tpu.memref_squeeze %dma_wait3A_45 : memref<1x1x40x128xi32, #tpu.memory_space<hbm>> -> memref<40x128xi32, #tpu.memory_space<hbm>>
      %dma_wait3A_47 = arith.constant 0 : i32
      %dma_wait3A_48 = arith.constant 0 : i32
      %dma_wait3A_49 = tpu.memref_slice %arg2[%arg0, %arg1, %dma_wait3A_47, %dma_wait3A_48] : memref<2x16x40x128xi32, #tpu.memory_space<hbm>> -> memref<1x1x40x128xi32, #tpu.memory_space<hbm>>
      %dma_wait3A_50 = tpu.memref_squeeze %dma_wait3A_49 : memref<1x1x40x128xi32, #tpu.memory_space<hbm>> -> memref<40x128xi32, #tpu.memory_space<hbm>>
      tpu.wait_dma2 semaphore(%run_scoped3A : memref<!tpu.dma_semaphore, #tpu.memory_space<semaphore_mem>>) src(%dma_wait3A_50 : memref<40x128xi32, #tpu.memory_space<hbm>>) dst(%arg5 : memref<40x128xi32, #tpu.memory_space<vmem>>)
      tpu.yield
    }) : () -> ()
    %broadcast_in_dim3A = arith.constant 0.000000e+00 : f32
    %broadcast_in_dim3A_0 = vector.broadcast %broadcast_in_dim3A : f32 to vector<16xf32>
    %scan3A = arith.constant 0 : i32
    %scan3A_1 = arith.constant 0 : i32
    %scan3A_2 = arith.constant 128 : i32
    %scan3A_3 = arith.addi %scan3A_1, %scan3A_2 : i32
    %scan3A_4 = arith.constant 1 : i32
    %scan3A_5 = scf.for %scan3A_37 = %scan3A_1 to %scan3A_3 step %scan3A_4 iter_args(%scan3A_38 = %scan3A) -> (i32)  : i32 {
      %scan3A_39 = arith.constant 0 : i32
      %scan3A_40 = arith.constant 0 : i32
      %scan3A_41 = arith.constant 8 : i32
      %scan3A_42 = arith.addi %scan3A_40, %scan3A_41 : i32
      %scan3A_43 = arith.constant 1 : i32
      %scan3A_44 = scf.for %scan3A_46 = %scan3A_40 to %scan3A_42 step %scan3A_43 iter_args(%scan3A_47 = %scan3A_39) -> (i32)  : i32 {
        %mul3A_48 = arith.constant 16 : i32
        %mul3A_49 = arith.muli %scan3A_46, %mul3A_48 : i32
        %swap3A = arith.index_cast %scan3A_37 : i32 to index
        %swap3A_50 = arith.index_cast %mul3A_49 : i32 to index
        %swap3A_51 = tpu.vector_load %arg6[%swap3A, %swap3A_50] {strides = array<i32>} : memref<128x128xf32, #tpu.memory_space<vmem>>, vector<1x16xf32>,
        %swap3A_52 = vector.shape_cast %swap3A_51 : vector<1x16xf32> to vector<16xf32>
        %swap3A_53 = vector.shape_cast %broadcast_in_dim3A_0 : vector<16xf32> to vector<1x16xf32>
        tpu.vector_store %arg6[%swap3A, %swap3A_50], %swap3A_53 {strides = array<i32>} : memref<128x128xf32, #tpu.memory_space<vmem>>, vector<1x16xf32>,
        %scan3A_54 = arith.constant 0 : i32
        scf.yield %scan3A_54 : i32
      }
      %scan3A_45 = arith.constant 8 : i32
      scf.yield %scan3A_44 : i32
    }
    %scan3A_6 = arith.constant 128 : i32
    %broadcast_in_dim3A_7 = arith.constant 1.000000e+00 : f32
    %broadcast_in_dim3A_8 = vector.broadcast %broadcast_in_dim3A_7 : f32 to vector<16xf32>
    %scan3A_9 = arith.constant 0 : i32
    %scan3A_10 = arith.constant 0 : i32
    %scan3A_11 = arith.constant 128 : i32
    %scan3A_12 = arith.addi %scan3A_10, %scan3A_11 : i32
    %scan3A_13 = arith.constant 1 : i32
    %scan3A_14 = scf.for %scan3A_37 = %scan3A_10 to %scan3A_12 step %scan3A_13 iter_args(%scan3A_38 = %scan3A_9) -> (i32)  : i32 {
      %scan3A_39 = arith.constant 0 : i32
      %scan3A_40 = arith.constant 0 : i32
      %scan3A_41 = arith.constant 8 : i32
      %scan3A_42 = arith.addi %scan3A_40, %scan3A_41 : i32
      %scan3A_43 = arith.constant 1 : i32
      %scan3A_44 = scf.for %scan3A_46 = %scan3A_40 to %scan3A_42 step %scan3A_43 iter_args(%scan3A_47 = %scan3A_39) -> (i32)  : i32 {
        %mul3A_48 = arith.constant 16 : i32
        %mul3A_49 = arith.muli %scan3A_46, %mul3A_48 : i32
        %swap3A = arith.index_cast %scan3A_37 : i32 to index
        %swap3A_50 = arith.index_cast %mul3A_49 : i32 to index
        %swap3A_51 = tpu.vector_load %arg7[%swap3A, %swap3A_50] {strides = array<i32>} : memref<128x128xf32, #tpu.memory_space<vmem>>, vector<1x16xf32>,
        %swap3A_52 = vector.shape_cast %swap3A_51 : vector<1x16xf32> to vector<16xf32>
        %swap3A_53 = vector.shape_cast %broadcast_in_dim3A_8 : vector<16xf32> to vector<1x16xf32>
        tpu.vector_store %arg7[%swap3A, %swap3A_50], %swap3A_53 {strides = array<i32>} : memref<128x128xf32, #tpu.memory_space<vmem>>, vector<1x16xf32>,
        %scan3A_54 = arith.constant 0 : i32
        scf.yield %scan3A_54 : i32
      }
      %scan3A_45 = arith.constant 8 : i32
      scf.yield %scan3A_44 : i32
    }
    %scan3A_15 = arith.constant 128 : i32
    %mul3A = arith.constant 632 : i32
    %mul3A_16 = arith.muli %arg1, %mul3A : i32
    %add3A = arith.constant 0 : i32
    %add3A_17 = arith.addi %mul3A_16, %add3A : i32
    "tpu.region"() ({
      %run_scoped3A = tpu.sem_alloc : memref<!tpu.dma_semaphore, #tpu.memory_space<semaphore_mem>>
      %dma_start3A = arith.constant 0 : i32
      %dma_start3A_37 = tpu.memref_slice %arg4[%add3A_17, %dma_start3A] : memref<10112x128xf32, #tpu.memory_space<vmem_shared>> -> memref<128x128xf32, #tpu.memory_space<vmem_shared>>
      %dma_start3A_38 = arith.constant 0 : i32
      %dma_start3A_39 = tpu.memref_slice %arg4[%add3A_17, %dma_start3A_38] : memref<10112x128xf32, #tpu.memory_space<vmem_shared>> -> memref<128x128xf32, #tpu.memory_space<vmem_shared>>
      tpu.enqueue_dma source(%arg6 : memref<128x128xf32, #tpu.memory_space<vmem>>) target(%dma_start3A_39 : memref<128x128xf32, #tpu.memory_space<vmem_shared>>) target_semaphore(%run_scoped3A : memref<!tpu.dma_semaphore, #tpu.memory_space<semaphore_mem>>)
      %dma_wait3A = arith.constant 0 : i32
      %dma_wait3A_40 = tpu.memref_slice %arg4[%add3A_17, %dma_wait3A] : memref<10112x128xf32, #tpu.memory_space<vmem_shared>> -> memref<128x128xf32, #tpu.memory_space<vmem_shared>>
      %dma_wait3A_41 = arith.constant 0 : i32
      %dma_wait3A_42 = tpu.memref_slice %arg4[%add3A_17, %dma_wait3A_41] : memref<10112x128xf32, #tpu.memory_space<vmem_shared>> -> memref<128x128xf32, #tpu.memory_space<vmem_shared>>
      tpu.wait_dma2 semaphore(%run_scoped3A : memref<!tpu.dma_semaphore, #tpu.memory_space<semaphore_mem>>) src(%arg6 : memref<128x128xf32, #tpu.memory_space<vmem>>) dst(%dma_wait3A_42 : memref<128x128xf32, #tpu.memory_space<vmem_shared>>)
      tpu.yield
    }) : () -> ()
    %add3A_18 = arith.constant 128 : i32
    %add3A_19 = arith.addi %mul3A_16, %add3A_18 : i32
    "tpu.region"() ({
      %run_scoped3A = tpu.sem_alloc : memref<!tpu.dma_semaphore, #tpu.memory_space<semaphore_mem>>
      %dma_start3A = arith.constant 0 : i32
      %dma_start3A_37 = tpu.memref_slice %arg4[%add3A_19, %dma_start3A] : memref<10112x128xf32, #tpu.memory_space<vmem_shared>> -> memref<128x128xf32, #tpu.memory_space<vmem_shared>>
      %dma_start3A_38 = arith.constant 0 : i32
      %dma_start3A_39 = tpu.memref_slice %arg4[%add3A_19, %dma_start3A_38] : memref<10112x128xf32, #tpu.memory_space<vmem_shared>> -> memref<128x128xf32, #tpu.memory_space<vmem_shared>>
      tpu.enqueue_dma source(%arg6 : memref<128x128xf32, #tpu.memory_space<vmem>>) target(%dma_start3A_39 : memref<128x128xf32, #tpu.memory_space<vmem_shared>>) target_semaphore(%run_scoped3A : memref<!tpu.dma_semaphore, #tpu.memory_space<semaphore_mem>>)
      %dma_wait3A = arith.constant 0 : i32
      %dma_wait3A_40 = tpu.memref_slice %arg4[%add3A_19, %dma_wait3A] : memref<10112x128xf32, #tpu.memory_space<vmem_shared>> -> memref<128x128xf32, #tpu.memory_space<vmem_shared>>
      %dma_wait3A_41 = arith.constant 0 : i32
      %dma_wait3A_42 = tpu.memref_slice %arg4[%add3A_19, %dma_wait3A_41] : memref<10112x128xf32, #tpu.memory_space<vmem_shared>> -> memref<128x128xf32, #tpu.memory_space<vmem_shared>>
      tpu.wait_dma2 semaphore(%run_scoped3A : memref<!tpu.dma_semaphore, #tpu.memory_space<semaphore_mem>>) src(%arg6 : memref<128x128xf32, #tpu.memory_space<vmem>>) dst(%dma_wait3A_42 : memref<128x128xf32, #tpu.memory_space<vmem_shared>>)
      tpu.yield
    }) : () -> ()
    %add3A_20 = arith.constant 256 : i32
    %add3A_21 = arith.addi %mul3A_16, %add3A_20 : i32
    "tpu.region"() ({
      %run_scoped3A = tpu.sem_alloc : memref<!tpu.dma_semaphore, #tpu.memory_space<semaphore_mem>>
      %dma_start3A = arith.constant 0 : i32
      %dma_start3A_37 = tpu.memref_slice %arg4[%add3A_21, %dma_start3A] : memref<10112x128xf32, #tpu.memory_space<vmem_shared>> -> memref<128x128xf32, #tpu.memory_space<vmem_shared>>
      %dma_start3A_38 = arith.constant 0 : i32
      %dma_start3A_39 = tpu.memref_slice %arg4[%add3A_21, %dma_start3A_38] : memref<10112x128xf32, #tpu.memory_space<vmem_shared>> -> memref<128x128xf32, #tpu.memory_space<vmem_shared>>
      tpu.enqueue_dma source(%arg6 : memref<128x128xf32, #tpu.memory_space<vmem>>) target(%dma_start3A_39 : memref<128x128xf32, #tpu.memory_space<vmem_shared>>) target_semaphore(%run_scoped3A : memref<!tpu.dma_semaphore, #tpu.memory_space<semaphore_mem>>)
      %dma_wait3A = arith.constant 0 : i32
      %dma_wait3A_40 = tpu.memref_slice %arg4[%add3A_21, %dma_wait3A] : memref<10112x128xf32, #tpu.memory_space<vmem_shared>> -> memref<128x128xf32, #tpu.memory_space<vmem_shared>>
      %dma_wait3A_41 = arith.constant 0 : i32
      %dma_wait3A_42 = tpu.memref_slice %arg4[%add3A_21, %dma_wait3A_41] : memref<10112x128xf32, #tpu.memory_space<vmem_shared>> -> memref<128x128xf32, #tpu.memory_space<vmem_shared>>
      tpu.wait_dma2 semaphore(%run_scoped3A : memref<!tpu.dma_semaphore, #tpu.memory_space<semaphore_mem>>) src(%arg6 : memref<128x128xf32, #tpu.memory_space<vmem>>) dst(%dma_wait3A_42 : memref<128x128xf32, #tpu.memory_space<vmem_shared>>)
      tpu.yield
    }) : () -> ()
    %add3A_22 = arith.constant 384 : i32
    %add3A_23 = arith.addi %mul3A_16, %add3A_22 : i32
    "tpu.region"() ({
      %run_scoped3A = tpu.sem_alloc : memref<!tpu.dma_semaphore, #tpu.memory_space<semaphore_mem>>
      %dma_start3A = arith.constant 0 : i32
      %dma_start3A_37 = tpu.memref_slice %arg4[%add3A_23, %dma_start3A] : memref<10112x128xf32, #tpu.memory_space<vmem_shared>> -> memref<128x128xf32, #tpu.memory_space<vmem_shared>>
      %dma_start3A_38 = arith.constant 0 : i32
      %dma_start3A_39 = tpu.memref_slice %arg4[%add3A_23, %dma_start3A_38] : memref<10112x128xf32, #tpu.memory_space<vmem_shared>> -> memref<128x128xf32, #tpu.memory_space<vmem_shared>>
      tpu.enqueue_dma source(%arg6 : memref<128x128xf32, #tpu.memory_space<vmem>>) target(%dma_start3A_39 : memref<128x128xf32, #tpu.memory_space<vmem_shared>>) target_semaphore(%run_scoped3A : memref<!tpu.dma_semaphore, #tpu.memory_space<semaphore_mem>>)
      %dma_wait3A = arith.constant 0 : i32
      %dma_wait3A_40 = tpu.memref_slice %arg4[%add3A_23, %dma_wait3A] : memref<10112x128xf32, #tpu.memory_space<vmem_shared>> -> memref<128x128xf32, #tpu.memory_space<vmem_shared>>
      %dma_wait3A_41 = arith.constant 0 : i32
      %dma_wait3A_42 = tpu.memref_slice %arg4[%add3A_23, %dma_wait3A_41] : memref<10112x128xf32, #tpu.memory_space<vmem_shared>> -> memref<128x128xf32, #tpu.memory_space<vmem_shared>>
      tpu.wait_dma2 semaphore(%run_scoped3A : memref<!tpu.dma_semaphore, #tpu.memory_space<semaphore_mem>>) src(%arg6 : memref<128x128xf32, #tpu.memory_space<vmem>>) dst(%dma_wait3A_42 : memref<128x128xf32, #tpu.memory_space<vmem_shared>>)
      tpu.yield
    }) : () -> ()
    %add3A_24 = arith.constant 512 : i32
    %add3A_25 = arith.addi %mul3A_16, %add3A_24 : i32
    "tpu.region"() ({
      %run_scoped3A = tpu.sem_alloc : memref<!tpu.dma_semaphore, #tpu.memory_space<semaphore_mem>>
      %dma_start3A = arith.constant 0 : i32
      %dma_start3A_37 = arith.constant 0 : i32
      %dma_start3A_38 = tpu.memref_slice %arg6[%dma_start3A, %dma_start3A_37] : memref<128x128xf32, #tpu.memory_space<vmem>> -> memref<120x128xf32, #tpu.memory_space<vmem>>
      %dma_start3A_39 = arith.constant 0 : i32
      %dma_start3A_40 = tpu.memref_slice %arg4[%add3A_25, %dma_start3A_39] : memref<10112x128xf32, #tpu.memory_space<vmem_shared>> -> memref<120x128xf32, #tpu.memory_space<vmem_shared>>
      %dma_start3A_41 = arith.constant 0 : i32
      %dma_start3A_42 = tpu.memref_slice %arg4[%add3A_25, %dma_start3A_41] : memref<10112x128xf32, #tpu.memory_space<vmem_shared>> -> memref<120x128xf32, #tpu.memory_space<vmem_shared>>
      %dma_start3A_43 = arith.constant 0 : i32
      %dma_start3A_44 = arith.constant 0 : i32
      %dma_start3A_45 = tpu.memref_slice %arg6[%dma_start3A_43, %dma_start3A_44] : memref<128x128xf32, #tpu.memory_space<vmem>> -> memref<120x128xf32, #tpu.memory_space<vmem>>
      tpu.enqueue_dma source(%dma_start3A_45 : memref<120x128xf32, #tpu.memory_space<vmem>>) target(%dma_start3A_42 : memref<120x128xf32, #tpu.memory_space<vmem_shared>>) target_semaphore(%run_scoped3A : memref<!tpu.dma_semaphore, #tpu.memory_space<semaphore_mem>>)
      %dma_wait3A = arith.constant 0 : i32
      %dma_wait3A_46 = arith.constant 0 : i32
      %dma_wait3A_47 = tpu.memref_slice %arg6[%dma_wait3A, %dma_wait3A_46] : memref<128x128xf32, #tpu.memory_space<vmem>> -> memref<120x128xf32, #tpu.memory_space<vmem>>
      %dma_wait3A_48 = arith.constant 0 : i32
      %dma_wait3A_49 = tpu.memref_slice %arg4[%add3A_25, %dma_wait3A_48] : memref<10112x128xf32, #tpu.memory_space<vmem_shared>> -> memref<120x128xf32, #tpu.memory_space<vmem_shared>>
      %dma_wait3A_50 = arith.constant 0 : i32
      %dma_wait3A_51 = tpu.memref_slice %arg4[%add3A_25, %dma_wait3A_50] : memref<10112x128xf32, #tpu.memory_space<vmem_shared>> -> memref<120x128xf32, #tpu.memory_space<vmem_shared>>
      %dma_wait3A_52 = arith.constant 0 : i32
      %dma_wait3A_53 = arith.constant 0 : i32
      %dma_wait3A_54 = tpu.memref_slice %arg6[%dma_wait3A_52, %dma_wait3A_53] : memref<128x128xf32, #tpu.memory_space<vmem>> -> memref<120x128xf32, #tpu.memory_space<vmem>>
      tpu.wait_dma2 semaphore(%run_scoped3A : memref<!tpu.dma_semaphore, #tpu.memory_space<semaphore_mem>>) src(%dma_wait3A_54 : memref<120x128xf32, #tpu.memory_space<vmem>>) dst(%dma_wait3A_51 : memref<120x128xf32, #tpu.memory_space<vmem_shared>>)
      tpu.yield
    }) : () -> ()
    %barrier3A = arith.constant 0 : index
    tpu.barrier barrier_id(%barrier3A)
    %scan3A_26 = arith.constant 0 : i32
    %scan3A_27 = arith.constant 0 : i32
    %scan3A_28 = arith.constant 40 : i32
    %scan3A_29 = arith.addi %scan3A_27, %scan3A_28 : i32
    %scan3A_30 = arith.constant 1 : i32
    %scan3A_31 = scf.for %scan3A_37 = %scan3A_27 to %scan3A_29 step %scan3A_30 iter_args(%scan3A_38 = %scan3A_26) -> (i32)  : i32 {
      "tpu.region"() ({
        %run_scoped3A = tpu.sem_alloc : memref<!tpu.dma_semaphore, #tpu.memory_space<semaphore_mem>>
        %dma_start3A = arith.constant 0 : i32
        %dma_start3A_40 = tpu.memref_slice %arg5[%scan3A_37, %dma_start3A] : memref<40x128xi32, #tpu.memory_space<vmem>> -> memref<1x128xi32, #tpu.memory_space<vmem>>
        %dma_start3A_41 = tpu.memref_squeeze %dma_start3A_40 : memref<1x128xi32, #tpu.memory_space<vmem>> -> memref<128xi32, #tpu.memory_space<vmem>>
        %dma_start3A_42 = arith.constant 0 : i32
        %dma_start3A_43 = arith.constant 0 : i32
        %dma_start3A_44 = tpu.memref_slice %arg4[%dma_start3A_42, %dma_start3A_43] : memref<10112x128xf32, #tpu.memory_space<vmem_shared>> -> memref<10112x128xf32, #tpu.memory_space<vmem_shared>>
        tpu.enqueue_indirect_dma source(%arg7 : memref<128x128xf32, #tpu.memory_space<vmem>>) target(%dma_start3A_44 : memref<10112x128xf32, #tpu.memory_space<vmem_shared>>) offsets(%dma_start3A_41 : memref<128xi32, #tpu.memory_space<vmem>>) semaphore(%run_scoped3A : memref<!tpu.dma_semaphore, #tpu.memory_space<semaphore_mem>>) {add = true}
        %dma_wait3A = arith.constant 0 : i32
        %dma_wait3A_45 = tpu.memref_slice %arg5[%scan3A_37, %dma_wait3A] : memref<40x128xi32, #tpu.memory_space<vmem>> -> memref<1x128xi32, #tpu.memory_space<vmem>>
        %dma_wait3A_46 = tpu.memref_squeeze %dma_wait3A_45 : memref<1x128xi32, #tpu.memory_space<vmem>> -> memref<128xi32, #tpu.memory_space<vmem>>
        %dma_wait3A_47 = arith.constant 0 : i32
        %dma_wait3A_48 = arith.constant 0 : i32
        %dma_wait3A_49 = tpu.memref_slice %arg4[%dma_wait3A_47, %dma_wait3A_48] : memref<10112x128xf32, #tpu.memory_space<vmem_shared>> -> memref<10112x128xf32, #tpu.memory_space<vmem_shared>>
        tpu.wait_indirect_dma semaphore(%run_scoped3A : memref<!tpu.dma_semaphore, #tpu.memory_space<semaphore_mem>>) src(%arg7 : memref<128x128xf32, #tpu.memory_space<vmem>>) dst(%dma_wait3A_49 : memref<10112x128xf32, #tpu.memory_space<vmem_shared>>)
        tpu.yield
      }) : () -> ()
      %scan3A_39 = arith.constant 0 : i32
      scf.yield %scan3A_39 : i32
    }
    %scan3A_32 = arith.constant 40 : i32
    %barrier3A_33 = arith.constant 0 : index
    tpu.barrier barrier_id(%barrier3A_33)
    %mul3A_34 = arith.constant 10112 : i32
    %mul3A_35 = arith.muli %arg0, %mul3A_34 : i32
    %add3A_36 = arith.addi %mul3A_35, %mul3A_16 : i32
    "tpu.region"() ({
      %run_scoped3A = tpu.sem_alloc : memref<!tpu.dma_semaphore, #tpu.memory_space<semaphore_mem>>
      %dma_start3A = arith.constant 0 : i32
      %dma_start3A_37 = tpu.memref_slice %arg3[%add3A_36, %dma_start3A] : memref<20224x128xf32, #tpu.memory_space<hbm>> -> memref<632x128xf32, #tpu.memory_space<hbm>>
      %dma_start3A_38 = arith.constant 0 : i32
      %dma_start3A_39 = tpu.memref_slice %arg4[%mul3A_16, %dma_start3A_38] : memref<10112x128xf32, #tpu.memory_space<vmem_shared>> -> memref<632x128xf32, #tpu.memory_space<vmem_shared>>
      tpu.enqueue_dma source(%dma_start3A_39 : memref<632x128xf32, #tpu.memory_space<vmem_shared>>) target(%dma_start3A_37 : memref<632x128xf32, #tpu.memory_space<hbm>>) target_semaphore(%run_scoped3A : memref<!tpu.dma_semaphore, #tpu.memory_space<semaphore_mem>>)
      %dma_wait3A = arith.constant 0 : i32
      %dma_wait3A_40 = tpu.memref_slice %arg3[%add3A_36, %dma_wait3A] : memref<20224x128xf32, #tpu.memory_space<hbm>> -> memref<632x128xf32, #tpu.memory_space<hbm>>
      %dma_wait3A_41 = arith.constant 0 : i32
      %dma_wait3A_42 = tpu.memref_slice %arg4[%mul3A_16, %dma_wait3A_41] : memref<10112x128xf32, #tpu.memory_space<vmem_shared>> -> memref<632x128xf32, #tpu.memory_space<vmem_shared>>
      tpu.wait_dma2 semaphore(%run_scoped3A : memref<!tpu.dma_semaphore, #tpu.memory_space<semaphore_mem>>) src(%dma_wait3A_42 : memref<632x128xf32, #tpu.memory_space<vmem_shared>>) dst(%dma_wait3A_40 : memref<632x128xf32, #tpu.memory_space<hbm>>)
      tpu.yield
    }) : () -> ()
    return
  }
}

module attributes {stable_mosaic.version = 14 : i64} {
  func.func @body(%arg0: i32, %arg1: memref<2x400x128xf32, #tpu.memory_space<vmem>>, %arg2: memref<400x256xf32, #tpu.memory_space<vmem>>, %arg3: memref<2x400x8xf32, #tpu.memory_space<vmem>>, %arg4: memref<256x256xf32, #tpu.memory_space<vmem>>, %arg5: memref<256x256xf32, #tpu.memory_space<vmem>>, %arg6: memref<1x256xf32, #tpu.memory_space<vmem>>, %arg7: memref<400x256xf32, #tpu.memory_space<vmem>>) attributes {dimension_semantics = [#tpu.dimension_semantics<arbitrary>], iteration_bounds = array<i64: 25>, scalar_prefetch = 0 : i64, scratch_operands = 0 : i64, tpu.core_type = #tpu.core_type<tc>, window_params = [{transform_indices = @transform_0, window_bounds = array<i64: 2, 400, 128>}, {transform_indices = @transform_1, window_bounds = array<i64: 400, 256>}, {transform_indices = @transform_2, window_bounds = array<i64: 2, 400, 8>}, {pipeline_mode = #tpu.pipeline_mode<synchronous>, transform_indices = @transform_3, window_bounds = array<i64: 256, 256>}, {pipeline_mode = #tpu.pipeline_mode<synchronous>, transform_indices = @transform_4, window_bounds = array<i64: 256, 256>}, {pipeline_mode = #tpu.pipeline_mode<synchronous>, transform_indices = @transform_5, window_bounds = array<i64: 1, 256>}, {transform_indices = @transform_6, window_bounds = array<i64: 400, 256>}]} {
    %get3A = arith.constant 0 : index
    %get3A_0 = arith.constant 0 : index
    %get3A_1 = arith.constant 0 : index
    %get3A_2 = vector.load %arg3[%get3A, %get3A_0, %get3A_1] : memref<2x400x8xf32, #tpu.memory_space<vmem>>, vector<1x400x8xf32>
    %get3A_3 = vector.shape_cast %get3A_2 : vector<1x400x8xf32> to vector<400x8xf32>
    %slice3A = vector.extract_strided_slice %get3A_3 {offsets = [0, 0], sizes = [400, 1], strides = [1, 1]} : vector<400x8xf32> to vector<400x1xf32>
    %get3A_4 = arith.constant 1 : index
    %get3A_5 = arith.constant 0 : index
    %get3A_6 = arith.constant 0 : index
    %get3A_7 = vector.load %arg3[%get3A_4, %get3A_5, %get3A_6] : memref<2x400x8xf32, #tpu.memory_space<vmem>>, vector<1x400x8xf32>
    %get3A_8 = vector.shape_cast %get3A_7 : vector<1x400x8xf32> to vector<400x8xf32>
    %slice3A_9 = vector.extract_strided_slice %get3A_8 {offsets = [0, 0], sizes = [400, 1], strides = [1, 1]} : vector<400x8xf32> to vector<400x1xf32>
    %add3A = arith.addf %slice3A, %slice3A_9 : vector<400x1xf32>
    %max3A = arith.constant 1.000000e+00 : f32
    %max3A_10 = vector.broadcast %max3A : f32 to vector<400x1xf32>
    %max3A_11 = arith.maximumf %add3A, %max3A_10 : vector<400x1xf32>
    %div3A = arith.constant 1.000000e+00 : f32
    %div3A_12 = vector.broadcast %div3A : f32 to vector<400x1xf32>
    %div3A_13 = arith.divf %div3A_12, %max3A_11 : vector<400x1xf32>
    %get3A_14 = arith.constant 0 : index
    %get3A_15 = arith.constant 0 : index
    %get3A_16 = arith.constant 0 : index
    %get3A_17 = vector.load %arg1[%get3A_14, %get3A_15, %get3A_16] : memref<2x400x128xf32, #tpu.memory_space<vmem>>, vector<1x400x128xf32>
    %get3A_18 = vector.shape_cast %get3A_17 : vector<1x400x128xf32> to vector<400x128xf32>
    %get3A_19 = arith.constant 1 : index
    %get3A_20 = arith.constant 0 : index
    %get3A_21 = arith.constant 0 : index
    %get3A_22 = vector.load %arg1[%get3A_19, %get3A_20, %get3A_21] : memref<2x400x128xf32, #tpu.memory_space<vmem>>, vector<1x400x128xf32>
    %get3A_23 = vector.shape_cast %get3A_22 : vector<1x400x128xf32> to vector<400x128xf32>
    %concatenate3A = tpu.concatenate %get3A_18, %get3A_23 in 1 : vector<400x128xf32>, vector<400x128xf32> -> vector<400x256xf32>
    %mul3A = vector.broadcast %div3A_13 : vector<400x1xf32> to vector<400x256xf32>
    %mul3A_24 = arith.mulf %concatenate3A, %mul3A : vector<400x256xf32>
    %get3A_25 = arith.constant 0 : index
    %get3A_26 = arith.constant 0 : index
    %get3A_27 = vector.load %arg4[%get3A_25, %get3A_26] : memref<256x256xf32, #tpu.memory_space<vmem>>, vector<256x256xf32>
    %dot_general3A = arith.constant dense<0.000000e+00> : vector<400x256xf32>
    %dot_general3A_28 = tpu.matmul %mul3A_24, %get3A_27, %dot_general3A {dimension_numbers = #tpu.dot_dimension_numbers<[1], [0], [0], [1], [0, 0, 1, 1], [], []>, transpose_lhs_hint = false} : vector<400x256xf32>, vector<256x256xf32>, vector<400x256xf32> -> vector<400x256xf32>
    %get3A_29 = arith.constant 0 : index
    %get3A_30 = arith.constant 0 : index
    %get3A_31 = vector.load %arg2[%get3A_29, %get3A_30] : memref<400x256xf32, #tpu.memory_space<vmem>>, vector<400x256xf32>
    %get3A_32 = arith.constant 0 : index
    %get3A_33 = arith.constant 0 : index
    %get3A_34 = vector.load %arg5[%get3A_32, %get3A_33] : memref<256x256xf32, #tpu.memory_space<vmem>>, vector<256x256xf32>
    %dot_general3A_35 = arith.constant dense<0.000000e+00> : vector<400x256xf32>
    %dot_general3A_36 = tpu.matmul %get3A_31, %get3A_34, %dot_general3A_35 {dimension_numbers = #tpu.dot_dimension_numbers<[1], [0], [0], [1], [0, 0, 1, 1], [], []>, transpose_lhs_hint = false} : vector<400x256xf32>, vector<256x256xf32>, vector<400x256xf32> -> vector<400x256xf32>
    %add3A_37 = arith.addf %dot_general3A_28, %dot_general3A_36 : vector<400x256xf32>
    %get3A_38 = arith.constant 0 : index
    %get3A_39 = arith.constant 0 : index
    %get3A_40 = vector.load %arg6[%get3A_38, %get3A_39] : memref<1x256xf32, #tpu.memory_space<vmem>>, vector<1x256xf32>
    %add3A_41 = vector.broadcast %get3A_40 : vector<1x256xf32> to vector<400x256xf32>
    %add3A_42 = arith.addf %add3A_37, %add3A_41 : vector<400x256xf32>
    %max3A_43 = arith.constant 0.000000e+00 : f32
    %max3A_44 = vector.broadcast %max3A_43 : f32 to vector<400x256xf32>
    %max3A_45 = arith.maximumf %add3A_42, %max3A_44 : vector<400x256xf32>
    %swap3A = arith.constant 0 : index
    %swap3A_46 = arith.constant 0 : index
    %swap3A_47 = vector.load %arg7[%swap3A, %swap3A_46] : memref<400x256xf32, #tpu.memory_space<vmem>>, vector<400x256xf32>
    tpu.vector_store %arg7[%swap3A, %swap3A_46], %max3A_45 {strides = array<i32>} : memref<400x256xf32, #tpu.memory_space<vmem>>, vector<400x256xf32>,
    return
  }
  func.func @transform_0(%arg0: i32) -> (i32, i32, i32) {
    %c0_i32 = arith.constant 0 : i32
    %c0_i32_0 = arith.constant 0 : i32
    %c0_i32_1 = arith.constant 0 : i32
    return %c0_i32, %arg0, %c0_i32_0 : i32, i32, i32
  }
  func.func @transform_1(%arg0: i32) -> (i32, i32) {
    %c0_i32 = arith.constant 0 : i32
    %c0_i32_0 = arith.constant 0 : i32
    return %arg0, %c0_i32 : i32, i32
  }
  func.func @transform_2(%arg0: i32) -> (i32, i32, i32) {
    %c0_i32 = arith.constant 0 : i32
    %c0_i32_0 = arith.constant 0 : i32
    %c0_i32_1 = arith.constant 0 : i32
    return %c0_i32, %arg0, %c0_i32_0 : i32, i32, i32
  }
  func.func @transform_3(%arg0: i32) -> (i32, i32) {
    %c0_i32 = arith.constant 0 : i32
    %c0_i32_0 = arith.constant 0 : i32
    %c0_i32_1 = arith.constant 0 : i32
    return %c0_i32, %c0_i32_0 : i32, i32
  }
  func.func @transform_4(%arg0: i32) -> (i32, i32) {
    %c0_i32 = arith.constant 0 : i32
    %c0_i32_0 = arith.constant 0 : i32
    %c0_i32_1 = arith.constant 0 : i32
    return %c0_i32, %c0_i32_0 : i32, i32
  }
  func.func @transform_5(%arg0: i32) -> (i32, i32) {
    %c0_i32 = arith.constant 0 : i32
    %c0_i32_0 = arith.constant 0 : i32
    %c0_i32_1 = arith.constant 0 : i32
    return %c0_i32, %c0_i32_0 : i32, i32
  }
  func.func @transform_6(%arg0: i32) -> (i32, i32) {
    %c0_i32 = arith.constant 0 : i32
    %c0_i32_0 = arith.constant 0 : i32
    return %arg0, %c0_i32 : i32, i32
  }
}

module attributes {stable_mosaic.version = 14 : i64} {
  func.func @body(%arg0: i32, %arg1: memref<2x400x128xf32, #tpu.memory_space<vmem>>, %arg2: memref<400x256xf32, #tpu.memory_space<vmem>>, %arg3: memref<2x400x8xf32, #tpu.memory_space<vmem>>, %arg4: memref<256x256xf32, #tpu.memory_space<vmem>>, %arg5: memref<256x256xf32, #tpu.memory_space<vmem>>, %arg6: memref<1x256xf32, #tpu.memory_space<vmem>>, %arg7: memref<400x256xf32, #tpu.memory_space<vmem>>) attributes {dimension_semantics = [#tpu.dimension_semantics<arbitrary>], iteration_bounds = array<i64: 25>, scalar_prefetch = 0 : i64, scratch_operands = 0 : i64, tpu.core_type = #tpu.core_type<tc>, window_params = [{transform_indices = @transform_0, window_bounds = array<i64: 2, 400, 128>}, {transform_indices = @transform_1, window_bounds = array<i64: 400, 256>}, {transform_indices = @transform_2, window_bounds = array<i64: 2, 400, 8>}, {pipeline_mode = #tpu.pipeline_mode<synchronous>, transform_indices = @transform_3, window_bounds = array<i64: 256, 256>}, {pipeline_mode = #tpu.pipeline_mode<synchronous>, transform_indices = @transform_4, window_bounds = array<i64: 256, 256>}, {pipeline_mode = #tpu.pipeline_mode<synchronous>, transform_indices = @transform_5, window_bounds = array<i64: 1, 256>}, {transform_indices = @transform_6, window_bounds = array<i64: 400, 256>}]} {
    %get3A = arith.constant 0 : index
    %get3A_0 = arith.constant 0 : index
    %get3A_1 = arith.constant 0 : index
    %get3A_2 = vector.load %arg3[%get3A, %get3A_0, %get3A_1] : memref<2x400x8xf32, #tpu.memory_space<vmem>>, vector<1x400x8xf32>
    %get3A_3 = vector.shape_cast %get3A_2 : vector<1x400x8xf32> to vector<400x8xf32>
    %slice3A = vector.extract_strided_slice %get3A_3 {offsets = [0, 0], sizes = [400, 1], strides = [1, 1]} : vector<400x8xf32> to vector<400x1xf32>
    %get3A_4 = arith.constant 1 : index
    %get3A_5 = arith.constant 0 : index
    %get3A_6 = arith.constant 0 : index
    %get3A_7 = vector.load %arg3[%get3A_4, %get3A_5, %get3A_6] : memref<2x400x8xf32, #tpu.memory_space<vmem>>, vector<1x400x8xf32>
    %get3A_8 = vector.shape_cast %get3A_7 : vector<1x400x8xf32> to vector<400x8xf32>
    %slice3A_9 = vector.extract_strided_slice %get3A_8 {offsets = [0, 0], sizes = [400, 1], strides = [1, 1]} : vector<400x8xf32> to vector<400x1xf32>
    %add3A = arith.addf %slice3A, %slice3A_9 : vector<400x1xf32>
    %max3A = arith.constant 1.000000e+00 : f32
    %max3A_10 = vector.broadcast %max3A : f32 to vector<400x1xf32>
    %max3A_11 = arith.maximumf %add3A, %max3A_10 : vector<400x1xf32>
    %div3A = arith.constant 1.000000e+00 : f32
    %div3A_12 = vector.broadcast %div3A : f32 to vector<400x1xf32>
    %div3A_13 = arith.divf %div3A_12, %max3A_11 : vector<400x1xf32>
    %get3A_14 = arith.constant 0 : index
    %get3A_15 = arith.constant 0 : index
    %get3A_16 = arith.constant 0 : index
    %get3A_17 = vector.load %arg1[%get3A_14, %get3A_15, %get3A_16] : memref<2x400x128xf32, #tpu.memory_space<vmem>>, vector<1x400x128xf32>
    %get3A_18 = vector.shape_cast %get3A_17 : vector<1x400x128xf32> to vector<400x128xf32>
    %get3A_19 = arith.constant 1 : index
    %get3A_20 = arith.constant 0 : index
    %get3A_21 = arith.constant 0 : index
    %get3A_22 = vector.load %arg1[%get3A_19, %get3A_20, %get3A_21] : memref<2x400x128xf32, #tpu.memory_space<vmem>>, vector<1x400x128xf32>
    %get3A_23 = vector.shape_cast %get3A_22 : vector<1x400x128xf32> to vector<400x128xf32>
    %concatenate3A = tpu.concatenate %get3A_18, %get3A_23 in 1 : vector<400x128xf32>, vector<400x128xf32> -> vector<400x256xf32>
    %mul3A = vector.broadcast %div3A_13 : vector<400x1xf32> to vector<400x256xf32>
    %mul3A_24 = arith.mulf %concatenate3A, %mul3A : vector<400x256xf32>
    %get3A_25 = arith.constant 0 : index
    %get3A_26 = arith.constant 0 : index
    %get3A_27 = vector.load %arg4[%get3A_25, %get3A_26] : memref<256x256xf32, #tpu.memory_space<vmem>>, vector<256x256xf32>
    %dot_general3A = arith.constant dense<0.000000e+00> : vector<400x256xf32>
    %dot_general3A_28 = tpu.matmul %mul3A_24, %get3A_27, %dot_general3A {dimension_numbers = #tpu.dot_dimension_numbers<[1], [0], [0], [1], [0, 0, 1, 1], [], []>, transpose_lhs_hint = false} : vector<400x256xf32>, vector<256x256xf32>, vector<400x256xf32> -> vector<400x256xf32>
    %get3A_29 = arith.constant 0 : index
    %get3A_30 = arith.constant 0 : index
    %get3A_31 = vector.load %arg2[%get3A_29, %get3A_30] : memref<400x256xf32, #tpu.memory_space<vmem>>, vector<400x256xf32>
    %get3A_32 = arith.constant 0 : index
    %get3A_33 = arith.constant 0 : index
    %get3A_34 = vector.load %arg5[%get3A_32, %get3A_33] : memref<256x256xf32, #tpu.memory_space<vmem>>, vector<256x256xf32>
    %dot_general3A_35 = arith.constant dense<0.000000e+00> : vector<400x256xf32>
    %dot_general3A_36 = tpu.matmul %get3A_31, %get3A_34, %dot_general3A_35 {dimension_numbers = #tpu.dot_dimension_numbers<[1], [0], [0], [1], [0, 0, 1, 1], [], []>, transpose_lhs_hint = false} : vector<400x256xf32>, vector<256x256xf32>, vector<400x256xf32> -> vector<400x256xf32>
    %add3A_37 = arith.addf %dot_general3A_28, %dot_general3A_36 : vector<400x256xf32>
    %get3A_38 = arith.constant 0 : index
    %get3A_39 = arith.constant 0 : index
    %get3A_40 = vector.load %arg6[%get3A_38, %get3A_39] : memref<1x256xf32, #tpu.memory_space<vmem>>, vector<1x256xf32>
    %add3A_41 = vector.broadcast %get3A_40 : vector<1x256xf32> to vector<400x256xf32>
    %add3A_42 = arith.addf %add3A_37, %add3A_41 : vector<400x256xf32>
    %swap3A = arith.constant 0 : index
    %swap3A_43 = arith.constant 0 : index
    %swap3A_44 = vector.load %arg7[%swap3A, %swap3A_43] : memref<400x256xf32, #tpu.memory_space<vmem>>, vector<400x256xf32>
    tpu.vector_store %arg7[%swap3A, %swap3A_43], %add3A_42 {strides = array<i32>} : memref<400x256xf32, #tpu.memory_space<vmem>>, vector<400x256xf32>,
    return
  }
  func.func @transform_0(%arg0: i32) -> (i32, i32, i32) {
    %c0_i32 = arith.constant 0 : i32
    %c0_i32_0 = arith.constant 0 : i32
    %c0_i32_1 = arith.constant 0 : i32
    return %c0_i32, %arg0, %c0_i32_0 : i32, i32, i32
  }
  func.func @transform_1(%arg0: i32) -> (i32, i32) {
    %c0_i32 = arith.constant 0 : i32
    %c0_i32_0 = arith.constant 0 : i32
    return %arg0, %c0_i32 : i32, i32
  }
  func.func @transform_2(%arg0: i32) -> (i32, i32, i32) {
    %c0_i32 = arith.constant 0 : i32
    %c0_i32_0 = arith.constant 0 : i32
    %c0_i32_1 = arith.constant 0 : i32
    return %c0_i32, %arg0, %c0_i32_0 : i32, i32, i32
  }
  func.func @transform_3(%arg0: i32) -> (i32, i32) {
    %c0_i32 = arith.constant 0 : i32
    %c0_i32_0 = arith.constant 0 : i32
    %c0_i32_1 = arith.constant 0 : i32
    return %c0_i32, %c0_i32_0 : i32, i32
  }
  func.func @transform_4(%arg0: i32) -> (i32, i32) {
    %c0_i32 = arith.constant 0 : i32
    %c0_i32_0 = arith.constant 0 : i32
    %c0_i32_1 = arith.constant 0 : i32
    return %c0_i32, %c0_i32_0 : i32, i32
  }
  func.func @transform_5(%arg0: i32) -> (i32, i32) {
    %c0_i32 = arith.constant 0 : i32
    %c0_i32_0 = arith.constant 0 : i32
    %c0_i32_1 = arith.constant 0 : i32
    return %c0_i32, %c0_i32_0 : i32, i32
  }
  func.func @transform_6(%arg0: i32) -> (i32, i32) {
    %c0_i32 = arith.constant 0 : i32
    %c0_i32_0 = arith.constant 0 : i32
    return %arg0, %c0_i32 : i32, i32
  }
}

</mosaic_0001>

<sc_bundles>
// kernel: kernel.10.cloned.1.call-start
scs
__scs_entry_jumppad:
0x0: {  	(pc) =	sbr.rel $0x88, $3  }
0x1: {  	(tag) =	ssettag $0x0;
	lr =	simm.s32 $0x1  }
0x2: {  	[smem:$0x3F99] =	sst lr;
	_ =	strace $0xD0000000  }
0x3: {  	_ = 	snop  }
0x4: {  	_ = 	snop  }
0x5: {  	_ = 	snop  }
0x6: {  	_ = 	snop  }
0x7: {  	_ = 	snop  }
__scs_overlays_trampoline_lowered:
0x8: {  	[smem:$0x3FA8] =	sst s0  }
0x9: {  	[smem:$0x3FA9] =	sst s1  }
0xa: {  	[smem:$0x3FAA] =	sst s2  }
0xb: {  	[smem:$0x3FAB] =	sst s3  }
0xc: {  	[smem:$0x3FAC] =	sst s4  }
0xd: {  	[smem:$0x3FAD] =	sst s5  }
0xe: {  	[smem:$0x3FAE] =	sst s6  }
0xf: {  	[smem:$0x3FAF] =	sst s7  }
0x10: {  	[smem:$0x3FB0] =	sst s8  }
0x11: {  	[smem:$0x3FB1] =	sst s9;
	s0 =	simm.s32 @!p0 $0x0  }
0x12: {  	s1 =	sld [smem:$0x3F97];
	s0 =	simm.s32 @p0 $0x1  }
0x13: {  	[smem:$0x3FB2] =	sst s0;
	s0 =	simm.s32 @!p1 $0x0  }
0x14: {  	s2 =	sld [smem:$0x3F96];
	s0 =	simm.s32 @p1 $0x1  }
0x15: {  	[smem:$0x3FB3] =	sst s0;
	s0 =	simm.s32 @!p2 $0x0  }
0x16: {  	s3 =	sld [smem:$0x3FDB];
	s0 =	simm.s32 @p2 $0x1  }
0x17: {  	s4 =	simm.s32 $0x1BF5;
	[smem:$0x3FB5] =	sst s0  }
0x18: {  	s0 =	sld [smem:$0x3F98];
	_ =	swait.ge [sflag:s4], $0x0  }
0x19: {  	s7 =	sld [smem:$0x3F99]  }
0x1a: {  	s8 =	sadd.s32 $0xFFFFE003, lr  }
0x1b: {  	s9 =	sadd.s32 $0xFFFFFEF7, lr;
	s5 =	simm.s32 $0xFFFFFFFF;
	p2 =	slt.u32 s8, $0xFFFFF086  }
0x1c: {  	p1 =	slt.u32 s9, $0xF7A;
	s5 =	simm.s32 @!p2 $0x0  }
0x1d: {  	s5 =	simm.s32 @p1 $0x1;
	p0 =	seq.s32 s7, s2  }
0x1e: {  	s7 =	smul.u32 @!p0 $0xF7A, s2;
	p2 =	seq.s32 @!p0 s5, $0x0  }
0x1f: {  	s9 =	smul.u32 $0xF7A, s1;
	s8 =	simm.s32 @!p0 $0x1BF5;
	p2 =	por !p2, p0  }
0x20: {  	[sflag:s8] =	ssyncset.s32 @!p0 $0xFFFFF086;
	s6 =	sadd.s32 @!p0 s3, s7;
	s7 =	simm.s32 @!p0 $0x108  }
0x21: {  	s3 =	sadd.s32 s3, s9;
	s6 =	sadd.s32 @!p0 $0x88, s6;
	s7 =	simm.s32 @p2 $0x1082  }
0x22: {  	[simem:s7], [sflag:s8] =	dma.local @!p0 [hbm:s6], $0xF7A  }
0x23: {  	s9 =	sor.u32 $0xD0000000, s2;
	s6 =	simm.s32 $0x108;
	_ =	swait.ge @!p0 [sflag:s8], $0x0  }
0x24: {  	s3 =	sadd.s32 $0x88, s3;
	s6 =	simm.s32 @!p1 $0x1082;
	[sflag:s4] =	ssyncset.s32 $0xFFFFF086  }
0x25: {  	[simem:s6], [sflag:s4] =	dma.local [hbm:s3], $0xF7A  }
0x26: {  	[smem:$0x3F99] =	sst s1;
	(tag) =	ssettag s2;
	_ =	strace s9  }
0x27: {  	s1 =	sld [smem:$0x3FA9]  }
0x28: {  	s2 =	sld [smem:$0x3FAA]  }
0x29: {  	s4 =	sld [smem:$0x3FAC]  }
0x2a: {  	p0 =	seq.s32 s5, $0x0;
	s5 =	sld [smem:$0x3FAD]  }
0x2b: {  	s6 =	sld [smem:$0x3FAE]  }
0x2c: {  	s7 =	sld [smem:$0x3FAF]  }
0x2d: {  	s3 =	simm.s32 $0x108;
	s8 =	sld [smem:$0x3FB0]  }
0x2e: {  	s3 =	simm.s32 @!p0 $0x1082;
	s9 =	sld [smem:$0x3FB1]  }
0x2f: {  	lr =	sadd.s32 s0, s3;
	s0 =	sld [smem:$0x3FA8]  }
0x30: {  	s3 =	sld [smem:$0x3FAB]  }
0x31: {  	[smem:$0x3FB4] =	sst s10  }
0x32: {  	s10 =	sld [smem:$0x3FB2];
	_ =	sdelay $0x3  }
0x33: {  	p0 =	seq.s32 s10, $0x1;
	s10 =	sld [smem:$0x3FB4];
	_ =	sdelay $0x3  }
0x34: {  	[smem:$0x3FB4] =	sst s10  }
0x35: {  	s10 =	sld [smem:$0x3FB3];
	_ =	sdelay $0x3  }
0x36: {  	p1 =	seq.s32 s10, $0x1;
	s10 =	sld [smem:$0x3FB4];
	_ =	sdelay $0x3  }
0x37: {  	[smem:$0x3FB4] =	sst s10  }
0x38: {  	s10 =	sld [smem:$0x3FB5]  }
0x39: {  	_ = 	snop;
	(pc) =	sbr.ind lr, $3  }
0x3a: {  	_ = 	snop  }
0x3b: {  	_ = 	snop  }
0x3c: {  	p2 =	seq.s32 s10, $0x1;
	s10 =	sld [smem:$0x3FB4]  }
0x3d: {  	_ =	shalt  }
0x3e: {  	_ =	shalt  }
0x3f: {  	_ =	shalt  }
0x40: {  	_ =	shalt  }
0x41: {  	_ =	shalt  }
0x42: {  	_ =	shalt  }
0x43: {  	_ =	shalt  }
0x44: {  	_ =	shalt  }
0x45: {  	_ =	shalt  }
0x46: {  	_ =	shalt  }
0x47: {  	_ =	shalt  }
0x48: {  	_ =	shalt  }
0x49: {  	_ =	shalt  }
0x4a: {  	_ =	shalt  }
0x4b: {  	_ =	shalt  }
0x4c: {  	_ =	shalt  }
0x4d: {  	_ =	shalt  }
0x4e: {  	_ =	shalt  }
0x4f: {  	_ =	shalt  }
0x50: {  	_ =	shalt  }
0x51: {  	_ =	shalt  }
0x52: {  	_ =	shalt  }
0x53: {  	_ =	shalt  }
0x54: {  	_ =	shalt  }
0x55: {  	_ =	shalt  }
0x56: {  	_ =	shalt  }
0x57: {  	_ =	shalt  }
0x58: {  	_ =	shalt  }
0x59: {  	_ =	shalt  }
0x5a: {  	_ =	shalt  }
0x5b: {  	_ =	shalt  }
0x5c: {  	_ =	shalt  }
0x5d: {  	_ =	shalt  }
0x5e: {  	_ =	shalt  }
0x5f: {  	_ =	shalt  }
0x60: {  	_ =	shalt  }
0x61: {  	_ =	shalt  }
0x62: {  	_ =	shalt  }
0x63: {  	_ =	shalt  }
0x64: {  	_ =	shalt  }
0x65: {  	_ =	shalt  }
0x66: {  	_ =	shalt  }
0x67: {  	_ =	shalt  }
0x68: {  	_ =	shalt  }
0x69: {  	_ =	shalt  }
0x6a: {  	_ =	shalt  }
0x6b: {  	_ =	shalt  }
0x6c: {  	_ =	shalt  }
0x6d: {  	_ =	shalt  }
0x6e: {  	_ =	shalt  }
0x6f: {  	_ =	shalt  }
0x70: {  	_ =	shalt  }
0x71: {  	_ =	shalt  }
0x72: {  	_ =	shalt  }
0x73: {  	_ =	shalt  }
0x74: {  	_ =	shalt  }
0x75: {  	_ =	shalt  }
0x76: {  	_ =	shalt  }
0x77: {  	_ =	shalt  }
0x78: {  	_ =	shalt  }
0x79: {  	_ =	shalt  }
0x7a: {  	_ =	shalt  }
0x7b: {  	_ =	shalt  }
0x7c: {  	_ =	shalt  }
0x7d: {  	_ =	shalt  }
0x7e: {  	_ =	shalt  }
0x7f: {  	_ =	shalt  }
0x80: {  	_ =	shalt  }
0x81: {  	_ =	shalt  }
0x82: {  	_ =	shalt  }
0x83: {  	_ =	shalt  }
0x84: {  	_ =	shalt  }
0x85: {  	_ =	shalt  }
0x86: {  	_ =	shalt  }
0x87: {  	_ =	shalt  }
.Lfunc_end0:
.L_simem_size_0:
called_computation.1_lowered:
.L_overlay_start_0:
0x88: {  	s2 =	sld [smem:$0x3FD9]  }
0x89: {  	s3 =	sld [smem:$0x3FFE];
	_ =	sdelay $0x1  }
0x8a: {  	s1 =	srdreg.scid  }
0x8b: {  	s0 =	sand.u32 $0x1, s1  }
0x8c: {  	s17 =	sshll.u32 s0, $0xA;
	s2 =	sadd.s32 s3, s2  }
0x8d: {  	s2 =	sadd.s32 s2, s17  }
0x8e: {  	[smem:$0x3FC0] =	sst s2  }
0x8f: {  	_ = 	snop  }
0x90: {  	s2 =	sld [smem:$0x3FD0];
	(tm) =	ssettm $0x1  }
0x91: {  	s18 =	sld [smem:$0x3FFB];
	_ =	sdelay $0x3  }
0x92: {  	_ =	strace s18  }
0x93: {  	s3 =	sld [smem:$0x3FFC];
	_ =	sdelay $0x3  }
0x94: {  	_ =	strace s3  }
0x95: {  	s3 =	sld [smem:$0x3FFD];
	_ =	sdelay $0x3  }
0x96: {  	_ =	strace s3  }
0x97: {  	_ =	strace $0x8FFFFFFF  }
0x98: {  	s19 =	sld [smem:$0x3FDB];
	_ =	sdelay $0x1  }
0x99: {  	s4 =	simm.s32 $_scs_section_size  }
0x9a: {  	s5 =	simm.s32 $_size__tile_overlayer_lowered;
	s6 =	simm.s32 $_tile_overlayer_lowered  }
0x9b: {  	s22 =	simm.s32 $0x1BFF;
	s21 =	sshll.u32 s6, $0x1;
	s3 =	sadd.s32 s4, s19  }
0x9c: {  	s7 =	simm.s32 $0x0;
	s20 =	sshll.u32 s5, $0x1;
	s5 =	sadd.s32 s21, s3  }
0x9d: {  	[timem:s7], [sflag:s22] =	dma.local [hbm:s5], s20  }
0x9e: {  	_ =	swait.ge [sflag:s22], s20  }
0x9f: {  	s4 =	ssub.s32 $0x0, s20;
	[sflag:s22] =	ssyncset.done $0x0  }
0xa0: {  	[sflag:s22] =	ssyncadd.s32 s4;
	_ =	sdelay $0x1  }
0xa1: {  	s23 =	simm.s32 $0x1B8B  }
0xa2: {  	_ =	swait.ge [sflag:s23], $0x1  }
0xa3: {  	[sflag:s23] =	ssyncset.done $0x0  }
0xa4: {  	s25 =	simm.s32 $0x1B8E;
	s24 =	sld [smem:$0x3FFE];
	[sflag:s23] =	ssyncadd.s32 $0xFFFFFFFF  }
0xa5: {  	s26 =	simm.s32 $execute0_lowered;
	[smem:$0x3FD2] =	sst s25  }
0xa6: {  	s5 =	sshll.u32 s26, $0x1;
	_ =	strace $0x80000046;
	[dreg:$0x1] =	wrdreg $0xFFFFFFFF  }
0xa7: {  	s28 =	simm.s32 $_size_execute0_lowered;
	s3 =	sadd.s32 s3, s5;
	[dreg:$0x0] =	wrdreg $0x0  }
0xa8: {  	s5 =	sshll.u32 s28, $0x1;
	[dreg:$0x2] =	wrdreg s3  }
0xa9: {  	[dreg:$0x3] =	wrdreg s5  }
0xaa: {  	[dreg:$0x4] =	wrdreg $0xC0  }
0xab: {  	_ =	task [dreg:s7], $0x5FFFF  }
0xac: {  	[dreg:$0x1] =	wrdreg $0xFFFFFFFF  }
0xad: {  	[dreg:$0x0] =	wrdreg $0x60  }
0xae: {  	[dreg:$0x2] =	wrdreg s2  }
0xaf: {  	[dreg:$0x3] =	wrdreg s24  }
0xb0: {  	[dreg:$0x4] =	wrdreg $0x0  }
0xb1: {  	[dreg:$0x5] =	wrdreg $0xA  }
0xb2: {  	_ =	task.clear_ibuf [dreg:s7], $0x6FFFF;
	_ =	strace $0x90000046  }
0xb3: {  	s29 =	simm.s32 $0xA;
	_ =	strace $0x80000048  }
0xb4: {  	_ =	swait.ge [sflag:s29], $0x1  }
0xb5: {  	[sflag:s29] =	ssyncadd.s32 $0xFFFFFFFF  }
0xb6: {  	_ =	strace $0x90000048  }
0xb7: {  	_ =	sfence  }
0xb8: {  	s30 =	sld [smem:$0x0];
	_ =	sdelay $0x2  }
0xb9: {  	s31 =	sshll.u32 s1, $0xD;
	s1 =	sshrl.u32 s1, $0x2  }
0xba: {  	s3 =	sand.u32 $0x4000, s31;
	s1 =	sadd.s32 s1, s30  }
0xbb: {  	s0 =	sor.u32 s3, s0;
	s1 =	sshll.u32 s1, $0x11  }
0xbc: {  	s0 =	sor.u32 s1, s0  }
0xbd: {  	s0 =	sadd.s32 $0x8F2B, s0  }
0xbe: {  	[sflag:s0] =	ssyncadd.remote.s32 $0x1  }
0xbf: {  	_ =	sfence.sel $0xFFFF  }
0xc0: {  	[dreg:$0x0] =	wrdreg $0xFFFFFFFF;
	(pc) =	sbr.abs _section_cstart, $3  }
0xc1: {  	[dreg:$0x1] =	wrdreg $0xFFFFFFFF  }
0xc2: {  	_ =	task.clear_ibuf [dreg:s7], $0x2FFFF;
	_ =	strace $0x9FFFFFFF  }
0xc3: {  	(tm) =	ssettm $0x7FFFFFFF  }
tec
execute0_lowered:
.L_overlay_start_1:
0x0: {  	(tag) =	ssettag $0x1  }
0x1: {  	s1 =	rddreg [dreg:$0x0]  }
0x2: {  	s0 =	rddreg [dreg:$0x1]  }
0x3: {  	s3 =	rddreg [dreg:$0x2]  }
0x4: {  	s2 =	srdreg.scid;
	s10 =	stileid.u32  }
0x5: {  	s13 =	simm.s32 $0x0;
	s15 =	simm.s32 $0x14400;
	s16 =	simm.s32 $0x5  }
0x6: {  	s17 =	simm.s32 $0x13C00;
	s18 =	simm.s32 $0x14000;
	s28 =	simm.s32 $0x80  }
0x7: {  	s29 =	simm.s32 $0x3;
	s30 =	simm.s32 $0x13F40;
	s19 =	smul.u32 $0x2780, s10  }
0x8: {  	s31 =	simm.s32 $0x14280;
	s11 =	simm.s32 $0x14380;
	s8 =	smul.u32 $0x4F000, s10  }
0x9: {  	s4 =	sand.u32 $0x1, s2;
	[smem:$0x7FF] =	sst s13;
	s12 =	smul.u32 $0xA, s10  }
0xa: {  	s5 =	sadd.s32 $0xC000, s0;
	s6 =	sadd.s32 $0x7000, s0;
	s7 =	smul.u32 $0x27800, s4  }
0xb: {  	s10 =	simm.s32 $0x14300;
	_ =	strace $0x80000047;
	s9 =	ssub.s32 $0x2, s4  }
0xc: {  	s20 =	sshrl.u32 s9, $0x1;
	s8 =	sshrl.u32 s8, $0x2;
	s2 =	sadd.s32 s19, s7  }
0xd: {  	s21 =	ssub.s32 s9, s20;
	s14 =	sadd.s32 s8, s3;
	s19 =	simm.s32 $0x40  }
0xe: {  	s8 =	simm.s32 $0x4;
	s22 =	sadd.s32 $0x4000, s14;
	[dreg:$0x5] =	wrdreg s14  }
0xf: {  	s9 =	simm.s32 $0x13FC0;
	s23 =	sadd.s32 $0x8000, s14;
	[dreg:$0x6] =	wrdreg s22  }
0x10: {  	s0 =	sadd.s32 s2, s0;
	s24 =	sadd.s32 $0xC000, s14;
	[dreg:$0x7] =	wrdreg s23  }
0x11: {  	s25 =	sadd.s32 $0x10000, s14;
	s26 =	smax.u32 s21, $0x1;
	[dreg:$0x8] =	wrdreg s24  }
0x12: {  	s21 =	simm.s32 $0x16400;
	s2 =	simm.s32 $0x13F80;
	[dreg:$0x9] =	wrdreg s25  }
0x13: {  	s0 =	sadd.s32 $0x11000, s0;
	[dreg:$0xb] =	wrdreg s26;
	s23 =	simm.s32 $0x18400  }
0x14: {  	s25 =	simm.s32 $0x1A400;
	s26 =	simm.s32 $0x1;
	s22 =	simm.s32 $0x14200  }
0x15: {  	v1 =	vimm.f32 $0.0e+00;
	v0 =	vmov s4;
	s24 =	simm.s32 $0x13F00;
	[dreg:$0xa] =	wrdreg s0;
	s0 =	simm.s32 $0x2  }
.LBB2_1:
0x16: {  	[dreg:$0x4] =	wrdreg s13;
	s4 =	simm.s32 $0x0;
	s7 =	simm.s32 $0x200  }
.LBB2_2:
0x17: {  	p0 =	sne.s32 s7, $0xFE00;
	[tilespmem:s4+$0x14470] =	vst v1  }
0x18: {  	[tilespmem:s4+$0x14400] =	vst v1  }
0x19: {  	[tilespmem:s4+$0x14410] =	vst v1  }
.Ltmp0:
0x1a: {  	[tilespmem:s4+$0x14420] =	vst v1;
	(pc) =	sbr.rel @p0 .LBB2_2-.Ltmp0, $4  }
0x1b: {  	[tilespmem:s4+$0x14430] =	vst v1  }
0x1c: {  	[tilespmem:s4+$0x14440] =	vst v1  }
0x1d: {  	[tilespmem:s4+$0x14450] =	vst v1  }
0x1e: {  	[tilespmem:s4+$0x14460] =	vst v1;
	s4 =	sshra.s32 s7, $0x2;
	s7 =	sadd.s32 $0x200, s7  }
0x1f: {  	[tilespmem:s4+$0x14470] =	vst v1  }
0x20: {  	[tilespmem:s4+$0x14400] =	vst v1  }
0x21: {  	[tilespmem:s4+$0x14410] =	vst v1  }
0x22: {  	[tilespmem:s4+$0x14420] =	vst v1  }
0x23: {  	[tilespmem:s4+$0x14430] =	vst v1  }
0x24: {  	[tilespmem:s4+$0x14440] =	vst v1  }
0x25: {  	[tilespmem:s4+$0x14450] =	vst v1  }
0x26: {  	[tilespmem:s4+$0x14460] =	vst v1  }
0x27: {  	[spmem:s14] =	stream.linear.scatter [tilespmem:s15], [sflag:$0x5], $0x4000, $0x38;
	[tilespmem:$0x1C400] =	vst v63  }
0x28: {  	_ =	swait.ge [sflag:s16], $0x4000  }
0x29: {  	[sflag:s16] =	ssyncset.done $0x0  }
0x2a: {  	s7 =	rddreg [dreg:$0x6];
	[sflag:s16] =	ssyncadd.s32 $0xFFFFC000  }
0x2b: {  	[spmem:s7] =	stream.linear.scatter [tilespmem:s15], [sflag:$0x5], $0x4000, $0x38;
	[tilespmem:$0x1C400] =	vst v63  }
0x2c: {  	_ =	swait.ge [sflag:s16], $0x4000  }
0x2d: {  	[sflag:s16] =	ssyncset.done $0x0  }
0x2e: {  	s13 =	rddreg [dreg:$0x7];
	[sflag:s16] =	ssyncadd.s32 $0xFFFFC000  }
0x2f: {  	[spmem:s13] =	stream.linear.scatter [tilespmem:s15], [sflag:$0x5], $0x4000, $0x38;
	[tilespmem:$0x1C400] =	vst v63  }
0x30: {  	_ =	swait.ge [sflag:s16], $0x4000  }
0x31: {  	[sflag:s16] =	ssyncset.done $0x0  }
0x32: {  	s14 =	rddreg [dreg:$0x8];
	[sflag:s16] =	ssyncadd.s32 $0xFFFFC000  }
0x33: {  	[spmem:s14] =	stream.linear.scatter [tilespmem:s15], [sflag:$0x5], $0x4000, $0x38;
	[tilespmem:$0x1C400] =	vst v63  }
0x34: {  	_ =	swait.ge [sflag:s16], $0x4000  }
0x35: {  	[sflag:s16] =	ssyncset.done $0x0  }
0x36: {  	s20 =	rddreg [dreg:$0x9];
	[sflag:s16] =	ssyncadd.s32 $0xFFFFC000  }
0x37: {  	[spmem:s20] =	stream.linear.scatter [tilespmem:s15], [sflag:$0x5], $0x3C00, $0x38;
	[tilespmem:$0x1C400] =	vst v63  }
0x38: {  	_ =	swait.ge [sflag:s16], $0x3C00  }
0x39: {  	[sflag:s16] =	ssyncset.done $0x0  }
0x3a: {  	[sflag:s16] =	ssyncadd.s32 $0xFFFFC400  }
0x3b: {  	s13 =	simm.s32 $0x0;
	s14 =	simm.s32 $0x0;
	[bflag:$0x0] =	sbarrier.arrive $0xFFFF  }
.LBB2_4:
0x3c: {  	s4 =	sadd.s32 s12, s14  }
0x3d: {  	s4 =	sshll.u32 s4, $0x7  }
0x3e: {  	s7 =	sadd.s32 s5, s4  }
0x3f: {  	[tilespmem:s17], [sflag:$0x5] =	stream.linear.gather [hbm4b:s7+s13], $0x400, $0x38;
	[tilespmem:$0x1C400] =	vst v63  }
0x40: {  	_ =	swait.ge [sflag:s16], $0x400  }
0x41: {  	[sflag:s16] =	ssyncset.done $0x0  }
0x42: {  	s4 =	sadd.s32 s6, s4;
	[sflag:s16] =	ssyncadd.s32 $0xFFFFFC00  }
0x43: {  	[tilespmem:s18], [sflag:$0x5] =	stream.linear.gather [hbm4b:s4+s13], $0x400, $0x38;
	[tilespmem:$0x1C400] =	vst v63  }
0x44: {  	_ =	swait.ge [sflag:s16], $0x400  }
0x45: {  	[sflag:s16] =	ssyncset.done $0x0  }
0x46: {  	s7 =	simm.s32 $0x0;
	[sflag:s16] =	ssyncadd.s32 $0xFFFFFC00  }
0x47: {  	v3 =	vld [tilespmem:s7+$0x13C00]  }
0x48: {  	v4 =	vld [tilespmem:s7+$0x13C10]  }
0x49: {  	v6 =	vld [tilespmem:s7+$0x13C20]  }
0x4a: {  	v5 =	vld [tilespmem:s7+$0x13C30]  }
0x4b: {  	v2 =	vld [tilespmem:s7+$0x13C40]  }
0x4c: {  	v7 =	vshll.u32 v3, $0x1;
	v3 =	vld [tilespmem:s7+$0x13C50]  }
0x4d: {  	s4 =	simm.s32 $0x200;
	v8 =	vshll.u32 v4, $0x1;
	v4 =	vld [tilespmem:s7+$0x13C60];
	v7 =	vor.u32 v0, v7  }
.LBB2_5:
0x4e: {  	s20 =	sshra.s32 s4, $0x2;
	p0 =	sne.s32 s4, $0xE00;
	[tilespmem:s7+$0x13C00] =	vst v7;
	v7 =	vor.u32 v0, v8;
	v6 =	vshll.u32 v6, $0x1;
	v8 =	vld [tilespmem:s7+$0x13C70]  }
0x4f: {  	v9 =	vld [tilespmem:s20+$0x13C00];
	[tilespmem:s7+$0x13C10] =	vst v7;
	v6 =	vor.u32 v0, v6;
	v5 =	vshll.u32 v5, $0x1  }
0x50: {  	v10 =	vld [tilespmem:s20+$0x13C10];
	[tilespmem:s7+$0x13C20] =	vst v6;
	v5 =	vor.u32 v0, v5;
	v2 =	vshll.u32 v2, $0x1  }
.Ltmp1:
0x51: {  	v6 =	vld [tilespmem:s20+$0x13C20];
	[tilespmem:s7+$0x13C30] =	vst v5;
	v2 =	vor.u32 v0, v2;
	v3 =	vshll.u32 v3, $0x1;
	(pc) =	sbr.rel @p0 .LBB2_5-.Ltmp1, $4  }
0x52: {  	v5 =	vld [tilespmem:s20+$0x13C30];
	[tilespmem:s7+$0x13C40] =	vst v2;
	v3 =	vor.u32 v0, v3;
	v4 =	vshll.u32 v4, $0x1  }
0x53: {  	v2 =	vld [tilespmem:s20+$0x13C40];
	[tilespmem:s7+$0x13C50] =	vst v3;
	v4 =	vor.u32 v0, v4;
	v7 =	vshll.u32 v8, $0x1  }
0x54: {  	v8 =	vshll.u32 v9, $0x1;
	v3 =	vld [tilespmem:s20+$0x13C50];
	[tilespmem:s7+$0x13C60] =	vst v4;
	v9 =	vor.u32 v0, v7  }
0x55: {  	s4 =	sadd.s32 $0x200, s4;
	v7 =	vor.u32 v0, v8;
	v8 =	vshll.u32 v10, $0x1;
	v4 =	vld [tilespmem:s20+$0x13C60];
	[tilespmem:s7+$0x13C70] =	vst v9;
	s7 =	smov.u32 s20  }
0x56: {  	[tilespmem:s7+$0x13C00] =	vst v7;
	v62 =	vor.u32 v0, v8;
	v6 =	vshll.u32 v6, $0x1;
	v63 =	vld [tilespmem:s7+$0x13C70]  }
0x57: {  	[tilespmem:s7+$0x13C10] =	vst v62;
	v6 =	vor.u32 v0, v6;
	v5 =	vshll.u32 v5, $0x1  }
0x58: {  	[tilespmem:s7+$0x13C20] =	vst v6;
	v5 =	vor.u32 v0, v5;
	v2 =	vshll.u32 v2, $0x1  }
0x59: {  	[tilespmem:s7+$0x13C30] =	vst v5;
	v2 =	vor.u32 v0, v2;
	v3 =	vshll.u32 v3, $0x1  }
0x5a: {  	[tilespmem:s7+$0x13C40] =	vst v2;
	v2 =	vor.u32 v0, v3;
	v3 =	vshll.u32 v4, $0x1  }
0x5b: {  	[tilespmem:s7+$0x13C50] =	vst v2;
	v2 =	vor.u32 v0, v3;
	v3 =	vshll.u32 v63, $0x1  }
0x5c: {  	[tilespmem:s7+$0x13C60] =	vst v2;
	v2 =	vor.u32 v0, v3  }
0x5d: {  	[tilespmem:s7+$0x13C70] =	vst v2  }
0x5e: {  	[tilespmem:s15], [sflag:$0x1] =	stream.indirect.gather [hbm4b:s1+s19], $0x80, s17, s19, $0xb8;
	[tilespmem:$0x1C400] =	vst v63  }
0x5f: {  	s4 =	simm.s32 $0x13C40  }
0x60: {  	[tilespmem:s21], [sflag:$0x1] =	stream.indirect.gather [hbm4b:s1+s19], $0x80, s4, s19, $0xb8;
	[tilespmem:$0x1C400] =	vst v63  }
0x61: {  	s20 =	simm.s32 $0x13C80  }
0x62: {  	[tilespmem:s23], [sflag:$0x2] =	stream.indirect.gather [hbm4b:s1+s19], $0x80, s20, s19, $0xb8;
	[tilespmem:$0x1C400] =	vst v63  }
0x63: {  	s7 =	simm.s32 $0x13CC0  }
0x64: {  	[tilespmem:s25], [sflag:$0x2] =	stream.indirect.gather [hbm4b:s1+s19], $0x80, s7, s19, $0xb8;
	[tilespmem:$0x1C400] =	vst v63  }
0x65: {  	_ =	swait.ge [sflag:s26], $0x2000  }
0x66: {  	[sflag:s26] =	ssyncset.done $0x0  }
0x67: {  	[sflag:s26] =	ssyncadd.s32 $0xFFFFE000  }
0x68: {  	_ =	swait.ge [sflag:s26], $0x2000  }
0x69: {  	[sflag:s26] =	ssyncset.done $0x0  }
0x6a: {  	[sflag:s26] =	ssyncadd.s32 $0xFFFFE000  }
0x6b: {  	[spmem:s3] =	stream.indirect.scatter.add.f32 [tilespmem:s15], [sflag:$0x3], $0x80, s18, s28, $0xb8;
	[tilespmem:$0x1C400] =	vst v63  }
0x6c: {  	_ =	swait.ge [sflag:s29], $0x4000  }
0x6d: {  	[sflag:s29] =	ssyncset.done $0x0  }
0x6e: {  	s20 =	simm.s32 $0x13D00;
	[sflag:s29] =	ssyncadd.s32 $0xFFFFC000  }
0x6f: {  	[tilespmem:s15], [sflag:$0x1] =	stream.indirect.gather [hbm4b:s1+s19], $0x80, s20, s19, $0xb8;
	[tilespmem:$0x1C400] =	vst v63  }
0x70: {  	s7 =	simm.s32 $0x13D40  }
0x71: {  	[tilespmem:s21], [sflag:$0x1] =	stream.indirect.gather [hbm4b:s1+s19], $0x80, s7, s19, $0xb8;
	[tilespmem:$0x1C400] =	vst v63  }
0x72: {  	_ =	swait.ge [sflag:s0], $0x2000  }
0x73: {  	[sflag:s0] =	ssyncset.done $0x0  }
0x74: {  	[sflag:s0] =	ssyncadd.s32 $0xFFFFE000  }
0x75: {  	_ =	swait.ge [sflag:s0], $0x2000  }
0x76: {  	[sflag:s0] =	ssyncset.done $0x0  }
0x77: {  	s20 =	simm.s32 $0x14080;
	[sflag:s0] =	ssyncadd.s32 $0xFFFFE000  }
0x78: {  	[spmem:s3] =	stream.indirect.scatter.add.f32 [tilespmem:s23], [sflag:$0x4], $0x80, s20, s28, $0xb8;
	[tilespmem:$0x1C400] =	vst v63  }
0x79: {  	_ =	swait.ge [sflag:s8], $0x4000  }
0x7a: {  	[sflag:s8] =	ssyncset.done $0x0  }
0x7b: {  	s7 =	simm.s32 $0x13D80;
	[sflag:s8] =	ssyncadd.s32 $0xFFFFC000  }
0x7c: {  	[tilespmem:s23], [sflag:$0x2] =	stream.indirect.gather [hbm4b:s1+s19], $0x80, s7, s19, $0xb8;
	[tilespmem:$0x1C400] =	vst v63  }
0x7d: {  	s20 =	simm.s32 $0x13DC0  }
0x7e: {  	[tilespmem:s25], [sflag:$0x2] =	stream.indirect.gather [hbm4b:s1+s19], $0x80, s20, s19, $0xb8;
	[tilespmem:$0x1C400] =	vst v63  }
0x7f: {  	_ =	swait.ge [sflag:s26], $0x2000  }
0x80: {  	[sflag:s26] =	ssyncset.done $0x0  }
0x81: {  	[sflag:s26] =	ssyncadd.s32 $0xFFFFE000  }
0x82: {  	_ =	swait.ge [sflag:s26], $0x2000  }
0x83: {  	[sflag:s26] =	ssyncset.done $0x0  }
0x84: {  	s7 =	simm.s32 $0x14100;
	[sflag:s26] =	ssyncadd.s32 $0xFFFFE000  }
0x85: {  	[spmem:s3] =	stream.indirect.scatter.add.f32 [tilespmem:s15], [sflag:$0x3], $0x80, s7, s28, $0xb8;
	[tilespmem:$0x1C400] =	vst v63  }
0x86: {  	_ =	swait.ge [sflag:s29], $0x4000  }
0x87: {  	[sflag:s29] =	ssyncset.done $0x0  }
0x88: {  	s20 =	simm.s32 $0x13E00;
	[sflag:s29] =	ssyncadd.s32 $0xFFFFC000  }
0x89: {  	[tilespmem:s15], [sflag:$0x1] =	stream.indirect.gather [hbm4b:s1+s19], $0x80, s20, s19, $0xb8;
	[tilespmem:$0x1C400] =	vst v63  }
0x8a: {  	s7 =	simm.s32 $0x13E40  }
0x8b: {  	[tilespmem:s21], [sflag:$0x1] =	stream.indirect.gather [hbm4b:s1+s19], $0x80, s7, s19, $0xb8;
	[tilespmem:$0x1C400] =	vst v63  }
0x8c: {  	_ =	swait.ge [sflag:s0], $0x2000  }
0x8d: {  	[sflag:s0] =	ssyncset.done $0x0  }
0x8e: {  	[sflag:s0] =	ssyncadd.s32 $0xFFFFE000  }
0x8f: {  	_ =	swait.ge [sflag:s0], $0x2000  }
0x90: {  	[sflag:s0] =	ssyncset.done $0x0  }
0x91: {  	s20 =	simm.s32 $0x14180;
	[sflag:s0] =	ssyncadd.s32 $0xFFFFE000  }
0x92: {  	[spmem:s3] =	stream.indirect.scatter.add.f32 [tilespmem:s23], [sflag:$0x4], $0x80, s20, s28, $0xb8;
	[tilespmem:$0x1C400] =	vst v63  }
0x93: {  	_ =	swait.ge [sflag:s8], $0x4000  }
0x94: {  	[sflag:s8] =	ssyncset.done $0x0  }
0x95: {  	s7 =	simm.s32 $0x13E80;
	[sflag:s8] =	ssyncadd.s32 $0xFFFFC000  }
0x96: {  	[tilespmem:s23], [sflag:$0x2] =	stream.indirect.gather [hbm4b:s1+s19], $0x80, s7, s19, $0xb8;
	[tilespmem:$0x1C400] =	vst v63  }
0x97: {  	s20 =	simm.s32 $0x13EC0  }
0x98: {  	[tilespmem:s25], [sflag:$0x2] =	stream.indirect.gather [hbm4b:s1+s19], $0x80, s20, s19, $0xb8;
	[tilespmem:$0x1C400] =	vst v63  }
0x99: {  	_ =	swait.ge [sflag:s26], $0x2000  }
0x9a: {  	[sflag:s26] =	ssyncset.done $0x0  }
0x9b: {  	[sflag:s26] =	ssyncadd.s32 $0xFFFFE000  }
0x9c: {  	_ =	swait.ge [sflag:s26], $0x2000  }
0x9d: {  	[sflag:s26] =	ssyncset.done $0x0  }
0x9e: {  	[sflag:s26] =	ssyncadd.s32 $0xFFFFE000  }
0x9f: {  	[spmem:s3] =	stream.indirect.scatter.add.f32 [tilespmem:s15], [sflag:$0x3], $0x80, s22, s28, $0xb8;
	[tilespmem:$0x1C400] =	vst v63  }
0xa0: {  	_ =	swait.ge [sflag:s29], $0x4000  }
0xa1: {  	[sflag:s29] =	ssyncset.done $0x0  }
0xa2: {  	[sflag:s29] =	ssyncadd.s32 $0xFFFFC000  }
0xa3: {  	[tilespmem:s15], [sflag:$0x1] =	stream.indirect.gather [hbm4b:s1+s19], $0x80, s24, s19, $0xb8;
	[tilespmem:$0x1C400] =	vst v63  }
0xa4: {  	_ = 	snop  }
0xa5: {  	[tilespmem:s21], [sflag:$0x1] =	stream.indirect.gather [hbm4b:s1+s19], $0x80, s30, s19, $0xb8;
	[tilespmem:$0x1C400] =	vst v63  }
0xa6: {  	_ =	swait.ge [sflag:s0], $0x2000  }
0xa7: {  	[sflag:s0] =	ssyncset.done $0x0  }
0xa8: {  	[sflag:s0] =	ssyncadd.s32 $0xFFFFE000  }
0xa9: {  	_ =	swait.ge [sflag:s0], $0x2000  }
0xaa: {  	[sflag:s0] =	ssyncset.done $0x0  }
0xab: {  	[sflag:s0] =	ssyncadd.s32 $0xFFFFE000  }
0xac: {  	[spmem:s3] =	stream.indirect.scatter.add.f32 [tilespmem:s23], [sflag:$0x4], $0x80, s31, s28, $0xb8;
	[tilespmem:$0x1C400] =	vst v63  }
0xad: {  	_ =	swait.ge [sflag:s8], $0x4000  }
0xae: {  	[sflag:s8] =	ssyncset.done $0x0  }
0xaf: {  	[sflag:s8] =	ssyncadd.s32 $0xFFFFC000  }
0xb0: {  	[tilespmem:s23], [sflag:$0x2] =	stream.indirect.gather [hbm4b:s1+s19], $0x80, s2, s19, $0xb8;
	[tilespmem:$0x1C400] =	vst v63  }
0xb1: {  	_ = 	snop  }
0xb2: {  	[tilespmem:s25], [sflag:$0x2] =	stream.indirect.gather [hbm4b:s1+s19], $0x80, s9, s19, $0xb8;
	[tilespmem:$0x1C400] =	vst v63  }
0xb3: {  	_ =	swait.ge [sflag:s26], $0x2000  }
0xb4: {  	[sflag:s26] =	ssyncset.done $0x0  }
0xb5: {  	[sflag:s26] =	ssyncadd.s32 $0xFFFFE000  }
0xb6: {  	_ =	swait.ge [sflag:s26], $0x2000  }
0xb7: {  	[sflag:s26] =	ssyncset.done $0x0  }
0xb8: {  	[sflag:s26] =	ssyncadd.s32 $0xFFFFE000  }
0xb9: {  	[spmem:s3] =	stream.indirect.scatter.add.f32 [tilespmem:s15], [sflag:$0x3], $0x80, s10, s28, $0xb8;
	[tilespmem:$0x1C400] =	vst v63  }
0xba: {  	_ =	swait.ge [sflag:s0], $0x2000  }
0xbb: {  	[sflag:s0] =	ssyncset.done $0x0  }
0xbc: {  	[sflag:s0] =	ssyncadd.s32 $0xFFFFE000  }
0xbd: {  	_ =	swait.ge [sflag:s0], $0x2000  }
0xbe: {  	[sflag:s0] =	ssyncset.done $0x0  }
0xbf: {  	s14 =	sadd.s32 $0x1, s14;
	[sflag:s0] =	ssyncadd.s32 $0xFFFFE000  }
0xc0: {  	[spmem:s3] =	stream.indirect.scatter.add.f32 [tilespmem:s23], [sflag:$0x4], $0x80, s11, s28, $0xb8;
	[tilespmem:$0x1C400] =	vst v63  }
0xc1: {  	p0 =	sne.s32 s14, $0xA;
	_ =	swait.ge [sflag:s29], $0x4000  }
.Ltmp2:
0xc2: {  	[sflag:s29] =	ssyncset.done $0x0;
	(pc) =	sbr.rel @p0 .LBB2_4-.Ltmp2, $4  }
0xc3: {  	[sflag:s29] =	ssyncadd.s32 $0xFFFFC000  }
0xc4: {  	_ =	swait.ge [sflag:s8], $0x4000  }
0xc5: {  	[sflag:s8] =	ssyncset.done $0x0  }
0xc6: {  	[sflag:s8] =	ssyncadd.s32 $0xFFFFC000  }
0xc7: {  	s4 =	stileid.u32;
	[bflag:$0x0] =	sbarrier.arrive $0xFFFF  }
0xc8: {  	s4 =	sshll.u32 s4, $0x6;
	s14 =	rddreg [dreg:$0x5]  }
0xc9: {  	s13 =	rddreg [dreg:$0xa];
	s4 =	sor.u32 $0x1C05, s4;
	s7 =	sshrl.u32 s14, $0x3  }
0xca: {  	[hbm:s13], [sflag:s4] =	dma.local [spmem:s7], $0x2780  }
0xcb: {  	_ =	swait.ge [sflag:s16], $0x2780  }
0xcc: {  	s7 =	rddreg [dreg:$0x4]  }
0xcd: {  	s20 =	rddreg [dreg:$0xb];
	s13 =	sadd.s32 $0x1, s7  }
0xce: {  	p0 =	sne.s32 s13, s20  }
.Ltmp3:
0xcf: {  	_ = 	snop;
	(pc) =	sbr.rel @p0 .LBB2_1-.Ltmp3, $3  }
0xd0: {  	_ =	sdelay $0x1  }
0xd1: {  	[sflag:s16] =	ssyncset.done $0x0  }
0xd2: {  	[sflag:s16] =	ssyncadd.s32 $0xFFFFD880  }
0xd3: {  	_ =	sfence.sel $0x180000  }
0xd4: {  	[bflag:$0x0] =	sbarrier.arrive $0xFFFF  }
0xd5: {  	_ =	strace $0x90000047  }
0xd6: {  	s0 =	stileid.u32;
	[bflag:$0x2] =	sbarrier.arrive $0xFFFF  }
0xd7: {  	p0 =	sne.s32 s0, $0x0;
	s0 =	rddreg [dreg:$0x3]  }
0xd8: {  	s0 =	sadd.s32 @!p0 $0x100000, s0  }
0xd9: {  	[sflag:s0] =	ssyncadd.tile.s32 @!p0 $0x1;
	_ =	shalt  }
.Lfunc_end2:
_tile_overlayer_lowered:
.L_overlay_start_2:
0xda: {  	(tag) =	ssettag $0x2  }
0xdb: {  	s0 =	rddreg [dreg:$0x0];
	s2 =	stileid.u32  }
0xdc: {  	s1 =	rddreg [dreg:$0x1];
	p0 =	sne.s32 s2, $0x0  }
0xdd: {  	s3 =	rddreg [dreg:$0x2];
	[bflag:$0x3] =	sbarrier.arrive $0xFFFF;
	s2 =	simm.s32 @!p0 $0x1C05  }
0xde: {  	[timem:s3], [sflag:s2] =	dma.local @!p0 [hbm:s0], s1  }
0xdf: {  	s0 =	simm.s32 @!p0 $0x5  }
0xe0: {  	_ =	swait.ge @!p0 [sflag:s0], s1  }
0xe1: {  	s1 =	ssub.s32 @!p0 $0x0, s1;
	[sflag:s0] =	ssyncset.done @!p0 $0x0  }
0xe2: {  	[sflag:s0] =	ssyncadd.s32 @!p0 s1  }
0xe3: {  	[bflag:$0x3] =	sbarrier.arrive $0xFFFF  }
0xe4: {  	_ =	shalt  }

// kernel: kernel.13.cloned.1.call-start
scs
__scs_entry_jumppad:
0x0: {  	(pc) =	sbr.rel $0x88, $3  }
0x1: {  	(tag) =	ssettag $0x0;
	lr =	simm.s32 $0x1  }
0x2: {  	[smem:$0x3F99] =	sst lr;
	_ =	strace $0xD0000000  }
0x3: {  	_ = 	snop  }
0x4: {  	_ = 	snop  }
0x5: {  	_ = 	snop  }
0x6: {  	_ = 	snop  }
0x7: {  	_ = 	snop  }
__scs_overlays_trampoline_lowered:
0x8: {  	[smem:$0x3FA8] =	sst s0  }
0x9: {  	[smem:$0x3FA9] =	sst s1  }
0xa: {  	[smem:$0x3FAA] =	sst s2  }
0xb: {  	[smem:$0x3FAB] =	sst s3  }
0xc: {  	[smem:$0x3FAC] =	sst s4  }
0xd: {  	[smem:$0x3FAD] =	sst s5  }
0xe: {  	[smem:$0x3FAE] =	sst s6  }
0xf: {  	[smem:$0x3FAF] =	sst s7  }
0x10: {  	[smem:$0x3FB0] =	sst s8  }
0x11: {  	[smem:$0x3FB1] =	sst s9;
	s0 =	simm.s32 @!p0 $0x0  }
0x12: {  	s1 =	sld [smem:$0x3F97];
	s0 =	simm.s32 @p0 $0x1  }
0x13: {  	[smem:$0x3FB2] =	sst s0;
	s0 =	simm.s32 @!p1 $0x0  }
0x14: {  	s2 =	sld [smem:$0x3F96];
	s0 =	simm.s32 @p1 $0x1  }
0x15: {  	[smem:$0x3FB3] =	sst s0;
	s0 =	simm.s32 @!p2 $0x0  }
0x16: {  	s3 =	sld [smem:$0x3FDB];
	s0 =	simm.s32 @p2 $0x1  }
0x17: {  	s4 =	simm.s32 $0x1BF5;
	[smem:$0x3FB5] =	sst s0  }
0x18: {  	s0 =	sld [smem:$0x3F98];
	_ =	swait.ge [sflag:s4], $0x0  }
0x19: {  	s7 =	sld [smem:$0x3F99]  }
0x1a: {  	s8 =	sadd.s32 $0xFFFFE003, lr  }
0x1b: {  	s9 =	sadd.s32 $0xFFFFFEF7, lr;
	s5 =	simm.s32 $0xFFFFFFFF;
	p2 =	slt.u32 s8, $0xFFFFF086  }
0x1c: {  	p1 =	slt.u32 s9, $0xF7A;
	s5 =	simm.s32 @!p2 $0x0  }
0x1d: {  	s5 =	simm.s32 @p1 $0x1;
	p0 =	seq.s32 s7, s2  }
0x1e: {  	s7 =	smul.u32 @!p0 $0xF7A, s2;
	p2 =	seq.s32 @!p0 s5, $0x0  }
0x1f: {  	s9 =	smul.u32 $0xF7A, s1;
	s8 =	simm.s32 @!p0 $0x1BF5;
	p2 =	por !p2, p0  }
0x20: {  	[sflag:s8] =	ssyncset.s32 @!p0 $0xFFFFF086;
	s6 =	sadd.s32 @!p0 s3, s7;
	s7 =	simm.s32 @!p0 $0x108  }
0x21: {  	s3 =	sadd.s32 s3, s9;
	s6 =	sadd.s32 @!p0 $0x88, s6;
	s7 =	simm.s32 @p2 $0x1082  }
0x22: {  	[simem:s7], [sflag:s8] =	dma.local @!p0 [hbm:s6], $0xF7A  }
0x23: {  	s9 =	sor.u32 $0xD0000000, s2;
	s6 =	simm.s32 $0x108;
	_ =	swait.ge @!p0 [sflag:s8], $0x0  }
0x24: {  	s3 =	sadd.s32 $0x88, s3;
	s6 =	simm.s32 @!p1 $0x1082;
	[sflag:s4] =	ssyncset.s32 $0xFFFFF086  }
0x25: {  	[simem:s6], [sflag:s4] =	dma.local [hbm:s3], $0xF7A  }
0x26: {  	[smem:$0x3F99] =	sst s1;
	(tag) =	ssettag s2;
	_ =	strace s9  }
0x27: {  	s1 =	sld [smem:$0x3FA9]  }
0x28: {  	s2 =	sld [smem:$0x3FAA]  }
0x29: {  	s4 =	sld [smem:$0x3FAC]  }
0x2a: {  	p0 =	seq.s32 s5, $0x0;
	s5 =	sld [smem:$0x3FAD]  }
0x2b: {  	s6 =	sld [smem:$0x3FAE]  }
0x2c: {  	s7 =	sld [smem:$0x3FAF]  }
0x2d: {  	s3 =	simm.s32 $0x108;
	s8 =	sld [smem:$0x3FB0]  }
0x2e: {  	s3 =	simm.s32 @!p0 $0x1082;
	s9 =	sld [smem:$0x3FB1]  }
0x2f: {  	lr =	sadd.s32 s0, s3;
	s0 =	sld [smem:$0x3FA8]  }
0x30: {  	s3 =	sld [smem:$0x3FAB]  }
0x31: {  	[smem:$0x3FB4] =	sst s10  }
0x32: {  	s10 =	sld [smem:$0x3FB2];
	_ =	sdelay $0x3  }
0x33: {  	p0 =	seq.s32 s10, $0x1;
	s10 =	sld [smem:$0x3FB4];
	_ =	sdelay $0x3  }
0x34: {  	[smem:$0x3FB4] =	sst s10  }
0x35: {  	s10 =	sld [smem:$0x3FB3];
	_ =	sdelay $0x3  }
0x36: {  	p1 =	seq.s32 s10, $0x1;
	s10 =	sld [smem:$0x3FB4];
	_ =	sdelay $0x3  }
0x37: {  	[smem:$0x3FB4] =	sst s10  }
0x38: {  	s10 =	sld [smem:$0x3FB5]  }
0x39: {  	_ = 	snop;
	(pc) =	sbr.ind lr, $3  }
0x3a: {  	_ = 	snop  }
0x3b: {  	_ = 	snop  }
0x3c: {  	p2 =	seq.s32 s10, $0x1;
	s10 =	sld [smem:$0x3FB4]  }
0x3d: {  	_ =	shalt  }
0x3e: {  	_ =	shalt  }
0x3f: {  	_ =	shalt  }
0x40: {  	_ =	shalt  }
0x41: {  	_ =	shalt  }
0x42: {  	_ =	shalt  }
0x43: {  	_ =	shalt  }
0x44: {  	_ =	shalt  }
0x45: {  	_ =	shalt  }
0x46: {  	_ =	shalt  }
0x47: {  	_ =	shalt  }
0x48: {  	_ =	shalt  }
0x49: {  	_ =	shalt  }
0x4a: {  	_ =	shalt  }
0x4b: {  	_ =	shalt  }
0x4c: {  	_ =	shalt  }
0x4d: {  	_ =	shalt  }
0x4e: {  	_ =	shalt  }
0x4f: {  	_ =	shalt  }
0x50: {  	_ =	shalt  }
0x51: {  	_ =	shalt  }
0x52: {  	_ =	shalt  }
0x53: {  	_ =	shalt  }
0x54: {  	_ =	shalt  }
0x55: {  	_ =	shalt  }
0x56: {  	_ =	shalt  }
0x57: {  	_ =	shalt  }
0x58: {  	_ =	shalt  }
0x59: {  	_ =	shalt  }
0x5a: {  	_ =	shalt  }
0x5b: {  	_ =	shalt  }
0x5c: {  	_ =	shalt  }
0x5d: {  	_ =	shalt  }
0x5e: {  	_ =	shalt  }
0x5f: {  	_ =	shalt  }
0x60: {  	_ =	shalt  }
0x61: {  	_ =	shalt  }
0x62: {  	_ =	shalt  }
0x63: {  	_ =	shalt  }
0x64: {  	_ =	shalt  }
0x65: {  	_ =	shalt  }
0x66: {  	_ =	shalt  }
0x67: {  	_ =	shalt  }
0x68: {  	_ =	shalt  }
0x69: {  	_ =	shalt  }
0x6a: {  	_ =	shalt  }
0x6b: {  	_ =	shalt  }
0x6c: {  	_ =	shalt  }
0x6d: {  	_ =	shalt  }
0x6e: {  	_ =	shalt  }
0x6f: {  	_ =	shalt  }
0x70: {  	_ =	shalt  }
0x71: {  	_ =	shalt  }
0x72: {  	_ =	shalt  }
0x73: {  	_ =	shalt  }
0x74: {  	_ =	shalt  }
0x75: {  	_ =	shalt  }
0x76: {  	_ =	shalt  }
0x77: {  	_ =	shalt  }
0x78: {  	_ =	shalt  }
0x79: {  	_ =	shalt  }
0x7a: {  	_ =	shalt  }
0x7b: {  	_ =	shalt  }
0x7c: {  	_ =	shalt  }
0x7d: {  	_ =	shalt  }
0x7e: {  	_ =	shalt  }
0x7f: {  	_ =	shalt  }
0x80: {  	_ =	shalt  }
0x81: {  	_ =	shalt  }
0x82: {  	_ =	shalt  }
0x83: {  	_ =	shalt  }
0x84: {  	_ =	shalt  }
0x85: {  	_ =	shalt  }
0x86: {  	_ =	shalt  }
0x87: {  	_ =	shalt  }
.Lfunc_end0:
.L_simem_size_0:
called_computation.2_lowered:
.L_overlay_start_0:
0x88: {  	s2 =	sld [smem:$0x3FD9]  }
0x89: {  	s3 =	sld [smem:$0x3FFE];
	_ =	sdelay $0x1  }
0x8a: {  	s1 =	srdreg.scid  }
0x8b: {  	s0 =	sand.u32 $0x1, s1  }
0x8c: {  	s17 =	sshll.u32 s0, $0xA;
	s2 =	sadd.s32 s3, s2  }
0x8d: {  	s2 =	sadd.s32 s2, s17  }
0x8e: {  	[smem:$0x3FC0] =	sst s2  }
0x8f: {  	_ = 	snop  }
0x90: {  	s2 =	sld [smem:$0x3FD0];
	(tm) =	ssettm $0x1  }
0x91: {  	s18 =	sld [smem:$0x3FFB];
	_ =	sdelay $0x3  }
0x92: {  	_ =	strace s18  }
0x93: {  	s3 =	sld [smem:$0x3FFC];
	_ =	sdelay $0x3  }
0x94: {  	_ =	strace s3  }
0x95: {  	s3 =	sld [smem:$0x3FFD];
	_ =	sdelay $0x3  }
0x96: {  	_ =	strace s3  }
0x97: {  	_ =	strace $0x8FFFFFFF  }
0x98: {  	s19 =	sld [smem:$0x3FDB];
	_ =	sdelay $0x1  }
0x99: {  	s4 =	simm.s32 $_scs_section_size  }
0x9a: {  	s5 =	simm.s32 $_size__tile_overlayer_lowered;
	s6 =	simm.s32 $_tile_overlayer_lowered  }
0x9b: {  	s22 =	simm.s32 $0x1BFF;
	s21 =	sshll.u32 s6, $0x1;
	s3 =	sadd.s32 s4, s19  }
0x9c: {  	s7 =	simm.s32 $0x0;
	s20 =	sshll.u32 s5, $0x1;
	s5 =	sadd.s32 s21, s3  }
0x9d: {  	[timem:s7], [sflag:s22] =	dma.local [hbm:s5], s20  }
0x9e: {  	_ =	swait.ge [sflag:s22], s20  }
0x9f: {  	s4 =	ssub.s32 $0x0, s20;
	[sflag:s22] =	ssyncset.done $0x0  }
0xa0: {  	[sflag:s22] =	ssyncadd.s32 s4;
	_ =	sdelay $0x1  }
0xa1: {  	s23 =	simm.s32 $0x1B8B  }
0xa2: {  	_ =	swait.ge [sflag:s23], $0x1  }
0xa3: {  	[sflag:s23] =	ssyncset.done $0x0  }
0xa4: {  	s25 =	simm.s32 $0x1B8E;
	s24 =	sld [smem:$0x3FFE];
	[sflag:s23] =	ssyncadd.s32 $0xFFFFFFFF  }
0xa5: {  	s26 =	simm.s32 $execute0_lowered;
	[smem:$0x3FD2] =	sst s25  }
0xa6: {  	s5 =	sshll.u32 s26, $0x1;
	_ =	strace $0x8000004C;
	[dreg:$0x1] =	wrdreg $0xFFFFFFFF  }
0xa7: {  	s28 =	simm.s32 $_size_execute0_lowered;
	s3 =	sadd.s32 s3, s5;
	[dreg:$0x0] =	wrdreg $0x0  }
0xa8: {  	s5 =	sshll.u32 s28, $0x1;
	[dreg:$0x2] =	wrdreg s3  }
0xa9: {  	[dreg:$0x3] =	wrdreg s5  }
0xaa: {  	[dreg:$0x4] =	wrdreg $0xC0  }
0xab: {  	_ =	task [dreg:s7], $0x5FFFF  }
0xac: {  	[dreg:$0x1] =	wrdreg $0xFFFFFFFF  }
0xad: {  	[dreg:$0x0] =	wrdreg $0x60  }
0xae: {  	[dreg:$0x2] =	wrdreg s2  }
0xaf: {  	[dreg:$0x3] =	wrdreg s24  }
0xb0: {  	[dreg:$0x4] =	wrdreg $0x0  }
0xb1: {  	[dreg:$0x5] =	wrdreg $0x9  }
0xb2: {  	_ =	task.clear_ibuf [dreg:s7], $0x6FFFF;
	_ =	strace $0x9000004C  }
0xb3: {  	s29 =	simm.s32 $0x9;
	_ =	strace $0x8000004E  }
0xb4: {  	_ =	swait.ge [sflag:s29], $0x1  }
0xb5: {  	[sflag:s29] =	ssyncadd.s32 $0xFFFFFFFF  }
0xb6: {  	_ =	strace $0x9000004E  }
0xb7: {  	_ =	sfence  }
0xb8: {  	s30 =	sld [smem:$0x0];
	_ =	sdelay $0x2  }
0xb9: {  	s31 =	sshll.u32 s1, $0xD;
	s1 =	sshrl.u32 s1, $0x2  }
0xba: {  	s3 =	sand.u32 $0x4000, s31;
	s1 =	sadd.s32 s1, s30  }
0xbb: {  	s0 =	sor.u32 s3, s0;
	s1 =	sshll.u32 s1, $0x11  }
0xbc: {  	s0 =	sor.u32 s1, s0  }
0xbd: {  	s0 =	sadd.s32 $0x8F2B, s0  }
0xbe: {  	[sflag:s0] =	ssyncadd.remote.s32 $0x1  }
0xbf: {  	_ =	sfence.sel $0xFFFF  }
0xc0: {  	[dreg:$0x0] =	wrdreg $0xFFFFFFFF;
	(pc) =	sbr.abs _section_cstart, $3  }
0xc1: {  	[dreg:$0x1] =	wrdreg $0xFFFFFFFF  }
0xc2: {  	_ =	task.clear_ibuf [dreg:s7], $0x2FFFF;
	_ =	strace $0x9FFFFFFF  }
0xc3: {  	(tm) =	ssettm $0x7FFFFFFF  }
tec
execute0_lowered:
.L_overlay_start_1:
0x0: {  	(tag) =	ssettag $0x1  }
0x1: {  	s1 =	rddreg [dreg:$0x0]  }
0x2: {  	s0 =	rddreg [dreg:$0x1]  }
0x3: {  	s3 =	rddreg [dreg:$0x2]  }
0x4: {  	s2 =	srdreg.scid;
	s10 =	stileid.u32  }
0x5: {  	s13 =	simm.s32 $0x0;
	s15 =	simm.s32 $0x14400;
	s16 =	simm.s32 $0x5  }
0x6: {  	s17 =	simm.s32 $0x13C00;
	s18 =	simm.s32 $0x14000;
	s28 =	simm.s32 $0x80  }
0x7: {  	s29 =	simm.s32 $0x3;
	s30 =	simm.s32 $0x13F40;
	s19 =	smul.u32 $0x2780, s10  }
0x8: {  	s31 =	simm.s32 $0x14280;
	s11 =	simm.s32 $0x14380;
	s8 =	smul.u32 $0x4F000, s10  }
0x9: {  	s4 =	sand.u32 $0x1, s2;
	[smem:$0x7FF] =	sst s13;
	s12 =	smul.u32 $0xA, s10  }
0xa: {  	s5 =	sadd.s32 $0xC000, s0;
	s6 =	sadd.s32 $0x7000, s0;
	s7 =	smul.u32 $0x27800, s4  }
0xb: {  	s10 =	simm.s32 $0x14300;
	_ =	strace $0x8000004D;
	s9 =	ssub.s32 $0x2, s4  }
0xc: {  	s20 =	sshrl.u32 s9, $0x1;
	s8 =	sshrl.u32 s8, $0x2;
	s2 =	sadd.s32 s19, s7  }
0xd: {  	s21 =	ssub.s32 s9, s20;
	s14 =	sadd.s32 s8, s3;
	s19 =	simm.s32 $0x40  }
0xe: {  	s8 =	simm.s32 $0x4;
	s22 =	sadd.s32 $0x4000, s14;
	[dreg:$0x5] =	wrdreg s14  }
0xf: {  	s9 =	simm.s32 $0x13FC0;
	s23 =	sadd.s32 $0x8000, s14;
	[dreg:$0x6] =	wrdreg s22  }
0x10: {  	s0 =	sadd.s32 s2, s0;
	s24 =	sadd.s32 $0xC000, s14;
	[dreg:$0x7] =	wrdreg s23  }
0x11: {  	s25 =	sadd.s32 $0x10000, s14;
	s26 =	smax.u32 s21, $0x1;
	[dreg:$0x8] =	wrdreg s24  }
0x12: {  	s21 =	simm.s32 $0x16400;
	s2 =	simm.s32 $0x13F80;
	[dreg:$0x9] =	wrdreg s25  }
0x13: {  	s0 =	sadd.s32 $0x11000, s0;
	[dreg:$0xb] =	wrdreg s26;
	s23 =	simm.s32 $0x18400  }
0x14: {  	s25 =	simm.s32 $0x1A400;
	s26 =	simm.s32 $0x1;
	s22 =	simm.s32 $0x14200  }
0x15: {  	v1 =	vimm.f32 $0.0e+00;
	v0 =	vmov s4;
	s24 =	simm.s32 $0x13F00;
	[dreg:$0xa] =	wrdreg s0;
	s0 =	simm.s32 $0x2  }
.LBB2_1:
0x16: {  	[dreg:$0x4] =	wrdreg s13;
	s4 =	simm.s32 $0x0;
	s7 =	simm.s32 $0x200  }
.LBB2_2:
0x17: {  	p0 =	sne.s32 s7, $0xFE00;
	[tilespmem:s4+$0x14470] =	vst v1  }
0x18: {  	[tilespmem:s4+$0x14400] =	vst v1  }
0x19: {  	[tilespmem:s4+$0x14410] =	vst v1  }
.Ltmp0:
0x1a: {  	[tilespmem:s4+$0x14420] =	vst v1;
	(pc) =	sbr.rel @p0 .LBB2_2-.Ltmp0, $4  }
0x1b: {  	[tilespmem:s4+$0x14430] =	vst v1  }
0x1c: {  	[tilespmem:s4+$0x14440] =	vst v1  }
0x1d: {  	[tilespmem:s4+$0x14450] =	vst v1  }
0x1e: {  	[tilespmem:s4+$0x14460] =	vst v1;
	s4 =	sshra.s32 s7, $0x2;
	s7 =	sadd.s32 $0x200, s7  }
0x1f: {  	[tilespmem:s4+$0x14470] =	vst v1  }
0x20: {  	[tilespmem:s4+$0x14400] =	vst v1  }
0x21: {  	[tilespmem:s4+$0x14410] =	vst v1  }
0x22: {  	[tilespmem:s4+$0x14420] =	vst v1  }
0x23: {  	[tilespmem:s4+$0x14430] =	vst v1  }
0x24: {  	[tilespmem:s4+$0x14440] =	vst v1  }
0x25: {  	[tilespmem:s4+$0x14450] =	vst v1  }
0x26: {  	[tilespmem:s4+$0x14460] =	vst v1  }
0x27: {  	[spmem:s14] =	stream.linear.scatter [tilespmem:s15], [sflag:$0x5], $0x4000, $0x38;
	[tilespmem:$0x1C400] =	vst v63  }
0x28: {  	_ =	swait.ge [sflag:s16], $0x4000  }
0x29: {  	[sflag:s16] =	ssyncset.done $0x0  }
0x2a: {  	s7 =	rddreg [dreg:$0x6];
	[sflag:s16] =	ssyncadd.s32 $0xFFFFC000  }
0x2b: {  	[spmem:s7] =	stream.linear.scatter [tilespmem:s15], [sflag:$0x5], $0x4000, $0x38;
	[tilespmem:$0x1C400] =	vst v63  }
0x2c: {  	_ =	swait.ge [sflag:s16], $0x4000  }
0x2d: {  	[sflag:s16] =	ssyncset.done $0x0  }
0x2e: {  	s13 =	rddreg [dreg:$0x7];
	[sflag:s16] =	ssyncadd.s32 $0xFFFFC000  }
0x2f: {  	[spmem:s13] =	stream.linear.scatter [tilespmem:s15], [sflag:$0x5], $0x4000, $0x38;
	[tilespmem:$0x1C400] =	vst v63  }
0x30: {  	_ =	swait.ge [sflag:s16], $0x4000  }
0x31: {  	[sflag:s16] =	ssyncset.done $0x0  }
0x32: {  	s14 =	rddreg [dreg:$0x8];
	[sflag:s16] =	ssyncadd.s32 $0xFFFFC000  }
0x33: {  	[spmem:s14] =	stream.linear.scatter [tilespmem:s15], [sflag:$0x5], $0x4000, $0x38;
	[tilespmem:$0x1C400] =	vst v63  }
0x34: {  	_ =	swait.ge [sflag:s16], $0x4000  }
0x35: {  	[sflag:s16] =	ssyncset.done $0x0  }
0x36: {  	s20 =	rddreg [dreg:$0x9];
	[sflag:s16] =	ssyncadd.s32 $0xFFFFC000  }
0x37: {  	[spmem:s20] =	stream.linear.scatter [tilespmem:s15], [sflag:$0x5], $0x3C00, $0x38;
	[tilespmem:$0x1C400] =	vst v63  }
0x38: {  	_ =	swait.ge [sflag:s16], $0x3C00  }
0x39: {  	[sflag:s16] =	ssyncset.done $0x0  }
0x3a: {  	[sflag:s16] =	ssyncadd.s32 $0xFFFFC400  }
0x3b: {  	s13 =	simm.s32 $0x0;
	s14 =	simm.s32 $0x0;
	[bflag:$0x0] =	sbarrier.arrive $0xFFFF  }
.LBB2_4:
0x3c: {  	s4 =	sadd.s32 s12, s14  }
0x3d: {  	s4 =	sshll.u32 s4, $0x7  }
0x3e: {  	s7 =	sadd.s32 s5, s4  }
0x3f: {  	[tilespmem:s17], [sflag:$0x5] =	stream.linear.gather [hbm4b:s7+s13], $0x400, $0x38;
	[tilespmem:$0x1C400] =	vst v63  }
0x40: {  	_ =	swait.ge [sflag:s16], $0x400  }
0x41: {  	[sflag:s16] =	ssyncset.done $0x0  }
0x42: {  	s4 =	sadd.s32 s6, s4;
	[sflag:s16] =	ssyncadd.s32 $0xFFFFFC00  }
0x43: {  	[tilespmem:s18], [sflag:$0x5] =	stream.linear.gather [hbm4b:s4+s13], $0x400, $0x38;
	[tilespmem:$0x1C400] =	vst v63  }
0x44: {  	_ =	swait.ge [sflag:s16], $0x400  }
0x45: {  	[sflag:s16] =	ssyncset.done $0x0  }
0x46: {  	s7 =	simm.s32 $0x0;
	[sflag:s16] =	ssyncadd.s32 $0xFFFFFC00  }
0x47: {  	v3 =	vld [tilespmem:s7+$0x13C00]  }
0x48: {  	v4 =	vld [tilespmem:s7+$0x13C10]  }
0x49: {  	v6 =	vld [tilespmem:s7+$0x13C20]  }
0x4a: {  	v5 =	vld [tilespmem:s7+$0x13C30]  }
0x4b: {  	v2 =	vld [tilespmem:s7+$0x13C40]  }
0x4c: {  	v7 =	vshll.u32 v3, $0x1;
	v3 =	vld [tilespmem:s7+$0x13C50]  }
0x4d: {  	s4 =	simm.s32 $0x200;
	v8 =	vshll.u32 v4, $0x1;
	v4 =	vld [tilespmem:s7+$0x13C60];
	v7 =	vor.u32 v0, v7  }
.LBB2_5:
0x4e: {  	s20 =	sshra.s32 s4, $0x2;
	p0 =	sne.s32 s4, $0xE00;
	[tilespmem:s7+$0x13C00] =	vst v7;
	v7 =	vor.u32 v0, v8;
	v6 =	vshll.u32 v6, $0x1;
	v8 =	vld [tilespmem:s7+$0x13C70]  }
0x4f: {  	v9 =	vld [tilespmem:s20+$0x13C00];
	[tilespmem:s7+$0x13C10] =	vst v7;
	v6 =	vor.u32 v0, v6;
	v5 =	vshll.u32 v5, $0x1  }
0x50: {  	v10 =	vld [tilespmem:s20+$0x13C10];
	[tilespmem:s7+$0x13C20] =	vst v6;
	v5 =	vor.u32 v0, v5;
	v2 =	vshll.u32 v2, $0x1  }
.Ltmp1:
0x51: {  	v6 =	vld [tilespmem:s20+$0x13C20];
	[tilespmem:s7+$0x13C30] =	vst v5;
	v2 =	vor.u32 v0, v2;
	v3 =	vshll.u32 v3, $0x1;
	(pc) =	sbr.rel @p0 .LBB2_5-.Ltmp1, $4  }
0x52: {  	v5 =	vld [tilespmem:s20+$0x13C30];
	[tilespmem:s7+$0x13C40] =	vst v2;
	v3 =	vor.u32 v0, v3;
	v4 =	vshll.u32 v4, $0x1  }
0x53: {  	v2 =	vld [tilespmem:s20+$0x13C40];
	[tilespmem:s7+$0x13C50] =	vst v3;
	v4 =	vor.u32 v0, v4;
	v7 =	vshll.u32 v8, $0x1  }
0x54: {  	v8 =	vshll.u32 v9, $0x1;
	v3 =	vld [tilespmem:s20+$0x13C50];
	[tilespmem:s7+$0x13C60] =	vst v4;
	v9 =	vor.u32 v0, v7  }
0x55: {  	s4 =	sadd.s32 $0x200, s4;
	v7 =	vor.u32 v0, v8;
	v8 =	vshll.u32 v10, $0x1;
	v4 =	vld [tilespmem:s20+$0x13C60];
	[tilespmem:s7+$0x13C70] =	vst v9;
	s7 =	smov.u32 s20  }
0x56: {  	[tilespmem:s7+$0x13C00] =	vst v7;
	v62 =	vor.u32 v0, v8;
	v6 =	vshll.u32 v6, $0x1;
	v63 =	vld [tilespmem:s7+$0x13C70]  }
0x57: {  	[tilespmem:s7+$0x13C10] =	vst v62;
	v6 =	vor.u32 v0, v6;
	v5 =	vshll.u32 v5, $0x1  }
0x58: {  	[tilespmem:s7+$0x13C20] =	vst v6;
	v5 =	vor.u32 v0, v5;
	v2 =	vshll.u32 v2, $0x1  }
0x59: {  	[tilespmem:s7+$0x13C30] =	vst v5;
	v2 =	vor.u32 v0, v2;
	v3 =	vshll.u32 v3, $0x1  }
0x5a: {  	[tilespmem:s7+$0x13C40] =	vst v2;
	v2 =	vor.u32 v0, v3;
	v3 =	vshll.u32 v4, $0x1  }
0x5b: {  	[tilespmem:s7+$0x13C50] =	vst v2;
	v2 =	vor.u32 v0, v3;
	v3 =	vshll.u32 v63, $0x1  }
0x5c: {  	[tilespmem:s7+$0x13C60] =	vst v2;
	v2 =	vor.u32 v0, v3  }
0x5d: {  	[tilespmem:s7+$0x13C70] =	vst v2  }
0x5e: {  	[tilespmem:s15], [sflag:$0x1] =	stream.indirect.gather [hbm4b:s1+s19], $0x80, s17, s19, $0xb8;
	[tilespmem:$0x1C400] =	vst v63  }
0x5f: {  	s4 =	simm.s32 $0x13C40  }
0x60: {  	[tilespmem:s21], [sflag:$0x1] =	stream.indirect.gather [hbm4b:s1+s19], $0x80, s4, s19, $0xb8;
	[tilespmem:$0x1C400] =	vst v63  }
0x61: {  	s20 =	simm.s32 $0x13C80  }
0x62: {  	[tilespmem:s23], [sflag:$0x2] =	stream.indirect.gather [hbm4b:s1+s19], $0x80, s20, s19, $0xb8;
	[tilespmem:$0x1C400] =	vst v63  }
0x63: {  	s7 =	simm.s32 $0x13CC0  }
0x64: {  	[tilespmem:s25], [sflag:$0x2] =	stream.indirect.gather [hbm4b:s1+s19], $0x80, s7, s19, $0xb8;
	[tilespmem:$0x1C400] =	vst v63  }
0x65: {  	_ =	swait.ge [sflag:s26], $0x2000  }
0x66: {  	[sflag:s26] =	ssyncset.done $0x0  }
0x67: {  	[sflag:s26] =	ssyncadd.s32 $0xFFFFE000  }
0x68: {  	_ =	swait.ge [sflag:s26], $0x2000  }
0x69: {  	[sflag:s26] =	ssyncset.done $0x0  }
0x6a: {  	[sflag:s26] =	ssyncadd.s32 $0xFFFFE000  }
0x6b: {  	[spmem:s3] =	stream.indirect.scatter.add.f32 [tilespmem:s15], [sflag:$0x3], $0x80, s18, s28, $0xb8;
	[tilespmem:$0x1C400] =	vst v63  }
0x6c: {  	_ =	swait.ge [sflag:s29], $0x4000  }
0x6d: {  	[sflag:s29] =	ssyncset.done $0x0  }
0x6e: {  	s20 =	simm.s32 $0x13D00;
	[sflag:s29] =	ssyncadd.s32 $0xFFFFC000  }
0x6f: {  	[tilespmem:s15], [sflag:$0x1] =	stream.indirect.gather [hbm4b:s1+s19], $0x80, s20, s19, $0xb8;
	[tilespmem:$0x1C400] =	vst v63  }
0x70: {  	s7 =	simm.s32 $0x13D40  }
0x71: {  	[tilespmem:s21], [sflag:$0x1] =	stream.indirect.gather [hbm4b:s1+s19], $0x80, s7, s19, $0xb8;
	[tilespmem:$0x1C400] =	vst v63  }
0x72: {  	_ =	swait.ge [sflag:s0], $0x2000  }
0x73: {  	[sflag:s0] =	ssyncset.done $0x0  }
0x74: {  	[sflag:s0] =	ssyncadd.s32 $0xFFFFE000  }
0x75: {  	_ =	swait.ge [sflag:s0], $0x2000  }
0x76: {  	[sflag:s0] =	ssyncset.done $0x0  }
0x77: {  	s20 =	simm.s32 $0x14080;
	[sflag:s0] =	ssyncadd.s32 $0xFFFFE000  }
0x78: {  	[spmem:s3] =	stream.indirect.scatter.add.f32 [tilespmem:s23], [sflag:$0x4], $0x80, s20, s28, $0xb8;
	[tilespmem:$0x1C400] =	vst v63  }
0x79: {  	_ =	swait.ge [sflag:s8], $0x4000  }
0x7a: {  	[sflag:s8] =	ssyncset.done $0x0  }
0x7b: {  	s7 =	simm.s32 $0x13D80;
	[sflag:s8] =	ssyncadd.s32 $0xFFFFC000  }
0x7c: {  	[tilespmem:s23], [sflag:$0x2] =	stream.indirect.gather [hbm4b:s1+s19], $0x80, s7, s19, $0xb8;
	[tilespmem:$0x1C400] =	vst v63  }
0x7d: {  	s20 =	simm.s32 $0x13DC0  }
0x7e: {  	[tilespmem:s25], [sflag:$0x2] =	stream.indirect.gather [hbm4b:s1+s19], $0x80, s20, s19, $0xb8;
	[tilespmem:$0x1C400] =	vst v63  }
0x7f: {  	_ =	swait.ge [sflag:s26], $0x2000  }
0x80: {  	[sflag:s26] =	ssyncset.done $0x0  }
0x81: {  	[sflag:s26] =	ssyncadd.s32 $0xFFFFE000  }
0x82: {  	_ =	swait.ge [sflag:s26], $0x2000  }
0x83: {  	[sflag:s26] =	ssyncset.done $0x0  }
0x84: {  	s7 =	simm.s32 $0x14100;
	[sflag:s26] =	ssyncadd.s32 $0xFFFFE000  }
0x85: {  	[spmem:s3] =	stream.indirect.scatter.add.f32 [tilespmem:s15], [sflag:$0x3], $0x80, s7, s28, $0xb8;
	[tilespmem:$0x1C400] =	vst v63  }
0x86: {  	_ =	swait.ge [sflag:s29], $0x4000  }
0x87: {  	[sflag:s29] =	ssyncset.done $0x0  }
0x88: {  	s20 =	simm.s32 $0x13E00;
	[sflag:s29] =	ssyncadd.s32 $0xFFFFC000  }
0x89: {  	[tilespmem:s15], [sflag:$0x1] =	stream.indirect.gather [hbm4b:s1+s19], $0x80, s20, s19, $0xb8;
	[tilespmem:$0x1C400] =	vst v63  }
0x8a: {  	s7 =	simm.s32 $0x13E40  }
0x8b: {  	[tilespmem:s21], [sflag:$0x1] =	stream.indirect.gather [hbm4b:s1+s19], $0x80, s7, s19, $0xb8;
	[tilespmem:$0x1C400] =	vst v63  }
0x8c: {  	_ =	swait.ge [sflag:s0], $0x2000  }
0x8d: {  	[sflag:s0] =	ssyncset.done $0x0  }
0x8e: {  	[sflag:s0] =	ssyncadd.s32 $0xFFFFE000  }
0x8f: {  	_ =	swait.ge [sflag:s0], $0x2000  }
0x90: {  	[sflag:s0] =	ssyncset.done $0x0  }
0x91: {  	s20 =	simm.s32 $0x14180;
	[sflag:s0] =	ssyncadd.s32 $0xFFFFE000  }
0x92: {  	[spmem:s3] =	stream.indirect.scatter.add.f32 [tilespmem:s23], [sflag:$0x4], $0x80, s20, s28, $0xb8;
	[tilespmem:$0x1C400] =	vst v63  }
0x93: {  	_ =	swait.ge [sflag:s8], $0x4000  }
0x94: {  	[sflag:s8] =	ssyncset.done $0x0  }
0x95: {  	s7 =	simm.s32 $0x13E80;
	[sflag:s8] =	ssyncadd.s32 $0xFFFFC000  }
0x96: {  	[tilespmem:s23], [sflag:$0x2] =	stream.indirect.gather [hbm4b:s1+s19], $0x80, s7, s19, $0xb8;
	[tilespmem:$0x1C400] =	vst v63  }
0x97: {  	s20 =	simm.s32 $0x13EC0  }
0x98: {  	[tilespmem:s25], [sflag:$0x2] =	stream.indirect.gather [hbm4b:s1+s19], $0x80, s20, s19, $0xb8;
	[tilespmem:$0x1C400] =	vst v63  }
0x99: {  	_ =	swait.ge [sflag:s26], $0x2000  }
0x9a: {  	[sflag:s26] =	ssyncset.done $0x0  }
0x9b: {  	[sflag:s26] =	ssyncadd.s32 $0xFFFFE000  }
0x9c: {  	_ =	swait.ge [sflag:s26], $0x2000  }
0x9d: {  	[sflag:s26] =	ssyncset.done $0x0  }
0x9e: {  	[sflag:s26] =	ssyncadd.s32 $0xFFFFE000  }
0x9f: {  	[spmem:s3] =	stream.indirect.scatter.add.f32 [tilespmem:s15], [sflag:$0x3], $0x80, s22, s28, $0xb8;
	[tilespmem:$0x1C400] =	vst v63  }
0xa0: {  	_ =	swait.ge [sflag:s29], $0x4000  }
0xa1: {  	[sflag:s29] =	ssyncset.done $0x0  }
0xa2: {  	[sflag:s29] =	ssyncadd.s32 $0xFFFFC000  }
0xa3: {  	[tilespmem:s15], [sflag:$0x1] =	stream.indirect.gather [hbm4b:s1+s19], $0x80, s24, s19, $0xb8;
	[tilespmem:$0x1C400] =	vst v63  }
0xa4: {  	_ = 	snop  }
0xa5: {  	[tilespmem:s21], [sflag:$0x1] =	stream.indirect.gather [hbm4b:s1+s19], $0x80, s30, s19, $0xb8;
	[tilespmem:$0x1C400] =	vst v63  }
0xa6: {  	_ =	swait.ge [sflag:s0], $0x2000  }
0xa7: {  	[sflag:s0] =	ssyncset.done $0x0  }
0xa8: {  	[sflag:s0] =	ssyncadd.s32 $0xFFFFE000  }
0xa9: {  	_ =	swait.ge [sflag:s0], $0x2000  }
0xaa: {  	[sflag:s0] =	ssyncset.done $0x0  }
0xab: {  	[sflag:s0] =	ssyncadd.s32 $0xFFFFE000  }
0xac: {  	[spmem:s3] =	stream.indirect.scatter.add.f32 [tilespmem:s23], [sflag:$0x4], $0x80, s31, s28, $0xb8;
	[tilespmem:$0x1C400] =	vst v63  }
0xad: {  	_ =	swait.ge [sflag:s8], $0x4000  }
0xae: {  	[sflag:s8] =	ssyncset.done $0x0  }
0xaf: {  	[sflag:s8] =	ssyncadd.s32 $0xFFFFC000  }
0xb0: {  	[tilespmem:s23], [sflag:$0x2] =	stream.indirect.gather [hbm4b:s1+s19], $0x80, s2, s19, $0xb8;
	[tilespmem:$0x1C400] =	vst v63  }
0xb1: {  	_ = 	snop  }
0xb2: {  	[tilespmem:s25], [sflag:$0x2] =	stream.indirect.gather [hbm4b:s1+s19], $0x80, s9, s19, $0xb8;
	[tilespmem:$0x1C400] =	vst v63  }
0xb3: {  	_ =	swait.ge [sflag:s26], $0x2000  }
0xb4: {  	[sflag:s26] =	ssyncset.done $0x0  }
0xb5: {  	[sflag:s26] =	ssyncadd.s32 $0xFFFFE000  }
0xb6: {  	_ =	swait.ge [sflag:s26], $0x2000  }
0xb7: {  	[sflag:s26] =	ssyncset.done $0x0  }
0xb8: {  	[sflag:s26] =	ssyncadd.s32 $0xFFFFE000  }
0xb9: {  	[spmem:s3] =	stream.indirect.scatter.add.f32 [tilespmem:s15], [sflag:$0x3], $0x80, s10, s28, $0xb8;
	[tilespmem:$0x1C400] =	vst v63  }
0xba: {  	_ =	swait.ge [sflag:s0], $0x2000  }
0xbb: {  	[sflag:s0] =	ssyncset.done $0x0  }
0xbc: {  	[sflag:s0] =	ssyncadd.s32 $0xFFFFE000  }
0xbd: {  	_ =	swait.ge [sflag:s0], $0x2000  }
0xbe: {  	[sflag:s0] =	ssyncset.done $0x0  }
0xbf: {  	s14 =	sadd.s32 $0x1, s14;
	[sflag:s0] =	ssyncadd.s32 $0xFFFFE000  }
0xc0: {  	[spmem:s3] =	stream.indirect.scatter.add.f32 [tilespmem:s23], [sflag:$0x4], $0x80, s11, s28, $0xb8;
	[tilespmem:$0x1C400] =	vst v63  }
0xc1: {  	p0 =	sne.s32 s14, $0xA;
	_ =	swait.ge [sflag:s29], $0x4000  }
.Ltmp2:
0xc2: {  	[sflag:s29] =	ssyncset.done $0x0;
	(pc) =	sbr.rel @p0 .LBB2_4-.Ltmp2, $4  }
0xc3: {  	[sflag:s29] =	ssyncadd.s32 $0xFFFFC000  }
0xc4: {  	_ =	swait.ge [sflag:s8], $0x4000  }
0xc5: {  	[sflag:s8] =	ssyncset.done $0x0  }
0xc6: {  	[sflag:s8] =	ssyncadd.s32 $0xFFFFC000  }
0xc7: {  	s4 =	stileid.u32;
	[bflag:$0x0] =	sbarrier.arrive $0xFFFF  }
0xc8: {  	s4 =	sshll.u32 s4, $0x6;
	s14 =	rddreg [dreg:$0x5]  }
0xc9: {  	s13 =	rddreg [dreg:$0xa];
	s4 =	sor.u32 $0x1C05, s4;
	s7 =	sshrl.u32 s14, $0x3  }
0xca: {  	[hbm:s13], [sflag:s4] =	dma.local [spmem:s7], $0x2780  }
0xcb: {  	_ =	swait.ge [sflag:s16], $0x2780  }
0xcc: {  	s7 =	rddreg [dreg:$0x4]  }
0xcd: {  	s20 =	rddreg [dreg:$0xb];
	s13 =	sadd.s32 $0x1, s7  }
0xce: {  	p0 =	sne.s32 s13, s20  }
.Ltmp3:
0xcf: {  	_ = 	snop;
	(pc) =	sbr.rel @p0 .LBB2_1-.Ltmp3, $3  }
0xd0: {  	_ =	sdelay $0x1  }
0xd1: {  	[sflag:s16] =	ssyncset.done $0x0  }
0xd2: {  	[sflag:s16] =	ssyncadd.s32 $0xFFFFD880  }
0xd3: {  	_ =	sfence.sel $0x180000  }
0xd4: {  	[bflag:$0x0] =	sbarrier.arrive $0xFFFF  }
0xd5: {  	_ =	strace $0x9000004D  }
0xd6: {  	s0 =	stileid.u32;
	[bflag:$0x2] =	sbarrier.arrive $0xFFFF  }
0xd7: {  	p0 =	sne.s32 s0, $0x0;
	s0 =	rddreg [dreg:$0x3]  }
0xd8: {  	s0 =	sadd.s32 @!p0 $0x100000, s0  }
0xd9: {  	[sflag:s0] =	ssyncadd.tile.s32 @!p0 $0x1;
	_ =	shalt  }
.Lfunc_end2:
_tile_overlayer_lowered:
.L_overlay_start_2:
0xda: {  	(tag) =	ssettag $0x2  }
0xdb: {  	s0 =	rddreg [dreg:$0x0];
	s2 =	stileid.u32  }
0xdc: {  	s1 =	rddreg [dreg:$0x1];
	p0 =	sne.s32 s2, $0x0  }
0xdd: {  	s3 =	rddreg [dreg:$0x2];
	[bflag:$0x3] =	sbarrier.arrive $0xFFFF;
	s2 =	simm.s32 @!p0 $0x1C05  }
0xde: {  	[timem:s3], [sflag:s2] =	dma.local @!p0 [hbm:s0], s1  }
0xdf: {  	s0 =	simm.s32 @!p0 $0x5  }
0xe0: {  	_ =	swait.ge @!p0 [sflag:s0], s1  }
0xe1: {  	s1 =	ssub.s32 @!p0 $0x0, s1;
	[sflag:s0] =	ssyncset.done @!p0 $0x0  }
0xe2: {  	[sflag:s0] =	ssyncadd.s32 @!p0 s1  }
0xe3: {  	[bflag:$0x3] =	sbarrier.arrive $0xFFFF  }
0xe4: {  	_ =	shalt  }

// kernel: kernel.7.cloned.1.call-start
scs
__scs_entry_jumppad:
0x0: {  	(pc) =	sbr.rel $0x88, $3  }
0x1: {  	(tag) =	ssettag $0x0;
	lr =	simm.s32 $0x1  }
0x2: {  	[smem:$0x3F99] =	sst lr;
	_ =	strace $0xD0000000  }
0x3: {  	_ = 	snop  }
0x4: {  	_ = 	snop  }
0x5: {  	_ = 	snop  }
0x6: {  	_ = 	snop  }
0x7: {  	_ = 	snop  }
__scs_overlays_trampoline_lowered:
0x8: {  	[smem:$0x3FA8] =	sst s0  }
0x9: {  	[smem:$0x3FA9] =	sst s1  }
0xa: {  	[smem:$0x3FAA] =	sst s2  }
0xb: {  	[smem:$0x3FAB] =	sst s3  }
0xc: {  	[smem:$0x3FAC] =	sst s4  }
0xd: {  	[smem:$0x3FAD] =	sst s5  }
0xe: {  	[smem:$0x3FAE] =	sst s6  }
0xf: {  	[smem:$0x3FAF] =	sst s7  }
0x10: {  	[smem:$0x3FB0] =	sst s8  }
0x11: {  	[smem:$0x3FB1] =	sst s9;
	s0 =	simm.s32 @!p0 $0x0  }
0x12: {  	s1 =	sld [smem:$0x3F97];
	s0 =	simm.s32 @p0 $0x1  }
0x13: {  	[smem:$0x3FB2] =	sst s0;
	s0 =	simm.s32 @!p1 $0x0  }
0x14: {  	s2 =	sld [smem:$0x3F96];
	s0 =	simm.s32 @p1 $0x1  }
0x15: {  	[smem:$0x3FB3] =	sst s0;
	s0 =	simm.s32 @!p2 $0x0  }
0x16: {  	s3 =	sld [smem:$0x3FDB];
	s0 =	simm.s32 @p2 $0x1  }
0x17: {  	s4 =	simm.s32 $0x1BF5;
	[smem:$0x3FB5] =	sst s0  }
0x18: {  	s0 =	sld [smem:$0x3F98];
	_ =	swait.ge [sflag:s4], $0x0  }
0x19: {  	s7 =	sld [smem:$0x3F99]  }
0x1a: {  	s8 =	sadd.s32 $0xFFFFE003, lr  }
0x1b: {  	s9 =	sadd.s32 $0xFFFFFEF7, lr;
	s5 =	simm.s32 $0xFFFFFFFF;
	p2 =	slt.u32 s8, $0xFFFFF086  }
0x1c: {  	p1 =	slt.u32 s9, $0xF7A;
	s5 =	simm.s32 @!p2 $0x0  }
0x1d: {  	s5 =	simm.s32 @p1 $0x1;
	p0 =	seq.s32 s7, s2  }
0x1e: {  	s7 =	smul.u32 @!p0 $0xF7A, s2;
	p2 =	seq.s32 @!p0 s5, $0x0  }
0x1f: {  	s9 =	smul.u32 $0xF7A, s1;
	s8 =	simm.s32 @!p0 $0x1BF5;
	p2 =	por !p2, p0  }
0x20: {  	[sflag:s8] =	ssyncset.s32 @!p0 $0xFFFFF086;
	s6 =	sadd.s32 @!p0 s3, s7;
	s7 =	simm.s32 @!p0 $0x108  }
0x21: {  	s3 =	sadd.s32 s3, s9;
	s6 =	sadd.s32 @!p0 $0x88, s6;
	s7 =	simm.s32 @p2 $0x1082  }
0x22: {  	[simem:s7], [sflag:s8] =	dma.local @!p0 [hbm:s6], $0xF7A  }
0x23: {  	s9 =	sor.u32 $0xD0000000, s2;
	s6 =	simm.s32 $0x108;
	_ =	swait.ge @!p0 [sflag:s8], $0x0  }
0x24: {  	s3 =	sadd.s32 $0x88, s3;
	s6 =	simm.s32 @!p1 $0x1082;
	[sflag:s4] =	ssyncset.s32 $0xFFFFF086  }
0x25: {  	[simem:s6], [sflag:s4] =	dma.local [hbm:s3], $0xF7A  }
0x26: {  	[smem:$0x3F99] =	sst s1;
	(tag) =	ssettag s2;
	_ =	strace s9  }
0x27: {  	s1 =	sld [smem:$0x3FA9]  }
0x28: {  	s2 =	sld [smem:$0x3FAA]  }
0x29: {  	s4 =	sld [smem:$0x3FAC]  }
0x2a: {  	p0 =	seq.s32 s5, $0x0;
	s5 =	sld [smem:$0x3FAD]  }
0x2b: {  	s6 =	sld [smem:$0x3FAE]  }
0x2c: {  	s7 =	sld [smem:$0x3FAF]  }
0x2d: {  	s3 =	simm.s32 $0x108;
	s8 =	sld [smem:$0x3FB0]  }
0x2e: {  	s3 =	simm.s32 @!p0 $0x1082;
	s9 =	sld [smem:$0x3FB1]  }
0x2f: {  	lr =	sadd.s32 s0, s3;
	s0 =	sld [smem:$0x3FA8]  }
0x30: {  	s3 =	sld [smem:$0x3FAB]  }
0x31: {  	[smem:$0x3FB4] =	sst s10  }
0x32: {  	s10 =	sld [smem:$0x3FB2];
	_ =	sdelay $0x3  }
0x33: {  	p0 =	seq.s32 s10, $0x1;
	s10 =	sld [smem:$0x3FB4];
	_ =	sdelay $0x3  }
0x34: {  	[smem:$0x3FB4] =	sst s10  }
0x35: {  	s10 =	sld [smem:$0x3FB3];
	_ =	sdelay $0x3  }
0x36: {  	p1 =	seq.s32 s10, $0x1;
	s10 =	sld [smem:$0x3FB4];
	_ =	sdelay $0x3  }
0x37: {  	[smem:$0x3FB4] =	sst s10  }
0x38: {  	s10 =	sld [smem:$0x3FB5]  }
0x39: {  	_ = 	snop;
	(pc) =	sbr.ind lr, $3  }
0x3a: {  	_ = 	snop  }
0x3b: {  	_ = 	snop  }
0x3c: {  	p2 =	seq.s32 s10, $0x1;
	s10 =	sld [smem:$0x3FB4]  }
0x3d: {  	_ =	shalt  }
0x3e: {  	_ =	shalt  }
0x3f: {  	_ =	shalt  }
0x40: {  	_ =	shalt  }
0x41: {  	_ =	shalt  }
0x42: {  	_ =	shalt  }
0x43: {  	_ =	shalt  }
0x44: {  	_ =	shalt  }
0x45: {  	_ =	shalt  }
0x46: {  	_ =	shalt  }
0x47: {  	_ =	shalt  }
0x48: {  	_ =	shalt  }
0x49: {  	_ =	shalt  }
0x4a: {  	_ =	shalt  }
0x4b: {  	_ =	shalt  }
0x4c: {  	_ =	shalt  }
0x4d: {  	_ =	shalt  }
0x4e: {  	_ =	shalt  }
0x4f: {  	_ =	shalt  }
0x50: {  	_ =	shalt  }
0x51: {  	_ =	shalt  }
0x52: {  	_ =	shalt  }
0x53: {  	_ =	shalt  }
0x54: {  	_ =	shalt  }
0x55: {  	_ =	shalt  }
0x56: {  	_ =	shalt  }
0x57: {  	_ =	shalt  }
0x58: {  	_ =	shalt  }
0x59: {  	_ =	shalt  }
0x5a: {  	_ =	shalt  }
0x5b: {  	_ =	shalt  }
0x5c: {  	_ =	shalt  }
0x5d: {  	_ =	shalt  }
0x5e: {  	_ =	shalt  }
0x5f: {  	_ =	shalt  }
0x60: {  	_ =	shalt  }
0x61: {  	_ =	shalt  }
0x62: {  	_ =	shalt  }
0x63: {  	_ =	shalt  }
0x64: {  	_ =	shalt  }
0x65: {  	_ =	shalt  }
0x66: {  	_ =	shalt  }
0x67: {  	_ =	shalt  }
0x68: {  	_ =	shalt  }
0x69: {  	_ =	shalt  }
0x6a: {  	_ =	shalt  }
0x6b: {  	_ =	shalt  }
0x6c: {  	_ =	shalt  }
0x6d: {  	_ =	shalt  }
0x6e: {  	_ =	shalt  }
0x6f: {  	_ =	shalt  }
0x70: {  	_ =	shalt  }
0x71: {  	_ =	shalt  }
0x72: {  	_ =	shalt  }
0x73: {  	_ =	shalt  }
0x74: {  	_ =	shalt  }
0x75: {  	_ =	shalt  }
0x76: {  	_ =	shalt  }
0x77: {  	_ =	shalt  }
0x78: {  	_ =	shalt  }
0x79: {  	_ =	shalt  }
0x7a: {  	_ =	shalt  }
0x7b: {  	_ =	shalt  }
0x7c: {  	_ =	shalt  }
0x7d: {  	_ =	shalt  }
0x7e: {  	_ =	shalt  }
0x7f: {  	_ =	shalt  }
0x80: {  	_ =	shalt  }
0x81: {  	_ =	shalt  }
0x82: {  	_ =	shalt  }
0x83: {  	_ =	shalt  }
0x84: {  	_ =	shalt  }
0x85: {  	_ =	shalt  }
0x86: {  	_ =	shalt  }
0x87: {  	_ =	shalt  }
.Lfunc_end0:
.L_simem_size_0:
called_computation_lowered:
.L_overlay_start_0:
0x88: {  	s2 =	sld [smem:$0x3FD9]  }
0x89: {  	s3 =	sld [smem:$0x3FFE];
	_ =	sdelay $0x1  }
0x8a: {  	s1 =	srdreg.scid  }
0x8b: {  	s0 =	sand.u32 $0x1, s1  }
0x8c: {  	s17 =	sshll.u32 s0, $0xA;
	s2 =	sadd.s32 s3, s2  }
0x8d: {  	s2 =	sadd.s32 s2, s17  }
0x8e: {  	[smem:$0x3FC0] =	sst s2  }
0x8f: {  	_ = 	snop  }
0x90: {  	(tm) =	ssettm $0x1  }
0x91: {  	s18 =	sld [smem:$0x3FFB];
	_ =	sdelay $0x3  }
0x92: {  	_ =	strace s18  }
0x93: {  	s2 =	sld [smem:$0x3FFC];
	_ =	sdelay $0x3  }
0x94: {  	_ =	strace s2  }
0x95: {  	s2 =	sld [smem:$0x3FFD];
	_ =	sdelay $0x3  }
0x96: {  	_ =	strace s2  }
0x97: {  	_ =	strace $0x8FFFFFFF  }
0x98: {  	s19 =	sld [smem:$0x3FDB];
	_ =	sdelay $0x1  }
0x99: {  	s20 =	simm.s32 $_scs_section_size  }
0x9a: {  	s4 =	simm.s32 $_size__tile_overlayer_lowered;
	s5 =	simm.s32 $_tile_overlayer_lowered  }
0x9b: {  	s6 =	simm.s32 $0x1BFF;
	s21 =	sshll.u32 s5, $0x1;
	s3 =	sadd.s32 s20, s19  }
0x9c: {  	s22 =	simm.s32 $0x0;
	s4 =	sshll.u32 s4, $0x1;
	s5 =	sadd.s32 s21, s3  }
0x9d: {  	[timem:s22], [sflag:s6] =	dma.local [hbm:s5], s4  }
0x9e: {  	_ =	swait.ge [sflag:s6], s4  }
0x9f: {  	s4 =	ssub.s32 $0x0, s4;
	[sflag:s6] =	ssyncset.done $0x0  }
0xa0: {  	[sflag:s6] =	ssyncadd.s32 s4;
	_ =	sdelay $0x1  }
0xa1: {  	s23 =	simm.s32 $0x1B8B  }
0xa2: {  	_ =	swait.ge [sflag:s23], $0x1  }
0xa3: {  	[sflag:s23] =	ssyncset.done $0x0  }
0xa4: {  	[sflag:s23] =	ssyncadd.s32 $0xFFFFFFFF  }
0xa5: {  	s4 =	sld [smem:$0x0]  }
0xa6: {  	s5 =	sand.u32 $0xFFFFFFFE, s1  }
0xa7: {  	p0 =	sne.s32 s1, s5  }
0xa8: {  	s5 =	sshll.u32 @p0 s5, $0xE  }
0xa9: {  	s5 =	sadd.s32 @p0 $0x11B8D, s5;
	s6 =	sshll.u32 @p0 s4, $0x11  }
0xaa: {  	s5 =	sor.u32 @p0 s6, s5  }
0xab: {  	[sflag:s5] =	ssyncadd.remote.s32 @p0 $0x1;
	_ =	sdelay $0x1  }
0xac: {  	s5 =	simm.s32 @p0 $0x1B8D  }
0xad: {  	_ =	swait.eq @p0 [sflag:s5], $0x1  }
0xae: {  	[sflag:s5] =	ssyncadd.s32 @p0 $0xFFFFFFFF  }
0xaf: {  	s6 =	sshll.u32 @!p0 s1, $0xE  }
0xb0: {  	s6 =	sor.u32 @!p0 $0x4000, s6;
	s5 =	simm.s32 @!p0 $0x1B8D  }
0xb1: {  	s4 =	sshll.u32 @!p0 s4, $0x11;
	s6 =	sadd.s32 @!p0 $0x11B8D, s6;
	_ =	swait.eq @!p0 [sflag:s5], $0x1  }
0xb2: {  	s4 =	sor.u32 @!p0 s4, s6;
	[sflag:s5] =	ssyncadd.s32 @!p0 $0xFFFFFFFF  }
0xb3: {  	s25 =	simm.s32 $0x1B8E;
	s24 =	sld [smem:$0x3FFE];
	[sflag:s4] =	ssyncadd.remote.s32 @!p0 $0x1  }
0xb4: {  	s26 =	simm.s32 $execute0_lowered;
	[smem:$0x3FD2] =	sst s25  }
0xb5: {  	s5 =	sshll.u32 s26, $0x1;
	_ =	strace $0x80000049;
	[dreg:$0x1] =	wrdreg $0xFFFFFFFF  }
0xb6: {  	s28 =	simm.s32 $_size_execute0_lowered;
	s3 =	sadd.s32 s3, s5;
	[dreg:$0x0] =	wrdreg $0x0  }
0xb7: {  	s5 =	sshll.u32 s28, $0x1;
	[dreg:$0x2] =	wrdreg s3  }
0xb8: {  	[dreg:$0x3] =	wrdreg s5  }
0xb9: {  	[dreg:$0x4] =	wrdreg $0xC0  }
0xba: {  	_ =	task [dreg:s22], $0x5FFFF  }
0xbb: {  	[dreg:$0x1] =	wrdreg $0xFFFFFFFF  }
0xbc: {  	[dreg:$0x0] =	wrdreg $0x60  }
0xbd: {  	[dreg:$0x2] =	wrdreg s24  }
0xbe: {  	[dreg:$0x3] =	wrdreg $0x0  }
0xbf: {  	[dreg:$0x4] =	wrdreg $0x9  }
0xc0: {  	_ =	task.clear_ibuf [dreg:s22], $0x5FFFF;
	_ =	strace $0x90000049  }
0xc1: {  	s29 =	simm.s32 $0x9;
	_ =	strace $0x8000004B  }
0xc2: {  	_ =	swait.ge [sflag:s29], $0x1  }
0xc3: {  	[sflag:s29] =	ssyncadd.s32 $0xFFFFFFFF  }
0xc4: {  	_ =	strace $0x9000004B  }
0xc5: {  	_ =	sfence  }
0xc6: {  	s30 =	sld [smem:$0x0];
	_ =	sdelay $0x2  }
0xc7: {  	s31 =	sshll.u32 s1, $0xD;
	s1 =	sshrl.u32 s1, $0x2  }
0xc8: {  	s4 =	sand.u32 $0x4000, s31;
	s1 =	sadd.s32 s1, s30  }
0xc9: {  	s0 =	sor.u32 s4, s0;
	s1 =	sshll.u32 s1, $0x11  }
0xca: {  	s0 =	sor.u32 s1, s0  }
0xcb: {  	s0 =	sadd.s32 $0x8F2B, s0  }
0xcc: {  	[sflag:s0] =	ssyncadd.remote.s32 $0x1  }
0xcd: {  	_ =	sfence.sel $0xFFFF  }
0xce: {  	[dreg:$0x0] =	wrdreg $0xFFFFFFFF;
	(pc) =	sbr.abs _section_cstart, $3  }
0xcf: {  	[dreg:$0x1] =	wrdreg $0xFFFFFFFF  }
0xd0: {  	_ =	task.clear_ibuf [dreg:s22], $0x2FFFF;
	_ =	strace $0x9FFFFFFF  }
0xd1: {  	(tm) =	ssettm $0x7FFFFFFF  }
tec
execute0_lowered:
.L_overlay_start_1:
0x0: {  	(tag) =	ssettag $0x1  }
0x1: {  	s4 =	rddreg [dreg:$0x0]  }
0x2: {  	s2 =	rddreg [dreg:$0x1]  }
0x3: {  	s0 =	srdreg.scid;
	s1 =	rddreg [dreg:$0x2]  }
0x4: {  	s3 =	simm.s32 $0x0;
	s12 =	simm.s32 $0x13C00;
	s5 =	sand.u32 $0x1, s0  }
0x5: {  	s13 =	simm.s32 $0x1;
	s0 =	stileid.u32;
	s6 =	smul.u32 $0x14000, s5  }
0x6: {  	s14 =	simm.s32 $0x15000;
	s15 =	simm.s32 $0x80;
	s7 =	smul.u32 $0x1400, s0  }
0x7: {  	s16 =	simm.s32 $0x19000;
	[smem:$0x7FF] =	sst s3;
	s8 =	smul.u32 $0x2780, s0  }
0x8: {  	s19 =	simm.s32 $0x0;
	s29 =	smul.u32 $0x27800, s5;
	_ =	strace $0x8000004A  }
0x9: {  	s9 =	smul.u32 $0x4F000, s0;
	s5 =	ssub.s32 $0x2, s5;
	s17 =	sshll.u32 s0, $0x6  }
0xa: {  	s30 =	sshrl.u32 s5, $0x1;
	s17 =	sor.u32 $0x1C01, s17;
	s6 =	sadd.s32 s7, s6  }
0xb: {  	s7 =	sadd.s32 s8, s29;
	s31 =	sshrl.u32 s9, $0x2;
	s11 =	ssub.s32 s5, s30  }
0xc: {  	s6 =	sshrl.u32 s6, $0x3;
	s10 =	sadd.s32 s7, s4;
	s5 =	sadd.s32 s31, s2  }
0xd: {  	s11 =	smax.u32 s11, $0x1;
	s6 =	sadd.s32 s6, s4;
	s7 =	sadd.s32 $0x8000, s5  }
0xe: {  	s8 =	sadd.s32 $0xC000, s5;
	s9 =	sadd.s32 $0x10000, s5;
	s10 =	sadd.s32 $0x60000, s10  }
0xf: {  	v0 =	vimm.f32 $0.0e+00;
	v1 =	vimm.f32 $1.000000000e+00;
	s18 =	sshrl.u32 s5, $0x3;
	s4 =	sadd.s32 $0x2000, s6;
	s6 =	sadd.s32 $0x4000, s5  }
.LBB2_1:
0x10: {  	[tilespmem:s12], [sflag:$0x1] =	stream.linear.gather [hbm4b:s4+s3], $0x1400, $0x38;
	[tilespmem:$0x1D000] =	vst v63  }
0x11: {  	_ =	swait.ge [sflag:s13], $0x1400  }
0x12: {  	[sflag:s13] =	ssyncset.done $0x0  }
0x13: {  	s20 =	simm.s32 $0x0;
	s21 =	simm.s32 $0x200;
	[sflag:s13] =	ssyncadd.s32 $0xFFFFEC00  }
.LBB2_2:
0x14: {  	p0 =	sne.s32 s21, $0xFE00;
	[tilespmem:s20+$0x15070] =	vst v0  }
0x15: {  	[tilespmem:s20+$0x15000] =	vst v0  }
0x16: {  	[tilespmem:s20+$0x15010] =	vst v0  }
.Ltmp0:
0x17: {  	[tilespmem:s20+$0x15020] =	vst v0;
	(pc) =	sbr.rel @p0 .LBB2_2-.Ltmp0, $4  }
0x18: {  	[tilespmem:s20+$0x15030] =	vst v0  }
0x19: {  	[tilespmem:s20+$0x15040] =	vst v0  }
0x1a: {  	[tilespmem:s20+$0x15050] =	vst v0  }
0x1b: {  	[tilespmem:s20+$0x15060] =	vst v0;
	s20 =	sshra.s32 s21, $0x2;
	s21 =	sadd.s32 $0x200, s21  }
0x1c: {  	[tilespmem:s20+$0x15070] =	vst v0  }
0x1d: {  	[tilespmem:s20+$0x15000] =	vst v0  }
0x1e: {  	[tilespmem:s20+$0x15010] =	vst v0  }
0x1f: {  	[tilespmem:s20+$0x15020] =	vst v0  }
0x20: {  	[tilespmem:s20+$0x15030] =	vst v0  }
0x21: {  	[tilespmem:s20+$0x15040] =	vst v0  }
0x22: {  	[tilespmem:s20+$0x15050] =	vst v0  }
0x23: {  	[tilespmem:s20+$0x15060] =	vst v0;
	s20 =	simm.s32 $0x0;
	s21 =	simm.s32 $0x200  }
.LBB2_4:
0x24: {  	p0 =	sne.s32 s21, $0xFE00;
	[tilespmem:s20+$0x19070] =	vst v1  }
0x25: {  	[tilespmem:s20+$0x19000] =	vst v1  }
0x26: {  	[tilespmem:s20+$0x19010] =	vst v1  }
.Ltmp1:
0x27: {  	[tilespmem:s20+$0x19020] =	vst v1;
	(pc) =	sbr.rel @p0 .LBB2_4-.Ltmp1, $4  }
0x28: {  	[tilespmem:s20+$0x19030] =	vst v1  }
0x29: {  	[tilespmem:s20+$0x19040] =	vst v1  }
0x2a: {  	[tilespmem:s20+$0x19050] =	vst v1  }
0x2b: {  	[tilespmem:s20+$0x19060] =	vst v1;
	s20 =	sshra.s32 s21, $0x2;
	s21 =	sadd.s32 $0x200, s21  }
0x2c: {  	[tilespmem:s20+$0x19070] =	vst v1  }
0x2d: {  	[tilespmem:s20+$0x19000] =	vst v1  }
0x2e: {  	[tilespmem:s20+$0x19010] =	vst v1  }
0x2f: {  	[tilespmem:s20+$0x19020] =	vst v1  }
0x30: {  	[tilespmem:s20+$0x19030] =	vst v1  }
0x31: {  	[tilespmem:s20+$0x19040] =	vst v1  }
0x32: {  	[tilespmem:s20+$0x19050] =	vst v1  }
0x33: {  	[tilespmem:s20+$0x19060] =	vst v1  }
0x34: {  	[spmem:s5] =	stream.linear.scatter [tilespmem:s14], [sflag:$0x1], $0x4000, $0x38;
	[tilespmem:$0x1D000] =	vst v63  }
0x35: {  	_ =	swait.ge [sflag:s13], $0x4000  }
0x36: {  	[sflag:s13] =	ssyncset.done $0x0  }
0x37: {  	[sflag:s13] =	ssyncadd.s32 $0xFFFFC000  }
0x38: {  	[spmem:s6] =	stream.linear.scatter [tilespmem:s14], [sflag:$0x1], $0x4000, $0x38;
	[tilespmem:$0x1D000] =	vst v63  }
0x39: {  	_ =	swait.ge [sflag:s13], $0x4000  }
0x3a: {  	[sflag:s13] =	ssyncset.done $0x0  }
0x3b: {  	[sflag:s13] =	ssyncadd.s32 $0xFFFFC000  }
0x3c: {  	[spmem:s7] =	stream.linear.scatter [tilespmem:s14], [sflag:$0x1], $0x4000, $0x38;
	[tilespmem:$0x1D000] =	vst v63  }
0x3d: {  	_ =	swait.ge [sflag:s13], $0x4000  }
0x3e: {  	[sflag:s13] =	ssyncset.done $0x0  }
0x3f: {  	[sflag:s13] =	ssyncadd.s32 $0xFFFFC000  }
0x40: {  	[spmem:s8] =	stream.linear.scatter [tilespmem:s14], [sflag:$0x1], $0x4000, $0x38;
	[tilespmem:$0x1D000] =	vst v63  }
0x41: {  	_ =	swait.ge [sflag:s13], $0x4000  }
0x42: {  	[sflag:s13] =	ssyncset.done $0x0  }
0x43: {  	[sflag:s13] =	ssyncadd.s32 $0xFFFFC000  }
0x44: {  	[spmem:s9] =	stream.linear.scatter [tilespmem:s14], [sflag:$0x1], $0x3C00, $0x38;
	[tilespmem:$0x1D000] =	vst v63  }
0x45: {  	_ =	swait.ge [sflag:s13], $0x3C00  }
0x46: {  	[sflag:s13] =	ssyncset.done $0x0  }
0x47: {  	[sflag:s13] =	ssyncadd.s32 $0xFFFFC400  }
0x48: {  	s31 =	simm.s32 $0x13C00;
	[bflag:$0x0] =	sbarrier.arrive $0xFFFF  }
0x49: {  	[spmem:s2] =	stream.indirect.scatter.add.f32 [tilespmem:s16], [sflag:$0x1], $0x80, s31, s15, $0xb8;
	[tilespmem:$0x1D000] =	vst v63  }
0x4a: {  	s20 =	simm.s32 $0x200;
	_ =	swait.ge [sflag:s13], $0x4000  }
.LBB2_6:
0x4b: {  	s21 =	sshra.s32 s20, $0x2;
	[sflag:s13] =	ssyncset.done $0x0;
	p0 =	sne.s32 s20, $0x4E00  }
.Ltmp2:
0x4c: {  	s21 =	sadd.s32 $0x13C00, s21;
	[sflag:s13] =	ssyncadd.s32 $0xFFFFC000;
	(pc) =	sbr.rel @p0 .LBB2_6-.Ltmp2, $3  }
0x4d: {  	[spmem:s2] =	stream.indirect.scatter.add.f32 [tilespmem:s16], [sflag:$0x1], $0x80, s21, s15, $0xb8;
	[tilespmem:$0x1D000] =	vst v63  }
0x4e: {  	s20 =	sadd.s32 $0x200, s20;
	_ =	sdelay $0x1  }
0x4f: {  	_ =	swait.ge [sflag:s13], $0x4000  }
0x50: {  	[sflag:s13] =	ssyncset.done $0x0;
	s19 =	sadd.s32 $0x1, s19  }
0x51: {  	[sflag:s13] =	ssyncadd.s32 $0xFFFFC000;
	p0 =	sne.s32 s19, s11  }
.Ltmp3:
0x52: {  	[bflag:$0x0] =	sbarrier.arrive $0xFFFF;
	(pc) =	sbr.rel @p0 .LBB2_1-.Ltmp3, $4  }
0x53: {  	[hbm:s10], [sflag:s17] =	dma.local [spmem:s18], $0x2780  }
0x54: {  	_ =	swait.ge [sflag:s13], $0x2780  }
0x55: {  	[sflag:s13] =	ssyncset.done $0x0  }
0x56: {  	[sflag:s13] =	ssyncadd.s32 $0xFFFFD880  }
0x57: {  	_ =	sfence.sel $0x180000  }
0x58: {  	[bflag:$0x0] =	sbarrier.arrive $0xFFFF  }
0x59: {  	p0 =	sne.s32 s0, $0x0;
	_ =	strace $0x9000004A  }
0x5a: {  	s0 =	sadd.s32 @!p0 $0x100000, s1;
	[bflag:$0x2] =	sbarrier.arrive $0xFFFF  }
0x5b: {  	[sflag:s0] =	ssyncadd.tile.s32 @!p0 $0x1;
	_ =	shalt  }
.Lfunc_end2:
_tile_overlayer_lowered:
.L_overlay_start_2:
0x5c: {  	(tag) =	ssettag $0x2  }
0x5d: {  	s0 =	rddreg [dreg:$0x0];
	s2 =	stileid.u32  }
0x5e: {  	s1 =	rddreg [dreg:$0x1];
	p0 =	sne.s32 s2, $0x0  }
0x5f: {  	s3 =	rddreg [dreg:$0x2];
	[bflag:$0x3] =	sbarrier.arrive $0xFFFF;
	s2 =	simm.s32 @!p0 $0x1C01  }
0x60: {  	[timem:s3], [sflag:s2] =	dma.local @!p0 [hbm:s0], s1  }
0x61: {  	s0 =	simm.s32 @!p0 $0x1  }
0x62: {  	_ =	swait.ge @!p0 [sflag:s0], s1  }
0x63: {  	s1 =	ssub.s32 @!p0 $0x0, s1;
	[sflag:s0] =	ssyncset.done @!p0 $0x0  }
0x64: {  	[sflag:s0] =	ssyncadd.s32 @!p0 s1  }
0x65: {  	[bflag:$0x3] =	sbarrier.arrive $0xFFFF  }
0x66: {  	_ =	shalt  }

</sc_bundles>
